<compile_context>
chip_gen: v7x
topology: tpu7x:2x2x1
jax: 0.10.2.dev20260603
libtpu: 0.0.44.dev20260713+nightly
codegen_flags: <defaults>
</compile_context>

<pallas_src>
import functools

import jax
import jax.numpy as jnp
from jax import lax
from jax.experimental import pallas as pl
from jax.experimental.pallas import tpu as pltpu
from jax.experimental.pallas import tpu_sc as plsc

N = 10000
E = 320000
D = 128
KT = 2
NLAYERS = 2

NC = 2
NS = 16
NW = NC * NS
CH = 128
NCHUNK = 79
EPADN = NW * NCHUNK * CH - E
NPAD = 10240
RPT = NPAD // NS

BN = 1000
NB = N // BN

_sc_mesh = plsc.VectorSubcoreMesh(
    core_axis_name="c", subcore_axis_name="s", num_cores=NC, num_subcores=NS
)


def _mm_body(x_ref, w_ref, o_ref):
    o_ref[...] = jnp.dot(x_ref[...], w_ref[0], preferred_element_type=jnp.float32)


def _project(x, Wt):
    return pl.pallas_call(
        _mm_body,
        grid=(KT, NB),
        in_specs=[
            pl.BlockSpec((BN, D), lambda k, i: (i, 0)),
            pl.BlockSpec((1, D, D), lambda k, i: (k, 0, 0)),
        ],
        out_specs=pl.BlockSpec((BN, D), lambda k, i: (k * NB + i, 0)),
        out_shape=jax.ShapeDtypeStruct((KT * N, D), jnp.float32),
    )(x, Wt)


@functools.partial(
    pl.kernel,
    out_type=jax.ShapeDtypeStruct((NC, NPAD, D), jnp.float32),
    mesh=_sc_mesh,
    scratch_types=[
        pltpu.VMEM((2, CH), jnp.int32),
        pltpu.VMEM((2, CH), jnp.int32),
        pltpu.VMEM((2, CH), jnp.int32),
        pltpu.VMEM((2, CH), jnp.int32),
        pltpu.VMEM((CH, D), jnp.float32),
        pltpu.VMEM((CH, D), jnp.float32),
        pltpu.VMEM((64, D), jnp.float32),
        pltpu.VMEM_SHARED((NPAD, D), jnp.float32),
        pltpu.SemaphoreType.DMA,
        pltpu.SemaphoreType.DMA,
        pltpu.SemaphoreType.DMA,
        pltpu.SemaphoreType.DMA,
        pltpu.SemaphoreType.DMA,
        pltpu.SemaphoreType.DMA,
        pltpu.SemaphoreType.DMA,
        pltpu.SemaphoreType.DMA,
        pltpu.SemaphoreType.DMA,
    ],
)
def _sc_edge(h_hbm, eidx_hbm, zer_hbm, out_hbm,
             ib0, ib1, ib2, ib3, rows0, rows1, zbuf, acc_sh,
             isem0, isem1, isem2, isem3, gsem0, gsem1, ssem0, ssem1, zsem):
    cid = lax.axis_index("c")
    sid = lax.axis_index("s")
    wid = cid * NS + sid
    my_eidx = eidx_hbm.at[wid]
    ib = (ib0, ib1, ib2, ib3)
    rows = (rows0, rows1)
    isem = (isem0, isem1, isem2, isem3)
    gsem = (gsem0, gsem1)
    ssem = (ssem0, ssem1)

    pltpu.sync_copy(my_eidx.at[0], ib0)
    pltpu.async_copy(my_eidx.at[1], ib1, isem1)
    pltpu.async_copy(h_hbm.at[ib0.at[0]], rows0, gsem0)

    pltpu.sync_copy(zer_hbm, zbuf)
    for p in range(RPT // 64):
        pltpu.async_copy(zbuf, acc_sh.at[pl.ds(sid * RPT + p * 64, 64)], zsem)
    for p in range(RPT // 64):
        pltpu.make_async_copy(zbuf, acc_sh.at[pl.ds(sid * RPT + p * 64, 64)],
                              zsem).wait()
    plsc.subcore_barrier()

    def step(c, a, i):
        b = (a + 1) % 2

        @pl.when(c + 1 < NCHUNK)
        def _fire_gather():
            pltpu.make_async_copy(my_eidx.at[c + 1], ib[(i + 1) % 4],
                                  isem[(i + 1) % 4]).wait()

            @pl.when(c >= 1)
            def _rows_free():
                pltpu.make_async_copy(rows[b], acc_sh.at[ib[0].at[1]],
                                      ssem[b]).wait()

            pltpu.async_copy(h_hbm.at[ib[(i + 1) % 4].at[0]], rows[b], gsem[b])

        pltpu.make_async_copy(h_hbm.at[ib[i].at[0]], rows[a], gsem[a]).wait()
        pltpu.async_copy(rows[a], acc_sh.at[ib[i].at[1]], ssem[a], add=True)

        @pl.when(c + 2 < NCHUNK)
        def _prefetch_idx():
            pltpu.async_copy(my_eidx.at[c + 2], ib[(i + 2) % 4],
                             isem[(i + 2) % 4])

    def body(c, carry):
        for k in range(4):
            @pl.when(c % 4 == k)
            def _(k=k):
                step(c, k % 2, k)
        return carry

    lax.fori_loop(0, NCHUNK, body, 0)
    pltpu.make_async_copy(rows0, acc_sh.at[ib0.at[1]], ssem0).wait()
    pltpu.make_async_copy(rows1, acc_sh.at[ib1.at[1]], ssem1).wait()
    plsc.subcore_barrier()

    pltpu.sync_copy(acc_sh.at[pl.ds(sid * RPT, RPT)],
                    out_hbm.at[cid].at[pl.ds(sid * RPT, RPT)])


def _comb_body(x_ref, p_ref, o_ref):
    s = p_ref[0] + p_ref[1]
    y = x_ref[...] + jnp.maximum(s, 0.0)
    nrm = jnp.sqrt(jnp.sum(y * y, axis=1, keepdims=True))
    o_ref[...] = y / jnp.maximum(nrm, 1e-12)


def _combine(x, part):
    return pl.pallas_call(
        _comb_body,
        grid=(NB,),
        in_specs=[
            pl.BlockSpec((BN, D), lambda i: (i, 0)),
            pl.BlockSpec((NC, BN, D), lambda i: (0, i, 0)),
        ],
        out_specs=pl.BlockSpec((BN, D), lambda i: (i, 0)),
        out_shape=jax.ShapeDtypeStruct((N, D), jnp.float32),
    )(x, part)


def _cp_body(x_ref, p_ref, w_ref, x1_ref, h_ref):
    s = p_ref[0] + p_ref[1]
    y = x_ref[...] + jnp.maximum(s, 0.0)
    nrm = jnp.sqrt(jnp.sum(y * y, axis=1, keepdims=True))
    x1 = y / jnp.maximum(nrm, 1e-12)
    x1_ref[...] = x1
    h_ref[...] = jnp.dot(x1, w_ref[0], preferred_element_type=jnp.float32)


def _combine_project(x, part, Wt):
    return pl.pallas_call(
        _cp_body,
        grid=(KT, NB),
        in_specs=[
            pl.BlockSpec((BN, D), lambda k, i: (i, 0)),
            pl.BlockSpec((NC, BN, D), lambda k, i: (0, i, 0)),
            pl.BlockSpec((1, D, D), lambda k, i: (k, 0, 0)),
        ],
        out_specs=[
            pl.BlockSpec((BN, D), lambda k, i: (i, 0)),
            pl.BlockSpec((BN, D), lambda k, i: (k * NB + i, 0)),
        ],
        out_shape=[
            jax.ShapeDtypeStruct((N, D), jnp.float32),
            jax.ShapeDtypeStruct((KT * N, D), jnp.float32),
        ],
    )(x, part, Wt)


def kernel(x, edge_index, edge_attr, W):
    src = edge_index[0]
    dst = edge_index[1]
    gidx = (edge_attr - 1) * N + src
    ppt = EPADN // NW
    pad_g = jnp.broadcast_to(
        (jnp.arange(ppt, dtype=jnp.int32) * 128) % (KT * N), (NW, ppt)
    )
    pad_d = jnp.broadcast_to(
        N + (jnp.arange(ppt, dtype=jnp.int32) % (NPAD - N)), (NW, ppt)
    )
    gidxp = jnp.concatenate([gidx.reshape(NW, E // NW), pad_g], axis=1)
    dstp = jnp.concatenate([dst.reshape(NW, E // NW), pad_d], axis=1)
    eidx = jnp.stack(
        [gidxp.reshape(NW, NCHUNK, CH), dstp.reshape(NW, NCHUNK, CH)], axis=2
    )
    zer = jnp.zeros((64, D), jnp.float32)
    h = _project(x, W[0])
    part = _sc_edge(h, eidx, zer)
    x, h = _combine_project(x, part, W[1])
    part = _sc_edge(h, eidx, zer)
    return _combine(x, part)

# --- scband reference (transcript-rebuilt; emitter-appended) ---
"""Pipeline reference for scband-sp-gnnstage-53609781789202 (READ-ONLY COPY).

The authoritative reference and input builder live on the scoring server;
editing this copy changes nothing except your own understanding.
"""

import jax, jax.numpy as jnp
import numpy as np

NUM_NODES = 10000
NUM_EDGES = 320000
DIM = 128
NUM_LAYERS = 2
ALPHA = 2  # min(num_layers, cfg.k_max), k_max assumed >= num_layers


def setup_inputs(seed: int = 0) -> dict:
    key = jax.random.key(seed)
    k1, k2, k3, k4 = jax.random.split(key, 4)
    x = jax.random.normal(k1, (NUM_NODES, DIM), dtype=jnp.float32)
    edge_index = jax.random.randint(k2, (2, NUM_EDGES), 0, NUM_NODES, dtype=jnp.int32)
    # hop-type labels k in {1..ALPHA}
    edge_attr = jax.random.randint(k3, (NUM_EDGES,), 1, ALPHA + 1, dtype=jnp.int32)
    # W[t][k-1]: one linear per (layer, hop-type); dim_in == dim_out for residual
    W = jax.random.normal(k4, (NUM_LAYERS, ALPHA, DIM, DIM), dtype=jnp.float32) * 0.05
    return {"x": x, "edge_index": edge_index, "edge_attr": edge_attr, "W": W}


def reference(x, edge_index, edge_attr, W):
    # SP-GCN stage: x_{t+1} = l2norm(x_t + relu(sum_k S_k (x_t W_{t,k})))
    src = edge_index[0]
    dst = edge_index[1]
    for t in range(NUM_LAYERS):
        x_in = x
        acc = jnp.zeros_like(x_in)
        for k in range(1, ALPHA + 1):
            mask = (edge_attr == k).astype(x_in.dtype)  # select edges of hop-type k
            h = x_in @ W[t, k - 1]
            msg = jnp.take(h, src, axis=0) * mask[:, None]
            agg = jnp.zeros_like(x_in).at[dst].add(msg)  # scatter-add aggregation
            acc = acc + agg
        x = x_in + jax.nn.relu(acc)
        # F.normalize(x, p=2, dim=-1)
        nrm = jnp.linalg.norm(x, axis=-1, keepdims=True)
        x = x / jnp.clip(nrm, 1e-12)
    return x

if __name__ == "__main__":
    import jax
    _d = setup_inputs()
    print(jax.jit(kernel)(*tuple(_d.values())))

</pallas_src>

<mosaic_0001>
#map = affine_map<(d0, d1) -> (0, 0)>
#map1 = affine_map<(d0, d1) -> (0, 0, 0, 0)>
#map2 = affine_map<(d0, d1) -> (0, 0, 0)>
module attributes {stable_mosaic.version = 14 : i64} {
  func.func @_sc_edge(%arg0: i32, %arg1: i32, %arg2: memref<20000x128xf32, #tpu.memory_space<hbm>>, %arg3: memref<32x79x2x128xi32, #tpu.memory_space<hbm>>, %arg4: memref<64x128xf32, #tpu.memory_space<hbm>>, %arg5: memref<2x10240x128xf32, #tpu.memory_space<hbm>>, %arg6: memref<2x128xi32, #tpu.memory_space<vmem>>, %arg7: memref<2x128xi32, #tpu.memory_space<vmem>>, %arg8: memref<2x128xi32, #tpu.memory_space<vmem>>, %arg9: memref<2x128xi32, #tpu.memory_space<vmem>>, %arg10: memref<128x128xf32, #tpu.memory_space<vmem>>, %arg11: memref<128x128xf32, #tpu.memory_space<vmem>>, %arg12: memref<64x128xf32, #tpu.memory_space<vmem>>, %arg13: memref<10240x128xf32, #tpu.memory_space<vmem_shared>>, %arg14: memref<!tpu.dma_semaphore, #tpu.memory_space<semaphore_mem>>, %arg15: memref<!tpu.dma_semaphore, #tpu.memory_space<semaphore_mem>>, %arg16: memref<!tpu.dma_semaphore, #tpu.memory_space<semaphore_mem>>, %arg17: memref<!tpu.dma_semaphore, #tpu.memory_space<semaphore_mem>>, %arg18: memref<!tpu.dma_semaphore, #tpu.memory_space<semaphore_mem>>, %arg19: memref<!tpu.dma_semaphore, #tpu.memory_space<semaphore_mem>>, %arg20: memref<!tpu.dma_semaphore, #tpu.memory_space<semaphore_mem>>, %arg21: memref<!tpu.dma_semaphore, #tpu.memory_space<semaphore_mem>>, %arg22: memref<!tpu.dma_semaphore, #tpu.memory_space<semaphore_mem>>) attributes {dimension_semantics = [#tpu.dimension_semantics<core_parallel>, #tpu.dimension_semantics<subcore_parallel>], iteration_bounds = array<i64: 2, 16>, scalar_prefetch = 0 : i64, scratch_operands = 17 : i64, tpu.core_type = #tpu.core_type<sc_vector_subcore>, window_params = [{transform_indices = #map}, {transform_indices = #map1}, {transform_indices = #map}, {transform_indices = #map2}]} {
    %mul3A = arith.constant 16 : i32
    %mul3A_0 = arith.muli %arg0, %mul3A : i32
    %add3A = arith.addi %mul3A_0, %arg1 : i32
    %run_scoped3A = arith.constant 0 : i32
    "tpu.region"() ({
      %run_scoped3A_209 = tpu.sem_alloc : memref<!tpu.dma_semaphore, #tpu.memory_space<semaphore_mem>>
      %dma_start3A_210 = arith.constant 0 : i32
      %dma_start3A_211 = arith.constant 0 : i32
      %dma_start3A_212 = arith.constant 0 : i32
      %dma_start3A_213 = tpu.memref_slice %arg3[%add3A, %dma_start3A_210, %dma_start3A_211, %dma_start3A_212] : memref<32x79x2x128xi32, #tpu.memory_space<hbm>> -> memref<1x79x2x128xi32, #tpu.memory_space<hbm>>
      %dma_start3A_214 = tpu.memref_squeeze %dma_start3A_213 : memref<1x79x2x128xi32, #tpu.memory_space<hbm>> -> memref<79x2x128xi32, #tpu.memory_space<hbm>>
      %dma_start3A_215 = arith.constant 0 : i32
      %dma_start3A_216 = arith.constant 0 : i32
      %dma_start3A_217 = tpu.memref_slice %dma_start3A_214[%run_scoped3A, %dma_start3A_215, %dma_start3A_216] : memref<79x2x128xi32, #tpu.memory_space<hbm>> -> memref<1x2x128xi32, #tpu.memory_space<hbm>>
      %dma_start3A_218 = tpu.memref_squeeze %dma_start3A_217 : memref<1x2x128xi32, #tpu.memory_space<hbm>> -> memref<2x128xi32, #tpu.memory_space<hbm>>
      %dma_start3A_219 = arith.constant 0 : i32
      %dma_start3A_220 = arith.constant 0 : i32
      %dma_start3A_221 = arith.constant 0 : i32
      %dma_start3A_222 = tpu.memref_slice %arg3[%add3A, %dma_start3A_219, %dma_start3A_220, %dma_start3A_221] : memref<32x79x2x128xi32, #tpu.memory_space<hbm>> -> memref<1x79x2x128xi32, #tpu.memory_space<hbm>>
      %dma_start3A_223 = tpu.memref_squeeze %dma_start3A_222 : memref<1x79x2x128xi32, #tpu.memory_space<hbm>> -> memref<79x2x128xi32, #tpu.memory_space<hbm>>
      %dma_start3A_224 = arith.constant 0 : i32
      %dma_start3A_225 = arith.constant 0 : i32
      %dma_start3A_226 = tpu.memref_slice %dma_start3A_223[%run_scoped3A, %dma_start3A_224, %dma_start3A_225] : memref<79x2x128xi32, #tpu.memory_space<hbm>> -> memref<1x2x128xi32, #tpu.memory_space<hbm>>
      %dma_start3A_227 = tpu.memref_squeeze %dma_start3A_226 : memref<1x2x128xi32, #tpu.memory_space<hbm>> -> memref<2x128xi32, #tpu.memory_space<hbm>>
      tpu.enqueue_dma source(%dma_start3A_227 : memref<2x128xi32, #tpu.memory_space<hbm>>) target(%arg6 : memref<2x128xi32, #tpu.memory_space<vmem>>) target_semaphore(%run_scoped3A_209 : memref<!tpu.dma_semaphore, #tpu.memory_space<semaphore_mem>>)
      %dma_wait3A_228 = arith.constant 0 : i32
      %dma_wait3A_229 = arith.constant 0 : i32
      %dma_wait3A_230 = arith.constant 0 : i32
      %dma_wait3A_231 = tpu.memref_slice %arg3[%add3A, %dma_wait3A_228, %dma_wait3A_229, %dma_wait3A_230] : memref<32x79x2x128xi32, #tpu.memory_space<hbm>> -> memref<1x79x2x128xi32, #tpu.memory_space<hbm>>
      %dma_wait3A_232 = tpu.memref_squeeze %dma_wait3A_231 : memref<1x79x2x128xi32, #tpu.memory_space<hbm>> -> memref<79x2x128xi32, #tpu.memory_space<hbm>>
      %dma_wait3A_233 = arith.constant 0 : i32
      %dma_wait3A_234 = arith.constant 0 : i32
      %dma_wait3A_235 = tpu.memref_slice %dma_wait3A_232[%run_scoped3A, %dma_wait3A_233, %dma_wait3A_234] : memref<79x2x128xi32, #tpu.memory_space<hbm>> -> memref<1x2x128xi32, #tpu.memory_space<hbm>>
      %dma_wait3A_236 = tpu.memref_squeeze %dma_wait3A_235 : memref<1x2x128xi32, #tpu.memory_space<hbm>> -> memref<2x128xi32, #tpu.memory_space<hbm>>
      %dma_wait3A_237 = arith.constant 0 : i32
      %dma_wait3A_238 = arith.constant 0 : i32
      %dma_wait3A_239 = arith.constant 0 : i32
      %dma_wait3A_240 = tpu.memref_slice %arg3[%add3A, %dma_wait3A_237, %dma_wait3A_238, %dma_wait3A_239] : memref<32x79x2x128xi32, #tpu.memory_space<hbm>> -> memref<1x79x2x128xi32, #tpu.memory_space<hbm>>
      %dma_wait3A_241 = tpu.memref_squeeze %dma_wait3A_240 : memref<1x79x2x128xi32, #tpu.memory_space<hbm>> -> memref<79x2x128xi32, #tpu.memory_space<hbm>>
      %dma_wait3A_242 = arith.constant 0 : i32
      %dma_wait3A_243 = arith.constant 0 : i32
      %dma_wait3A_244 = tpu.memref_slice %dma_wait3A_241[%run_scoped3A, %dma_wait3A_242, %dma_wait3A_243] : memref<79x2x128xi32, #tpu.memory_space<hbm>> -> memref<1x2x128xi32, #tpu.memory_space<hbm>>
      %dma_wait3A_245 = tpu.memref_squeeze %dma_wait3A_244 : memref<1x2x128xi32, #tpu.memory_space<hbm>> -> memref<2x128xi32, #tpu.memory_space<hbm>>
      tpu.wait_dma2 semaphore(%run_scoped3A_209 : memref<!tpu.dma_semaphore, #tpu.memory_space<semaphore_mem>>) src(%dma_wait3A_245 : memref<2x128xi32, #tpu.memory_space<hbm>>) dst(%arg6 : memref<2x128xi32, #tpu.memory_space<vmem>>)
      tpu.yield
    }) : () -> ()
    %dma_start3A = arith.constant 1 : i32
    %dma_start3A_1 = arith.constant 0 : i32
    %dma_start3A_2 = arith.constant 0 : i32
    %dma_start3A_3 = arith.constant 0 : i32
    %dma_start3A_4 = tpu.memref_slice %arg3[%add3A, %dma_start3A_1, %dma_start3A_2, %dma_start3A_3] : memref<32x79x2x128xi32, #tpu.memory_space<hbm>> -> memref<1x79x2x128xi32, #tpu.memory_space<hbm>>
    %dma_start3A_5 = tpu.memref_squeeze %dma_start3A_4 : memref<1x79x2x128xi32, #tpu.memory_space<hbm>> -> memref<79x2x128xi32, #tpu.memory_space<hbm>>
    %dma_start3A_6 = arith.constant 0 : i32
    %dma_start3A_7 = arith.constant 0 : i32
    %dma_start3A_8 = tpu.memref_slice %dma_start3A_5[%dma_start3A, %dma_start3A_6, %dma_start3A_7] : memref<79x2x128xi32, #tpu.memory_space<hbm>> -> memref<1x2x128xi32, #tpu.memory_space<hbm>>
    %dma_start3A_9 = tpu.memref_squeeze %dma_start3A_8 : memref<1x2x128xi32, #tpu.memory_space<hbm>> -> memref<2x128xi32, #tpu.memory_space<hbm>>
    %dma_start3A_10 = arith.constant 0 : i32
    %dma_start3A_11 = arith.constant 0 : i32
    %dma_start3A_12 = arith.constant 0 : i32
    %dma_start3A_13 = tpu.memref_slice %arg3[%add3A, %dma_start3A_10, %dma_start3A_11, %dma_start3A_12] : memref<32x79x2x128xi32, #tpu.memory_space<hbm>> -> memref<1x79x2x128xi32, #tpu.memory_space<hbm>>
    %dma_start3A_14 = tpu.memref_squeeze %dma_start3A_13 : memref<1x79x2x128xi32, #tpu.memory_space<hbm>> -> memref<79x2x128xi32, #tpu.memory_space<hbm>>
    %dma_start3A_15 = arith.constant 0 : i32
    %dma_start3A_16 = arith.constant 0 : i32
    %dma_start3A_17 = tpu.memref_slice %dma_start3A_14[%dma_start3A, %dma_start3A_15, %dma_start3A_16] : memref<79x2x128xi32, #tpu.memory_space<hbm>> -> memref<1x2x128xi32, #tpu.memory_space<hbm>>
    %dma_start3A_18 = tpu.memref_squeeze %dma_start3A_17 : memref<1x2x128xi32, #tpu.memory_space<hbm>> -> memref<2x128xi32, #tpu.memory_space<hbm>>
    tpu.enqueue_dma source(%dma_start3A_18 : memref<2x128xi32, #tpu.memory_space<hbm>>) target(%arg7 : memref<2x128xi32, #tpu.memory_space<vmem>>) target_semaphore(%arg15 : memref<!tpu.dma_semaphore, #tpu.memory_space<semaphore_mem>>)
    %dma_start3A_19 = arith.constant 0 : i32
    %dma_start3A_20 = arith.constant 0 : i32
    %dma_start3A_21 = tpu.memref_slice %arg6[%dma_start3A_19, %dma_start3A_20] : memref<2x128xi32, #tpu.memory_space<vmem>> -> memref<1x128xi32, #tpu.memory_space<vmem>>
    %dma_start3A_22 = tpu.memref_squeeze %dma_start3A_21 : memref<1x128xi32, #tpu.memory_space<vmem>> -> memref<128xi32, #tpu.memory_space<vmem>>
    %dma_start3A_23 = arith.constant 0 : i32
    %dma_start3A_24 = arith.constant 0 : i32
    %dma_start3A_25 = tpu.memref_slice %arg2[%dma_start3A_23, %dma_start3A_24] : memref<20000x128xf32, #tpu.memory_space<hbm>> -> memref<20000x128xf32, #tpu.memory_space<hbm>>
    tpu.enqueue_indirect_dma source(%dma_start3A_25 : memref<20000x128xf32, #tpu.memory_space<hbm>>) target(%arg10 : memref<128x128xf32, #tpu.memory_space<vmem>>) offsets(%dma_start3A_22 : memref<128xi32, #tpu.memory_space<vmem>>) semaphore(%arg18 : memref<!tpu.dma_semaphore, #tpu.memory_space<semaphore_mem>>)
    "tpu.region"() ({
      %run_scoped3A_209 = tpu.sem_alloc : memref<!tpu.dma_semaphore, #tpu.memory_space<semaphore_mem>>
      tpu.enqueue_dma source(%arg4 : memref<64x128xf32, #tpu.memory_space<hbm>>) target(%arg12 : memref<64x128xf32, #tpu.memory_space<vmem>>) target_semaphore(%run_scoped3A_209 : memref<!tpu.dma_semaphore, #tpu.memory_space<semaphore_mem>>)
      tpu.wait_dma2 semaphore(%run_scoped3A_209 : memref<!tpu.dma_semaphore, #tpu.memory_space<semaphore_mem>>) src(%arg4 : memref<64x128xf32, #tpu.memory_space<hbm>>) dst(%arg12 : memref<64x128xf32, #tpu.memory_space<vmem>>)
      tpu.yield
    }) : () -> ()
    %mul3A_26 = arith.constant 640 : i32
    %mul3A_27 = arith.muli %arg1, %mul3A_26 : i32
    %add3A_28 = arith.constant 0 : i32
    %add3A_29 = arith.addi %mul3A_27, %add3A_28 : i32
    %dma_start3A_30 = arith.constant 0 : i32
    %dma_start3A_31 = tpu.memref_slice %arg13[%add3A_29, %dma_start3A_30] : memref<10240x128xf32, #tpu.memory_space<vmem_shared>> -> memref<64x128xf32, #tpu.memory_space<vmem_shared>>
    %dma_start3A_32 = arith.constant 0 : i32
    %dma_start3A_33 = tpu.memref_slice %arg13[%add3A_29, %dma_start3A_32] : memref<10240x128xf32, #tpu.memory_space<vmem_shared>> -> memref<64x128xf32, #tpu.memory_space<vmem_shared>>
    tpu.enqueue_dma source(%arg12 : memref<64x128xf32, #tpu.memory_space<vmem>>) target(%dma_start3A_33 : memref<64x128xf32, #tpu.memory_space<vmem_shared>>) target_semaphore(%arg22 : memref<!tpu.dma_semaphore, #tpu.memory_space<semaphore_mem>>)
    %mul3A_34 = arith.constant 640 : i32
    %mul3A_35 = arith.muli %arg1, %mul3A_34 : i32
    %add3A_36 = arith.constant 64 : i32
    %add3A_37 = arith.addi %mul3A_35, %add3A_36 : i32
    %dma_start3A_38 = arith.constant 0 : i32
    %dma_start3A_39 = tpu.memref_slice %arg13[%add3A_37, %dma_start3A_38] : memref<10240x128xf32, #tpu.memory_space<vmem_shared>> -> memref<64x128xf32, #tpu.memory_space<vmem_shared>>
    %dma_start3A_40 = arith.constant 0 : i32
    %dma_start3A_41 = tpu.memref_slice %arg13[%add3A_37, %dma_start3A_40] : memref<10240x128xf32, #tpu.memory_space<vmem_shared>> -> memref<64x128xf32, #tpu.memory_space<vmem_shared>>
    tpu.enqueue_dma source(%arg12 : memref<64x128xf32, #tpu.memory_space<vmem>>) target(%dma_start3A_41 : memref<64x128xf32, #tpu.memory_space<vmem_shared>>) target_semaphore(%arg22 : memref<!tpu.dma_semaphore, #tpu.memory_space<semaphore_mem>>)
    %mul3A_42 = arith.constant 640 : i32
    %mul3A_43 = arith.muli %arg1, %mul3A_42 : i32
    %add3A_44 = arith.constant 128 : i32
    %add3A_45 = arith.addi %mul3A_43, %add3A_44 : i32
    %dma_start3A_46 = arith.constant 0 : i32
    %dma_start3A_47 = tpu.memref_slice %arg13[%add3A_45, %dma_start3A_46] : memref<10240x128xf32, #tpu.memory_space<vmem_shared>> -> memref<64x128xf32, #tpu.memory_space<vmem_shared>>
    %dma_start3A_48 = arith.constant 0 : i32
    %dma_start3A_49 = tpu.memref_slice %arg13[%add3A_45, %dma_start3A_48] : memref<10240x128xf32, #tpu.memory_space<vmem_shared>> -> memref<64x128xf32, #tpu.memory_space<vmem_shared>>
    tpu.enqueue_dma source(%arg12 : memref<64x128xf32, #tpu.memory_space<vmem>>) target(%dma_start3A_49 : memref<64x128xf32, #tpu.memory_space<vmem_shared>>) target_semaphore(%arg22 : memref<!tpu.dma_semaphore, #tpu.memory_space<semaphore_mem>>)
    %mul3A_50 = arith.constant 640 : i32
    %mul3A_51 = arith.muli %arg1, %mul3A_50 : i32
    %add3A_52 = arith.constant 192 : i32
    %add3A_53 = arith.addi %mul3A_51, %add3A_52 : i32
    %dma_start3A_54 = arith.constant 0 : i32
    %dma_start3A_55 = tpu.memref_slice %arg13[%add3A_53, %dma_start3A_54] : memref<10240x128xf32, #tpu.memory_space<vmem_shared>> -> memref<64x128xf32, #tpu.memory_space<vmem_shared>>
    %dma_start3A_56 = arith.constant 0 : i32
    %dma_start3A_57 = tpu.memref_slice %arg13[%add3A_53, %dma_start3A_56] : memref<10240x128xf32, #tpu.memory_space<vmem_shared>> -> memref<64x128xf32, #tpu.memory_space<vmem_shared>>
    tpu.enqueue_dma source(%arg12 : memref<64x128xf32, #tpu.memory_space<vmem>>) target(%dma_start3A_57 : memref<64x128xf32, #tpu.memory_space<vmem_shared>>) target_semaphore(%arg22 : memref<!tpu.dma_semaphore, #tpu.memory_space<semaphore_mem>>)
    %mul3A_58 = arith.constant 640 : i32
    %mul3A_59 = arith.muli %arg1, %mul3A_58 : i32
    %add3A_60 = arith.constant 256 : i32
    %add3A_61 = arith.addi %mul3A_59, %add3A_60 : i32
    %dma_start3A_62 = arith.constant 0 : i32
    %dma_start3A_63 = tpu.memref_slice %arg13[%add3A_61, %dma_start3A_62] : memref<10240x128xf32, #tpu.memory_space<vmem_shared>> -> memref<64x128xf32, #tpu.memory_space<vmem_shared>>
    %dma_start3A_64 = arith.constant 0 : i32
    %dma_start3A_65 = tpu.memref_slice %arg13[%add3A_61, %dma_start3A_64] : memref<10240x128xf32, #tpu.memory_space<vmem_shared>> -> memref<64x128xf32, #tpu.memory_space<vmem_shared>>
    tpu.enqueue_dma source(%arg12 : memref<64x128xf32, #tpu.memory_space<vmem>>) target(%dma_start3A_65 : memref<64x128xf32, #tpu.memory_space<vmem_shared>>) target_semaphore(%arg22 : memref<!tpu.dma_semaphore, #tpu.memory_space<semaphore_mem>>)
    %mul3A_66 = arith.constant 640 : i32
    %mul3A_67 = arith.muli %arg1, %mul3A_66 : i32
    %add3A_68 = arith.constant 320 : i32
    %add3A_69 = arith.addi %mul3A_67, %add3A_68 : i32
    %dma_start3A_70 = arith.constant 0 : i32
    %dma_start3A_71 = tpu.memref_slice %arg13[%add3A_69, %dma_start3A_70] : memref<10240x128xf32, #tpu.memory_space<vmem_shared>> -> memref<64x128xf32, #tpu.memory_space<vmem_shared>>
    %dma_start3A_72 = arith.constant 0 : i32
    %dma_start3A_73 = tpu.memref_slice %arg13[%add3A_69, %dma_start3A_72] : memref<10240x128xf32, #tpu.memory_space<vmem_shared>> -> memref<64x128xf32, #tpu.memory_space<vmem_shared>>
    tpu.enqueue_dma source(%arg12 : memref<64x128xf32, #tpu.memory_space<vmem>>) target(%dma_start3A_73 : memref<64x128xf32, #tpu.memory_space<vmem_shared>>) target_semaphore(%arg22 : memref<!tpu.dma_semaphore, #tpu.memory_space<semaphore_mem>>)
    %mul3A_74 = arith.constant 640 : i32
    %mul3A_75 = arith.muli %arg1, %mul3A_74 : i32
    %add3A_76 = arith.constant 384 : i32
    %add3A_77 = arith.addi %mul3A_75, %add3A_76 : i32
    %dma_start3A_78 = arith.constant 0 : i32
    %dma_start3A_79 = tpu.memref_slice %arg13[%add3A_77, %dma_start3A_78] : memref<10240x128xf32, #tpu.memory_space<vmem_shared>> -> memref<64x128xf32, #tpu.memory_space<vmem_shared>>
    %dma_start3A_80 = arith.constant 0 : i32
    %dma_start3A_81 = tpu.memref_slice %arg13[%add3A_77, %dma_start3A_80] : memref<10240x128xf32, #tpu.memory_space<vmem_shared>> -> memref<64x128xf32, #tpu.memory_space<vmem_shared>>
    tpu.enqueue_dma source(%arg12 : memref<64x128xf32, #tpu.memory_space<vmem>>) target(%dma_start3A_81 : memref<64x128xf32, #tpu.memory_space<vmem_shared>>) target_semaphore(%arg22 : memref<!tpu.dma_semaphore, #tpu.memory_space<semaphore_mem>>)
    %mul3A_82 = arith.constant 640 : i32
    %mul3A_83 = arith.muli %arg1, %mul3A_82 : i32
    %add3A_84 = arith.constant 448 : i32
    %add3A_85 = arith.addi %mul3A_83, %add3A_84 : i32
    %dma_start3A_86 = arith.constant 0 : i32
    %dma_start3A_87 = tpu.memref_slice %arg13[%add3A_85, %dma_start3A_86] : memref<10240x128xf32, #tpu.memory_space<vmem_shared>> -> memref<64x128xf32, #tpu.memory_space<vmem_shared>>
    %dma_start3A_88 = arith.constant 0 : i32
    %dma_start3A_89 = tpu.memref_slice %arg13[%add3A_85, %dma_start3A_88] : memref<10240x128xf32, #tpu.memory_space<vmem_shared>> -> memref<64x128xf32, #tpu.memory_space<vmem_shared>>
    tpu.enqueue_dma source(%arg12 : memref<64x128xf32, #tpu.memory_space<vmem>>) target(%dma_start3A_89 : memref<64x128xf32, #tpu.memory_space<vmem_shared>>) target_semaphore(%arg22 : memref<!tpu.dma_semaphore, #tpu.memory_space<semaphore_mem>>)
    %mul3A_90 = arith.constant 640 : i32
    %mul3A_91 = arith.muli %arg1, %mul3A_90 : i32
    %add3A_92 = arith.constant 512 : i32
    %add3A_93 = arith.addi %mul3A_91, %add3A_92 : i32
    %dma_start3A_94 = arith.constant 0 : i32
    %dma_start3A_95 = tpu.memref_slice %arg13[%add3A_93, %dma_start3A_94] : memref<10240x128xf32, #tpu.memory_space<vmem_shared>> -> memref<64x128xf32, #tpu.memory_space<vmem_shared>>
    %dma_start3A_96 = arith.constant 0 : i32
    %dma_start3A_97 = tpu.memref_slice %arg13[%add3A_93, %dma_start3A_96] : memref<10240x128xf32, #tpu.memory_space<vmem_shared>> -> memref<64x128xf32, #tpu.memory_space<vmem_shared>>
    tpu.enqueue_dma source(%arg12 : memref<64x128xf32, #tpu.memory_space<vmem>>) target(%dma_start3A_97 : memref<64x128xf32, #tpu.memory_space<vmem_shared>>) target_semaphore(%arg22 : memref<!tpu.dma_semaphore, #tpu.memory_space<semaphore_mem>>)
    %mul3A_98 = arith.constant 640 : i32
    %mul3A_99 = arith.muli %arg1, %mul3A_98 : i32
    %add3A_100 = arith.constant 576 : i32
    %add3A_101 = arith.addi %mul3A_99, %add3A_100 : i32
    %dma_start3A_102 = arith.constant 0 : i32
    %dma_start3A_103 = tpu.memref_slice %arg13[%add3A_101, %dma_start3A_102] : memref<10240x128xf32, #tpu.memory_space<vmem_shared>> -> memref<64x128xf32, #tpu.memory_space<vmem_shared>>
    %dma_start3A_104 = arith.constant 0 : i32
    %dma_start3A_105 = tpu.memref_slice %arg13[%add3A_101, %dma_start3A_104] : memref<10240x128xf32, #tpu.memory_space<vmem_shared>> -> memref<64x128xf32, #tpu.memory_space<vmem_shared>>
    tpu.enqueue_dma source(%arg12 : memref<64x128xf32, #tpu.memory_space<vmem>>) target(%dma_start3A_105 : memref<64x128xf32, #tpu.memory_space<vmem_shared>>) target_semaphore(%arg22 : memref<!tpu.dma_semaphore, #tpu.memory_space<semaphore_mem>>)
    %mul3A_106 = arith.constant 640 : i32
    %mul3A_107 = arith.muli %arg1, %mul3A_106 : i32
    %add3A_108 = arith.constant 0 : i32
    %add3A_109 = arith.addi %mul3A_107, %add3A_108 : i32
    %dma_wait3A = arith.constant 0 : i32
    %dma_wait3A_110 = tpu.memref_slice %arg13[%add3A_109, %dma_wait3A] : memref<10240x128xf32, #tpu.memory_space<vmem_shared>> -> memref<64x128xf32, #tpu.memory_space<vmem_shared>>
    %dma_wait3A_111 = arith.constant 0 : i32
    %dma_wait3A_112 = tpu.memref_slice %arg13[%add3A_109, %dma_wait3A_111] : memref<10240x128xf32, #tpu.memory_space<vmem_shared>> -> memref<64x128xf32, #tpu.memory_space<vmem_shared>>
    tpu.wait_dma2 semaphore(%arg22 : memref<!tpu.dma_semaphore, #tpu.memory_space<semaphore_mem>>) src(%arg12 : memref<64x128xf32, #tpu.memory_space<vmem>>) dst(%dma_wait3A_112 : memref<64x128xf32, #tpu.memory_space<vmem_shared>>)
    %mul3A_113 = arith.constant 640 : i32
    %mul3A_114 = arith.muli %arg1, %mul3A_113 : i32
    %add3A_115 = arith.constant 64 : i32
    %add3A_116 = arith.addi %mul3A_114, %add3A_115 : i32
    %dma_wait3A_117 = arith.constant 0 : i32
    %dma_wait3A_118 = tpu.memref_slice %arg13[%add3A_116, %dma_wait3A_117] : memref<10240x128xf32, #tpu.memory_space<vmem_shared>> -> memref<64x128xf32, #tpu.memory_space<vmem_shared>>
    %dma_wait3A_119 = arith.constant 0 : i32
    %dma_wait3A_120 = tpu.memref_slice %arg13[%add3A_116, %dma_wait3A_119] : memref<10240x128xf32, #tpu.memory_space<vmem_shared>> -> memref<64x128xf32, #tpu.memory_space<vmem_shared>>
    tpu.wait_dma2 semaphore(%arg22 : memref<!tpu.dma_semaphore, #tpu.memory_space<semaphore_mem>>) src(%arg12 : memref<64x128xf32, #tpu.memory_space<vmem>>) dst(%dma_wait3A_120 : memref<64x128xf32, #tpu.memory_space<vmem_shared>>)
    %mul3A_121 = arith.constant 640 : i32
    %mul3A_122 = arith.muli %arg1, %mul3A_121 : i32
    %add3A_123 = arith.constant 128 : i32
    %add3A_124 = arith.addi %mul3A_122, %add3A_123 : i32
    %dma_wait3A_125 = arith.constant 0 : i32
    %dma_wait3A_126 = tpu.memref_slice %arg13[%add3A_124, %dma_wait3A_125] : memref<10240x128xf32, #tpu.memory_space<vmem_shared>> -> memref<64x128xf32, #tpu.memory_space<vmem_shared>>
    %dma_wait3A_127 = arith.constant 0 : i32
    %dma_wait3A_128 = tpu.memref_slice %arg13[%add3A_124, %dma_wait3A_127] : memref<10240x128xf32, #tpu.memory_space<vmem_shared>> -> memref<64x128xf32, #tpu.memory_space<vmem_shared>>
    tpu.wait_dma2 semaphore(%arg22 : memref<!tpu.dma_semaphore, #tpu.memory_space<semaphore_mem>>) src(%arg12 : memref<64x128xf32, #tpu.memory_space<vmem>>) dst(%dma_wait3A_128 : memref<64x128xf32, #tpu.memory_space<vmem_shared>>)
    %mul3A_129 = arith.constant 640 : i32
    %mul3A_130 = arith.muli %arg1, %mul3A_129 : i32
    %add3A_131 = arith.constant 192 : i32
    %add3A_132 = arith.addi %mul3A_130, %add3A_131 : i32
    %dma_wait3A_133 = arith.constant 0 : i32
    %dma_wait3A_134 = tpu.memref_slice %arg13[%add3A_132, %dma_wait3A_133] : memref<10240x128xf32, #tpu.memory_space<vmem_shared>> -> memref<64x128xf32, #tpu.memory_space<vmem_shared>>
    %dma_wait3A_135 = arith.constant 0 : i32
    %dma_wait3A_136 = tpu.memref_slice %arg13[%add3A_132, %dma_wait3A_135] : memref<10240x128xf32, #tpu.memory_space<vmem_shared>> -> memref<64x128xf32, #tpu.memory_space<vmem_shared>>
    tpu.wait_dma2 semaphore(%arg22 : memref<!tpu.dma_semaphore, #tpu.memory_space<semaphore_mem>>) src(%arg12 : memref<64x128xf32, #tpu.memory_space<vmem>>) dst(%dma_wait3A_136 : memref<64x128xf32, #tpu.memory_space<vmem_shared>>)
    %mul3A_137 = arith.constant 640 : i32
    %mul3A_138 = arith.muli %arg1, %mul3A_137 : i32
    %add3A_139 = arith.constant 256 : i32
    %add3A_140 = arith.addi %mul3A_138, %add3A_139 : i32
    %dma_wait3A_141 = arith.constant 0 : i32
    %dma_wait3A_142 = tpu.memref_slice %arg13[%add3A_140, %dma_wait3A_141] : memref<10240x128xf32, #tpu.memory_space<vmem_shared>> -> memref<64x128xf32, #tpu.memory_space<vmem_shared>>
    %dma_wait3A_143 = arith.constant 0 : i32
    %dma_wait3A_144 = tpu.memref_slice %arg13[%add3A_140, %dma_wait3A_143] : memref<10240x128xf32, #tpu.memory_space<vmem_shared>> -> memref<64x128xf32, #tpu.memory_space<vmem_shared>>
    tpu.wait_dma2 semaphore(%arg22 : memref<!tpu.dma_semaphore, #tpu.memory_space<semaphore_mem>>) src(%arg12 : memref<64x128xf32, #tpu.memory_space<vmem>>) dst(%dma_wait3A_144 : memref<64x128xf32, #tpu.memory_space<vmem_shared>>)
    %mul3A_145 = arith.constant 640 : i32
    %mul3A_146 = arith.muli %arg1, %mul3A_145 : i32
    %add3A_147 = arith.constant 320 : i32
    %add3A_148 = arith.addi %mul3A_146, %add3A_147 : i32
    %dma_wait3A_149 = arith.constant 0 : i32
    %dma_wait3A_150 = tpu.memref_slice %arg13[%add3A_148, %dma_wait3A_149] : memref<10240x128xf32, #tpu.memory_space<vmem_shared>> -> memref<64x128xf32, #tpu.memory_space<vmem_shared>>
    %dma_wait3A_151 = arith.constant 0 : i32
    %dma_wait3A_152 = tpu.memref_slice %arg13[%add3A_148, %dma_wait3A_151] : memref<10240x128xf32, #tpu.memory_space<vmem_shared>> -> memref<64x128xf32, #tpu.memory_space<vmem_shared>>
    tpu.wait_dma2 semaphore(%arg22 : memref<!tpu.dma_semaphore, #tpu.memory_space<semaphore_mem>>) src(%arg12 : memref<64x128xf32, #tpu.memory_space<vmem>>) dst(%dma_wait3A_152 : memref<64x128xf32, #tpu.memory_space<vmem_shared>>)
    %mul3A_153 = arith.constant 640 : i32
    %mul3A_154 = arith.muli %arg1, %mul3A_153 : i32
    %add3A_155 = arith.constant 384 : i32
    %add3A_156 = arith.addi %mul3A_154, %add3A_155 : i32
    %dma_wait3A_157 = arith.constant 0 : i32
    %dma_wait3A_158 = tpu.memref_slice %arg13[%add3A_156, %dma_wait3A_157] : memref<10240x128xf32, #tpu.memory_space<vmem_shared>> -> memref<64x128xf32, #tpu.memory_space<vmem_shared>>
    %dma_wait3A_159 = arith.constant 0 : i32
    %dma_wait3A_160 = tpu.memref_slice %arg13[%add3A_156, %dma_wait3A_159] : memref<10240x128xf32, #tpu.memory_space<vmem_shared>> -> memref<64x128xf32, #tpu.memory_space<vmem_shared>>
    tpu.wait_dma2 semaphore(%arg22 : memref<!tpu.dma_semaphore, #tpu.memory_space<semaphore_mem>>) src(%arg12 : memref<64x128xf32, #tpu.memory_space<vmem>>) dst(%dma_wait3A_160 : memref<64x128xf32, #tpu.memory_space<vmem_shared>>)
    %mul3A_161 = arith.constant 640 : i32
    %mul3A_162 = arith.muli %arg1, %mul3A_161 : i32
    %add3A_163 = arith.constant 448 : i32
    %add3A_164 = arith.addi %mul3A_162, %add3A_163 : i32
    %dma_wait3A_165 = arith.constant 0 : i32
    %dma_wait3A_166 = tpu.memref_slice %arg13[%add3A_164, %dma_wait3A_165] : memref<10240x128xf32, #tpu.memory_space<vmem_shared>> -> memref<64x128xf32, #tpu.memory_space<vmem_shared>>
    %dma_wait3A_167 = arith.constant 0 : i32
    %dma_wait3A_168 = tpu.memref_slice %arg13[%add3A_164, %dma_wait3A_167] : memref<10240x128xf32, #tpu.memory_space<vmem_shared>> -> memref<64x128xf32, #tpu.memory_space<vmem_shared>>
    tpu.wait_dma2 semaphore(%arg22 : memref<!tpu.dma_semaphore, #tpu.memory_space<semaphore_mem>>) src(%arg12 : memref<64x128xf32, #tpu.memory_space<vmem>>) dst(%dma_wait3A_168 : memref<64x128xf32, #tpu.memory_space<vmem_shared>>)
    %mul3A_169 = arith.constant 640 : i32
    %mul3A_170 = arith.muli %arg1, %mul3A_169 : i32
    %add3A_171 = arith.constant 512 : i32
    %add3A_172 = arith.addi %mul3A_170, %add3A_171 : i32
    %dma_wait3A_173 = arith.constant 0 : i32
    %dma_wait3A_174 = tpu.memref_slice %arg13[%add3A_172, %dma_wait3A_173] : memref<10240x128xf32, #tpu.memory_space<vmem_shared>> -> memref<64x128xf32, #tpu.memory_space<vmem_shared>>
    %dma_wait3A_175 = arith.constant 0 : i32
    %dma_wait3A_176 = tpu.memref_slice %arg13[%add3A_172, %dma_wait3A_175] : memref<10240x128xf32, #tpu.memory_space<vmem_shared>> -> memref<64x128xf32, #tpu.memory_space<vmem_shared>>
    tpu.wait_dma2 semaphore(%arg22 : memref<!tpu.dma_semaphore, #tpu.memory_space<semaphore_mem>>) src(%arg12 : memref<64x128xf32, #tpu.memory_space<vmem>>) dst(%dma_wait3A_176 : memref<64x128xf32, #tpu.memory_space<vmem_shared>>)
    %mul3A_177 = arith.constant 640 : i32
    %mul3A_178 = arith.muli %arg1, %mul3A_177 : i32
    %add3A_179 = arith.constant 576 : i32
    %add3A_180 = arith.addi %mul3A_178, %add3A_179 : i32
    %dma_wait3A_181 = arith.constant 0 : i32
    %dma_wait3A_182 = tpu.memref_slice %arg13[%add3A_180, %dma_wait3A_181] : memref<10240x128xf32, #tpu.memory_space<vmem_shared>> -> memref<64x128xf32, #tpu.memory_space<vmem_shared>>
    %dma_wait3A_183 = arith.constant 0 : i32
    %dma_wait3A_184 = tpu.memref_slice %arg13[%add3A_180, %dma_wait3A_183] : memref<10240x128xf32, #tpu.memory_space<vmem_shared>> -> memref<64x128xf32, #tpu.memory_space<vmem_shared>>
    tpu.wait_dma2 semaphore(%arg22 : memref<!tpu.dma_semaphore, #tpu.memory_space<semaphore_mem>>) src(%arg12 : memref<64x128xf32, #tpu.memory_space<vmem>>) dst(%dma_wait3A_184 : memref<64x128xf32, #tpu.memory_space<vmem_shared>>)
    %barrier3A = arith.constant 0 : index
    tpu.barrier barrier_id(%barrier3A)
    %scan3A = arith.constant 0 : i32
    %scan3A_185 = arith.constant 0 : i32
    %scan3A_186 = arith.constant 79 : i32
    %scan3A_187 = arith.addi %scan3A_185, %scan3A_186 : i32
    %scan3A_188 = arith.constant 1 : i32
    scf.for %scan3A_209 = %scan3A_185 to %scan3A_187 step %scan3A_188  : i32 {
      %jit3A = arith.constant 4 : i32
      %eq3A = arith.constant 0 : i32
      %eq3A_210 = arith.cmpi eq, %jit3A, %eq3A : i32
      %jit3A_211 = arith.constant 1 : i32
      %select_n3A = arith.select %eq3A_210, %jit3A_211, %jit3A : i32
      %rem3A = arith.remsi %scan3A_209, %select_n3A : i32
      %ne3A = arith.constant 0 : i32
      %ne3A_212 = arith.cmpi ne, %rem3A, %ne3A : i32
      %lt3A = arith.constant 0 : i32
      %lt3A_213 = arith.cmpi slt, %rem3A, %lt3A : i32
      %lt3A_214 = arith.constant 0 : i32
      %lt3A_215 = arith.cmpi slt, %select_n3A, %lt3A_214 : i32
      %ne3A_216 = arith.xori %lt3A_213, %lt3A_215 : i1
      %and3A = arith.andi %ne3A_216, %ne3A_212 : i1
      %add3A_217 = arith.addi %rem3A, %select_n3A : i32
      %select_n3A_218 = arith.select %and3A, %add3A_217, %rem3A : i32
      %eq3A_219 = arith.constant 0 : i32
      %eq3A_220 = arith.cmpi eq, %select_n3A_218, %eq3A_219 : i32
      %convert_element_type3A = arith.extui %eq3A_220 : i1 to i32
      %cond3A = arith.constant 0 : i32
      %cond3A_221 = arith.cmpi ne, %convert_element_type3A, %cond3A : i32
      scf.if %cond3A_221 {
        %add3A_285 = arith.constant 1 : i32
        %add3A_286 = arith.addi %scan3A_209, %add3A_285 : i32
        %lt3A_287 = arith.constant 79 : i32
        %lt3A_288 = arith.cmpi slt, %add3A_286, %lt3A_287 : i32
        %convert_element_type3A_289 = arith.extui %lt3A_288 : i1 to i32
        %cond3A_290 = arith.constant 0 : i32
        %cond3A_291 = arith.cmpi ne, %convert_element_type3A_289, %cond3A_290 : i32
        scf.if %cond3A_291 {
          %add3A_313 = arith.constant 1 : i32
          %add3A_314 = arith.addi %scan3A_209, %add3A_313 : i32
          %dma_wait3A_315 = arith.constant 0 : i32
          %dma_wait3A_316 = arith.constant 0 : i32
          %dma_wait3A_317 = arith.constant 0 : i32
          %dma_wait3A_318 = tpu.memref_slice %arg3[%add3A, %dma_wait3A_315, %dma_wait3A_316, %dma_wait3A_317] : memref<32x79x2x128xi32, #tpu.memory_space<hbm>> -> memref<1x79x2x128xi32, #tpu.memory_space<hbm>>
          %dma_wait3A_319 = tpu.memref_squeeze %dma_wait3A_318 : memref<1x79x2x128xi32, #tpu.memory_space<hbm>> -> memref<79x2x128xi32, #tpu.memory_space<hbm>>
          %dma_wait3A_320 = arith.constant 0 : i32
          %dma_wait3A_321 = arith.constant 0 : i32
          %dma_wait3A_322 = tpu.memref_slice %dma_wait3A_319[%add3A_314, %dma_wait3A_320, %dma_wait3A_321] : memref<79x2x128xi32, #tpu.memory_space<hbm>> -> memref<1x2x128xi32, #tpu.memory_space<hbm>>
          %dma_wait3A_323 = tpu.memref_squeeze %dma_wait3A_322 : memref<1x2x128xi32, #tpu.memory_space<hbm>> -> memref<2x128xi32, #tpu.memory_space<hbm>>
          %dma_wait3A_324 = arith.constant 0 : i32
          %dma_wait3A_325 = arith.constant 0 : i32
          %dma_wait3A_326 = arith.constant 0 : i32
          %dma_wait3A_327 = tpu.memref_slice %arg3[%add3A, %dma_wait3A_324, %dma_wait3A_325, %dma_wait3A_326] : memref<32x79x2x128xi32, #tpu.memory_space<hbm>> -> memref<1x79x2x128xi32, #tpu.memory_space<hbm>>
          %dma_wait3A_328 = tpu.memref_squeeze %dma_wait3A_327 : memref<1x79x2x128xi32, #tpu.memory_space<hbm>> -> memref<79x2x128xi32, #tpu.memory_space<hbm>>
          %dma_wait3A_329 = arith.constant 0 : i32
          %dma_wait3A_330 = arith.constant 0 : i32
          %dma_wait3A_331 = tpu.memref_slice %dma_wait3A_328[%add3A_314, %dma_wait3A_329, %dma_wait3A_330] : memref<79x2x128xi32, #tpu.memory_space<hbm>> -> memref<1x2x128xi32, #tpu.memory_space<hbm>>
          %dma_wait3A_332 = tpu.memref_squeeze %dma_wait3A_331 : memref<1x2x128xi32, #tpu.memory_space<hbm>> -> memref<2x128xi32, #tpu.memory_space<hbm>>
          tpu.wait_dma2 semaphore(%arg15 : memref<!tpu.dma_semaphore, #tpu.memory_space<semaphore_mem>>) src(%dma_wait3A_332 : memref<2x128xi32, #tpu.memory_space<hbm>>) dst(%arg7 : memref<2x128xi32, #tpu.memory_space<vmem>>)
          %ge3A = arith.constant 1 : i32
          %ge3A_333 = arith.cmpi sge, %scan3A_209, %ge3A : i32
          %convert_element_type3A_334 = arith.extui %ge3A_333 : i1 to i32
          %cond3A_335 = arith.constant 0 : i32
          %cond3A_336 = arith.cmpi ne, %convert_element_type3A_334, %cond3A_335 : i32
          scf.if %cond3A_336 {
            %dma_wait3A_344 = arith.constant 1 : i32
            %dma_wait3A_345 = arith.constant 0 : i32
            %dma_wait3A_346 = tpu.memref_slice %arg6[%dma_wait3A_344, %dma_wait3A_345] : memref<2x128xi32, #tpu.memory_space<vmem>> -> memref<1x128xi32, #tpu.memory_space<vmem>>
            %dma_wait3A_347 = tpu.memref_squeeze %dma_wait3A_346 : memref<1x128xi32, #tpu.memory_space<vmem>> -> memref<128xi32, #tpu.memory_space<vmem>>
            %dma_wait3A_348 = arith.constant 0 : i32
            %dma_wait3A_349 = arith.constant 0 : i32
            %dma_wait3A_350 = tpu.memref_slice %arg13[%dma_wait3A_348, %dma_wait3A_349] : memref<10240x128xf32, #tpu.memory_space<vmem_shared>> -> memref<10240x128xf32, #tpu.memory_space<vmem_shared>>
            tpu.wait_indirect_dma semaphore(%arg21 : memref<!tpu.dma_semaphore, #tpu.memory_space<semaphore_mem>>) src(%arg11 : memref<128x128xf32, #tpu.memory_space<vmem>>) dst(%dma_wait3A_350 : memref<10240x128xf32, #tpu.memory_space<vmem_shared>>)
          } else {
          }
          %dma_start3A_337 = arith.constant 0 : i32
          %dma_start3A_338 = arith.constant 0 : i32
          %dma_start3A_339 = tpu.memref_slice %arg7[%dma_start3A_337, %dma_start3A_338] : memref<2x128xi32, #tpu.memory_space<vmem>> -> memref<1x128xi32, #tpu.memory_space<vmem>>
          %dma_start3A_340 = tpu.memref_squeeze %dma_start3A_339 : memref<1x128xi32, #tpu.memory_space<vmem>> -> memref<128xi32, #tpu.memory_space<vmem>>
          %dma_start3A_341 = arith.constant 0 : i32
          %dma_start3A_342 = arith.constant 0 : i32
          %dma_start3A_343 = tpu.memref_slice %arg2[%dma_start3A_341, %dma_start3A_342] : memref<20000x128xf32, #tpu.memory_space<hbm>> -> memref<20000x128xf32, #tpu.memory_space<hbm>>
          tpu.enqueue_indirect_dma source(%dma_start3A_343 : memref<20000x128xf32, #tpu.memory_space<hbm>>) target(%arg11 : memref<128x128xf32, #tpu.memory_space<vmem>>) offsets(%dma_start3A_340 : memref<128xi32, #tpu.memory_space<vmem>>) semaphore(%arg19 : memref<!tpu.dma_semaphore, #tpu.memory_space<semaphore_mem>>)
        } else {
        }
        %dma_wait3A_292 = arith.constant 0 : i32
        %dma_wait3A_293 = arith.constant 0 : i32
        %dma_wait3A_294 = tpu.memref_slice %arg6[%dma_wait3A_292, %dma_wait3A_293] : memref<2x128xi32, #tpu.memory_space<vmem>> -> memref<1x128xi32, #tpu.memory_space<vmem>>
        %dma_wait3A_295 = tpu.memref_squeeze %dma_wait3A_294 : memref<1x128xi32, #tpu.memory_space<vmem>> -> memref<128xi32, #tpu.memory_space<vmem>>
        %dma_wait3A_296 = arith.constant 0 : i32
        %dma_wait3A_297 = arith.constant 0 : i32
        %dma_wait3A_298 = tpu.memref_slice %arg2[%dma_wait3A_296, %dma_wait3A_297] : memref<20000x128xf32, #tpu.memory_space<hbm>> -> memref<20000x128xf32, #tpu.memory_space<hbm>>
        tpu.wait_indirect_dma semaphore(%arg18 : memref<!tpu.dma_semaphore, #tpu.memory_space<semaphore_mem>>) src(%dma_wait3A_298 : memref<20000x128xf32, #tpu.memory_space<hbm>>) dst(%arg10 : memref<128x128xf32, #tpu.memory_space<vmem>>)
        %dma_start3A_299 = arith.constant 1 : i32
        %dma_start3A_300 = arith.constant 0 : i32
        %dma_start3A_301 = tpu.memref_slice %arg6[%dma_start3A_299, %dma_start3A_300] : memref<2x128xi32, #tpu.memory_space<vmem>> -> memref<1x128xi32, #tpu.memory_space<vmem>>
        %dma_start3A_302 = tpu.memref_squeeze %dma_start3A_301 : memref<1x128xi32, #tpu.memory_space<vmem>> -> memref<128xi32, #tpu.memory_space<vmem>>
        %dma_start3A_303 = arith.constant 0 : i32
        %dma_start3A_304 = arith.constant 0 : i32
        %dma_start3A_305 = tpu.memref_slice %arg13[%dma_start3A_303, %dma_start3A_304] : memref<10240x128xf32, #tpu.memory_space<vmem_shared>> -> memref<10240x128xf32, #tpu.memory_space<vmem_shared>>
        tpu.enqueue_indirect_dma source(%arg10 : memref<128x128xf32, #tpu.memory_space<vmem>>) target(%dma_start3A_305 : memref<10240x128xf32, #tpu.memory_space<vmem_shared>>) offsets(%dma_start3A_302 : memref<128xi32, #tpu.memory_space<vmem>>) semaphore(%arg20 : memref<!tpu.dma_semaphore, #tpu.memory_space<semaphore_mem>>) {add = true}
        %add3A_306 = arith.constant 2 : i32
        %add3A_307 = arith.addi %scan3A_209, %add3A_306 : i32
        %lt3A_308 = arith.constant 79 : i32
        %lt3A_309 = arith.cmpi slt, %add3A_307, %lt3A_308 : i32
        %convert_element_type3A_310 = arith.extui %lt3A_309 : i1 to i32
        %cond3A_311 = arith.constant 0 : i32
        %cond3A_312 = arith.cmpi ne, %convert_element_type3A_310, %cond3A_311 : i32
        scf.if %cond3A_312 {
          %add3A_313 = arith.constant 2 : i32
          %add3A_314 = arith.addi %scan3A_209, %add3A_313 : i32
          %dma_start3A_315 = arith.constant 0 : i32
          %dma_start3A_316 = arith.constant 0 : i32
          %dma_start3A_317 = arith.constant 0 : i32
          %dma_start3A_318 = tpu.memref_slice %arg3[%add3A, %dma_start3A_315, %dma_start3A_316, %dma_start3A_317] : memref<32x79x2x128xi32, #tpu.memory_space<hbm>> -> memref<1x79x2x128xi32, #tpu.memory_space<hbm>>
          %dma_start3A_319 = tpu.memref_squeeze %dma_start3A_318 : memref<1x79x2x128xi32, #tpu.memory_space<hbm>> -> memref<79x2x128xi32, #tpu.memory_space<hbm>>
          %dma_start3A_320 = arith.constant 0 : i32
          %dma_start3A_321 = arith.constant 0 : i32
          %dma_start3A_322 = tpu.memref_slice %dma_start3A_319[%add3A_314, %dma_start3A_320, %dma_start3A_321] : memref<79x2x128xi32, #tpu.memory_space<hbm>> -> memref<1x2x128xi32, #tpu.memory_space<hbm>>
          %dma_start3A_323 = tpu.memref_squeeze %dma_start3A_322 : memref<1x2x128xi32, #tpu.memory_space<hbm>> -> memref<2x128xi32, #tpu.memory_space<hbm>>
          %dma_start3A_324 = arith.constant 0 : i32
          %dma_start3A_325 = arith.constant 0 : i32
          %dma_start3A_326 = arith.constant 0 : i32
          %dma_start3A_327 = tpu.memref_slice %arg3[%add3A, %dma_start3A_324, %dma_start3A_325, %dma_start3A_326] : memref<32x79x2x128xi32, #tpu.memory_space<hbm>> -> memref<1x79x2x128xi32, #tpu.memory_space<hbm>>
          %dma_start3A_328 = tpu.memref_squeeze %dma_start3A_327 : memref<1x79x2x128xi32, #tpu.memory_space<hbm>> -> memref<79x2x128xi32, #tpu.memory_space<hbm>>
          %dma_start3A_329 = arith.constant 0 : i32
          %dma_start3A_330 = arith.constant 0 : i32
          %dma_start3A_331 = tpu.memref_slice %dma_start3A_328[%add3A_314, %dma_start3A_329, %dma_start3A_330] : memref<79x2x128xi32, #tpu.memory_space<hbm>> -> memref<1x2x128xi32, #tpu.memory_space<hbm>>
          %dma_start3A_332 = tpu.memref_squeeze %dma_start3A_331 : memref<1x2x128xi32, #tpu.memory_space<hbm>> -> memref<2x128xi32, #tpu.memory_space<hbm>>
          tpu.enqueue_dma source(%dma_start3A_332 : memref<2x128xi32, #tpu.memory_space<hbm>>) target(%arg8 : memref<2x128xi32, #tpu.memory_space<vmem>>) target_semaphore(%arg16 : memref<!tpu.dma_semaphore, #tpu.memory_space<semaphore_mem>>)
        } else {
        }
      } else {
      }
      %jit3A_222 = arith.constant 4 : i32
      %eq3A_223 = arith.constant 0 : i32
      %eq3A_224 = arith.cmpi eq, %jit3A_222, %eq3A_223 : i32
      %jit3A_225 = arith.constant 1 : i32
      %select_n3A_226 = arith.select %eq3A_224, %jit3A_225, %jit3A_222 : i32
      %rem3A_227 = arith.remsi %scan3A_209, %select_n3A_226 : i32
      %ne3A_228 = arith.constant 0 : i32
      %ne3A_229 = arith.cmpi ne, %rem3A_227, %ne3A_228 : i32
      %lt3A_230 = arith.constant 0 : i32
      %lt3A_231 = arith.cmpi slt, %rem3A_227, %lt3A_230 : i32
      %lt3A_232 = arith.constant 0 : i32
      %lt3A_233 = arith.cmpi slt, %select_n3A_226, %lt3A_232 : i32
      %ne3A_234 = arith.xori %lt3A_231, %lt3A_233 : i1
      %and3A_235 = arith.andi %ne3A_234, %ne3A_229 : i1
      %add3A_236 = arith.addi %rem3A_227, %select_n3A_226 : i32
      %select_n3A_237 = arith.select %and3A_235, %add3A_236, %rem3A_227 : i32
      %eq3A_238 = arith.constant 1 : i32
      %eq3A_239 = arith.cmpi eq, %select_n3A_237, %eq3A_238 : i32
      %convert_element_type3A_240 = arith.extui %eq3A_239 : i1 to i32
      %cond3A_241 = arith.constant 0 : i32
      %cond3A_242 = arith.cmpi ne, %convert_element_type3A_240, %cond3A_241 : i32
      scf.if %cond3A_242 {
        %add3A_285 = arith.constant 1 : i32
        %add3A_286 = arith.addi %scan3A_209, %add3A_285 : i32
        %lt3A_287 = arith.constant 79 : i32
        %lt3A_288 = arith.cmpi slt, %add3A_286, %lt3A_287 : i32
        %convert_element_type3A_289 = arith.extui %lt3A_288 : i1 to i32
        %cond3A_290 = arith.constant 0 : i32
        %cond3A_291 = arith.cmpi ne, %convert_element_type3A_289, %cond3A_290 : i32
        scf.if %cond3A_291 {
          %add3A_313 = arith.constant 1 : i32
          %add3A_314 = arith.addi %scan3A_209, %add3A_313 : i32
          %dma_wait3A_315 = arith.constant 0 : i32
          %dma_wait3A_316 = arith.constant 0 : i32
          %dma_wait3A_317 = arith.constant 0 : i32
          %dma_wait3A_318 = tpu.memref_slice %arg3[%add3A, %dma_wait3A_315, %dma_wait3A_316, %dma_wait3A_317] : memref<32x79x2x128xi32, #tpu.memory_space<hbm>> -> memref<1x79x2x128xi32, #tpu.memory_space<hbm>>
          %dma_wait3A_319 = tpu.memref_squeeze %dma_wait3A_318 : memref<1x79x2x128xi32, #tpu.memory_space<hbm>> -> memref<79x2x128xi32, #tpu.memory_space<hbm>>
          %dma_wait3A_320 = arith.constant 0 : i32
          %dma_wait3A_321 = arith.constant 0 : i32
          %dma_wait3A_322 = tpu.memref_slice %dma_wait3A_319[%add3A_314, %dma_wait3A_320, %dma_wait3A_321] : memref<79x2x128xi32, #tpu.memory_space<hbm>> -> memref<1x2x128xi32, #tpu.memory_space<hbm>>
          %dma_wait3A_323 = tpu.memref_squeeze %dma_wait3A_322 : memref<1x2x128xi32, #tpu.memory_space<hbm>> -> memref<2x128xi32, #tpu.memory_space<hbm>>
          %dma_wait3A_324 = arith.constant 0 : i32
          %dma_wait3A_325 = arith.constant 0 : i32
          %dma_wait3A_326 = arith.constant 0 : i32
          %dma_wait3A_327 = tpu.memref_slice %arg3[%add3A, %dma_wait3A_324, %dma_wait3A_325, %dma_wait3A_326] : memref<32x79x2x128xi32, #tpu.memory_space<hbm>> -> memref<1x79x2x128xi32, #tpu.memory_space<hbm>>
          %dma_wait3A_328 = tpu.memref_squeeze %dma_wait3A_327 : memref<1x79x2x128xi32, #tpu.memory_space<hbm>> -> memref<79x2x128xi32, #tpu.memory_space<hbm>>
          %dma_wait3A_329 = arith.constant 0 : i32
          %dma_wait3A_330 = arith.constant 0 : i32
          %dma_wait3A_331 = tpu.memref_slice %dma_wait3A_328[%add3A_314, %dma_wait3A_329, %dma_wait3A_330] : memref<79x2x128xi32, #tpu.memory_space<hbm>> -> memref<1x2x128xi32, #tpu.memory_space<hbm>>
          %dma_wait3A_332 = tpu.memref_squeeze %dma_wait3A_331 : memref<1x2x128xi32, #tpu.memory_space<hbm>> -> memref<2x128xi32, #tpu.memory_space<hbm>>
          tpu.wait_dma2 semaphore(%arg16 : memref<!tpu.dma_semaphore, #tpu.memory_space<semaphore_mem>>) src(%dma_wait3A_332 : memref<2x128xi32, #tpu.memory_space<hbm>>) dst(%arg8 : memref<2x128xi32, #tpu.memory_space<vmem>>)
          %ge3A = arith.constant 1 : i32
          %ge3A_333 = arith.cmpi sge, %scan3A_209, %ge3A : i32
          %convert_element_type3A_334 = arith.extui %ge3A_333 : i1 to i32
          %cond3A_335 = arith.constant 0 : i32
          %cond3A_336 = arith.cmpi ne, %convert_element_type3A_334, %cond3A_335 : i32
          scf.if %cond3A_336 {
            %dma_wait3A_344 = arith.constant 1 : i32
            %dma_wait3A_345 = arith.constant 0 : i32
            %dma_wait3A_346 = tpu.memref_slice %arg6[%dma_wait3A_344, %dma_wait3A_345] : memref<2x128xi32, #tpu.memory_space<vmem>> -> memref<1x128xi32, #tpu.memory_space<vmem>>
            %dma_wait3A_347 = tpu.memref_squeeze %dma_wait3A_346 : memref<1x128xi32, #tpu.memory_space<vmem>> -> memref<128xi32, #tpu.memory_space<vmem>>
            %dma_wait3A_348 = arith.constant 0 : i32
            %dma_wait3A_349 = arith.constant 0 : i32
            %dma_wait3A_350 = tpu.memref_slice %arg13[%dma_wait3A_348, %dma_wait3A_349] : memref<10240x128xf32, #tpu.memory_space<vmem_shared>> -> memref<10240x128xf32, #tpu.memory_space<vmem_shared>>
            tpu.wait_indirect_dma semaphore(%arg20 : memref<!tpu.dma_semaphore, #tpu.memory_space<semaphore_mem>>) src(%arg10 : memref<128x128xf32, #tpu.memory_space<vmem>>) dst(%dma_wait3A_350 : memref<10240x128xf32, #tpu.memory_space<vmem_shared>>)
          } else {
          }
          %dma_start3A_337 = arith.constant 0 : i32
          %dma_start3A_338 = arith.constant 0 : i32
          %dma_start3A_339 = tpu.memref_slice %arg8[%dma_start3A_337, %dma_start3A_338] : memref<2x128xi32, #tpu.memory_space<vmem>> -> memref<1x128xi32, #tpu.memory_space<vmem>>
          %dma_start3A_340 = tpu.memref_squeeze %dma_start3A_339 : memref<1x128xi32, #tpu.memory_space<vmem>> -> memref<128xi32, #tpu.memory_space<vmem>>
          %dma_start3A_341 = arith.constant 0 : i32
          %dma_start3A_342 = arith.constant 0 : i32
          %dma_start3A_343 = tpu.memref_slice %arg2[%dma_start3A_341, %dma_start3A_342] : memref<20000x128xf32, #tpu.memory_space<hbm>> -> memref<20000x128xf32, #tpu.memory_space<hbm>>
          tpu.enqueue_indirect_dma source(%dma_start3A_343 : memref<20000x128xf32, #tpu.memory_space<hbm>>) target(%arg10 : memref<128x128xf32, #tpu.memory_space<vmem>>) offsets(%dma_start3A_340 : memref<128xi32, #tpu.memory_space<vmem>>) semaphore(%arg18 : memref<!tpu.dma_semaphore, #tpu.memory_space<semaphore_mem>>)
        } else {
        }
        %dma_wait3A_292 = arith.constant 0 : i32
        %dma_wait3A_293 = arith.constant 0 : i32
        %dma_wait3A_294 = tpu.memref_slice %arg7[%dma_wait3A_292, %dma_wait3A_293] : memref<2x128xi32, #tpu.memory_space<vmem>> -> memref<1x128xi32, #tpu.memory_space<vmem>>
        %dma_wait3A_295 = tpu.memref_squeeze %dma_wait3A_294 : memref<1x128xi32, #tpu.memory_space<vmem>> -> memref<128xi32, #tpu.memory_space<vmem>>
        %dma_wait3A_296 = arith.constant 0 : i32
        %dma_wait3A_297 = arith.constant 0 : i32
        %dma_wait3A_298 = tpu.memref_slice %arg2[%dma_wait3A_296, %dma_wait3A_297] : memref<20000x128xf32, #tpu.memory_space<hbm>> -> memref<20000x128xf32, #tpu.memory_space<hbm>>
        tpu.wait_indirect_dma semaphore(%arg19 : memref<!tpu.dma_semaphore, #tpu.memory_space<semaphore_mem>>) src(%dma_wait3A_298 : memref<20000x128xf32, #tpu.memory_space<hbm>>) dst(%arg11 : memref<128x128xf32, #tpu.memory_space<vmem>>)
        %dma_start3A_299 = arith.constant 1 : i32
        %dma_start3A_300 = arith.constant 0 : i32
        %dma_start3A_301 = tpu.memref_slice %arg7[%dma_start3A_299, %dma_start3A_300] : memref<2x128xi32, #tpu.memory_space<vmem>> -> memref<1x128xi32, #tpu.memory_space<vmem>>
        %dma_start3A_302 = tpu.memref_squeeze %dma_start3A_301 : memref<1x128xi32, #tpu.memory_space<vmem>> -> memref<128xi32, #tpu.memory_space<vmem>>
        %dma_start3A_303 = arith.constant 0 : i32
        %dma_start3A_304 = arith.constant 0 : i32
        %dma_start3A_305 = tpu.memref_slice %arg13[%dma_start3A_303, %dma_start3A_304] : memref<10240x128xf32, #tpu.memory_space<vmem_shared>> -> memref<10240x128xf32, #tpu.memory_space<vmem_shared>>
        tpu.enqueue_indirect_dma source(%arg11 : memref<128x128xf32, #tpu.memory_space<vmem>>) target(%dma_start3A_305 : memref<10240x128xf32, #tpu.memory_space<vmem_shared>>) offsets(%dma_start3A_302 : memref<128xi32, #tpu.memory_space<vmem>>) semaphore(%arg21 : memref<!tpu.dma_semaphore, #tpu.memory_space<semaphore_mem>>) {add = true}
        %add3A_306 = arith.constant 2 : i32
        %add3A_307 = arith.addi %scan3A_209, %add3A_306 : i32
        %lt3A_308 = arith.constant 79 : i32
        %lt3A_309 = arith.cmpi slt, %add3A_307, %lt3A_308 : i32
        %convert_element_type3A_310 = arith.extui %lt3A_309 : i1 to i32
        %cond3A_311 = arith.constant 0 : i32
        %cond3A_312 = arith.cmpi ne, %convert_element_type3A_310, %cond3A_311 : i32
        scf.if %cond3A_312 {
          %add3A_313 = arith.constant 2 : i32
          %add3A_314 = arith.addi %scan3A_209, %add3A_313 : i32
          %dma_start3A_315 = arith.constant 0 : i32
          %dma_start3A_316 = arith.constant 0 : i32
          %dma_start3A_317 = arith.constant 0 : i32
          %dma_start3A_318 = tpu.memref_slice %arg3[%add3A, %dma_start3A_315, %dma_start3A_316, %dma_start3A_317] : memref<32x79x2x128xi32, #tpu.memory_space<hbm>> -> memref<1x79x2x128xi32, #tpu.memory_space<hbm>>
          %dma_start3A_319 = tpu.memref_squeeze %dma_start3A_318 : memref<1x79x2x128xi32, #tpu.memory_space<hbm>> -> memref<79x2x128xi32, #tpu.memory_space<hbm>>
          %dma_start3A_320 = arith.constant 0 : i32
          %dma_start3A_321 = arith.constant 0 : i32
          %dma_start3A_322 = tpu.memref_slice %dma_start3A_319[%add3A_314, %dma_start3A_320, %dma_start3A_321] : memref<79x2x128xi32, #tpu.memory_space<hbm>> -> memref<1x2x128xi32, #tpu.memory_space<hbm>>
          %dma_start3A_323 = tpu.memref_squeeze %dma_start3A_322 : memref<1x2x128xi32, #tpu.memory_space<hbm>> -> memref<2x128xi32, #tpu.memory_space<hbm>>
          %dma_start3A_324 = arith.constant 0 : i32
          %dma_start3A_325 = arith.constant 0 : i32
          %dma_start3A_326 = arith.constant 0 : i32
          %dma_start3A_327 = tpu.memref_slice %arg3[%add3A, %dma_start3A_324, %dma_start3A_325, %dma_start3A_326] : memref<32x79x2x128xi32, #tpu.memory_space<hbm>> -> memref<1x79x2x128xi32, #tpu.memory_space<hbm>>
          %dma_start3A_328 = tpu.memref_squeeze %dma_start3A_327 : memref<1x79x2x128xi32, #tpu.memory_space<hbm>> -> memref<79x2x128xi32, #tpu.memory_space<hbm>>
          %dma_start3A_329 = arith.constant 0 : i32
          %dma_start3A_330 = arith.constant 0 : i32
          %dma_start3A_331 = tpu.memref_slice %dma_start3A_328[%add3A_314, %dma_start3A_329, %dma_start3A_330] : memref<79x2x128xi32, #tpu.memory_space<hbm>> -> memref<1x2x128xi32, #tpu.memory_space<hbm>>
          %dma_start3A_332 = tpu.memref_squeeze %dma_start3A_331 : memref<1x2x128xi32, #tpu.memory_space<hbm>> -> memref<2x128xi32, #tpu.memory_space<hbm>>
          tpu.enqueue_dma source(%dma_start3A_332 : memref<2x128xi32, #tpu.memory_space<hbm>>) target(%arg9 : memref<2x128xi32, #tpu.memory_space<vmem>>) target_semaphore(%arg17 : memref<!tpu.dma_semaphore, #tpu.memory_space<semaphore_mem>>)
        } else {
        }
      } else {
      }
      %jit3A_243 = arith.constant 4 : i32
      %eq3A_244 = arith.constant 0 : i32
      %eq3A_245 = arith.cmpi eq, %jit3A_243, %eq3A_244 : i32
      %jit3A_246 = arith.constant 1 : i32
      %select_n3A_247 = arith.select %eq3A_245, %jit3A_246, %jit3A_243 : i32
      %rem3A_248 = arith.remsi %scan3A_209, %select_n3A_247 : i32
      %ne3A_249 = arith.constant 0 : i32
      %ne3A_250 = arith.cmpi ne, %rem3A_248, %ne3A_249 : i32
      %lt3A_251 = arith.constant 0 : i32
      %lt3A_252 = arith.cmpi slt, %rem3A_248, %lt3A_251 : i32
      %lt3A_253 = arith.constant 0 : i32
      %lt3A_254 = arith.cmpi slt, %select_n3A_247, %lt3A_253 : i32
      %ne3A_255 = arith.xori %lt3A_252, %lt3A_254 : i1
      %and3A_256 = arith.andi %ne3A_255, %ne3A_250 : i1
      %add3A_257 = arith.addi %rem3A_248, %select_n3A_247 : i32
      %select_n3A_258 = arith.select %and3A_256, %add3A_257, %rem3A_248 : i32
      %eq3A_259 = arith.constant 2 : i32
      %eq3A_260 = arith.cmpi eq, %select_n3A_258, %eq3A_259 : i32
      %convert_element_type3A_261 = arith.extui %eq3A_260 : i1 to i32
      %cond3A_262 = arith.constant 0 : i32
      %cond3A_263 = arith.cmpi ne, %convert_element_type3A_261, %cond3A_262 : i32
      scf.if %cond3A_263 {
        %add3A_285 = arith.constant 1 : i32
        %add3A_286 = arith.addi %scan3A_209, %add3A_285 : i32
        %lt3A_287 = arith.constant 79 : i32
        %lt3A_288 = arith.cmpi slt, %add3A_286, %lt3A_287 : i32
        %convert_element_type3A_289 = arith.extui %lt3A_288 : i1 to i32
        %cond3A_290 = arith.constant 0 : i32
        %cond3A_291 = arith.cmpi ne, %convert_element_type3A_289, %cond3A_290 : i32
        scf.if %cond3A_291 {
          %add3A_313 = arith.constant 1 : i32
          %add3A_314 = arith.addi %scan3A_209, %add3A_313 : i32
          %dma_wait3A_315 = arith.constant 0 : i32
          %dma_wait3A_316 = arith.constant 0 : i32
          %dma_wait3A_317 = arith.constant 0 : i32
          %dma_wait3A_318 = tpu.memref_slice %arg3[%add3A, %dma_wait3A_315, %dma_wait3A_316, %dma_wait3A_317] : memref<32x79x2x128xi32, #tpu.memory_space<hbm>> -> memref<1x79x2x128xi32, #tpu.memory_space<hbm>>
          %dma_wait3A_319 = tpu.memref_squeeze %dma_wait3A_318 : memref<1x79x2x128xi32, #tpu.memory_space<hbm>> -> memref<79x2x128xi32, #tpu.memory_space<hbm>>
          %dma_wait3A_320 = arith.constant 0 : i32
          %dma_wait3A_321 = arith.constant 0 : i32
          %dma_wait3A_322 = tpu.memref_slice %dma_wait3A_319[%add3A_314, %dma_wait3A_320, %dma_wait3A_321] : memref<79x2x128xi32, #tpu.memory_space<hbm>> -> memref<1x2x128xi32, #tpu.memory_space<hbm>>
          %dma_wait3A_323 = tpu.memref_squeeze %dma_wait3A_322 : memref<1x2x128xi32, #tpu.memory_space<hbm>> -> memref<2x128xi32, #tpu.memory_space<hbm>>
          %dma_wait3A_324 = arith.constant 0 : i32
          %dma_wait3A_325 = arith.constant 0 : i32
          %dma_wait3A_326 = arith.constant 0 : i32
          %dma_wait3A_327 = tpu.memref_slice %arg3[%add3A, %dma_wait3A_324, %dma_wait3A_325, %dma_wait3A_326] : memref<32x79x2x128xi32, #tpu.memory_space<hbm>> -> memref<1x79x2x128xi32, #tpu.memory_space<hbm>>
          %dma_wait3A_328 = tpu.memref_squeeze %dma_wait3A_327 : memref<1x79x2x128xi32, #tpu.memory_space<hbm>> -> memref<79x2x128xi32, #tpu.memory_space<hbm>>
          %dma_wait3A_329 = arith.constant 0 : i32
          %dma_wait3A_330 = arith.constant 0 : i32
          %dma_wait3A_331 = tpu.memref_slice %dma_wait3A_328[%add3A_314, %dma_wait3A_329, %dma_wait3A_330] : memref<79x2x128xi32, #tpu.memory_space<hbm>> -> memref<1x2x128xi32, #tpu.memory_space<hbm>>
          %dma_wait3A_332 = tpu.memref_squeeze %dma_wait3A_331 : memref<1x2x128xi32, #tpu.memory_space<hbm>> -> memref<2x128xi32, #tpu.memory_space<hbm>>
          tpu.wait_dma2 semaphore(%arg17 : memref<!tpu.dma_semaphore, #tpu.memory_space<semaphore_mem>>) src(%dma_wait3A_332 : memref<2x128xi32, #tpu.memory_space<hbm>>) dst(%arg9 : memref<2x128xi32, #tpu.memory_space<vmem>>)
          %ge3A = arith.constant 1 : i32
          %ge3A_333 = arith.cmpi sge, %scan3A_209, %ge3A : i32
          %convert_element_type3A_334 = arith.extui %ge3A_333 : i1 to i32
          %cond3A_335 = arith.constant 0 : i32
          %cond3A_336 = arith.cmpi ne, %convert_element_type3A_334, %cond3A_335 : i32
          scf.if %cond3A_336 {
            %dma_wait3A_344 = arith.constant 1 : i32
            %dma_wait3A_345 = arith.constant 0 : i32
            %dma_wait3A_346 = tpu.memref_slice %arg6[%dma_wait3A_344, %dma_wait3A_345] : memref<2x128xi32, #tpu.memory_space<vmem>> -> memref<1x128xi32, #tpu.memory_space<vmem>>
            %dma_wait3A_347 = tpu.memref_squeeze %dma_wait3A_346 : memref<1x128xi32, #tpu.memory_space<vmem>> -> memref<128xi32, #tpu.memory_space<vmem>>
            %dma_wait3A_348 = arith.constant 0 : i32
            %dma_wait3A_349 = arith.constant 0 : i32
            %dma_wait3A_350 = tpu.memref_slice %arg13[%dma_wait3A_348, %dma_wait3A_349] : memref<10240x128xf32, #tpu.memory_space<vmem_shared>> -> memref<10240x128xf32, #tpu.memory_space<vmem_shared>>
            tpu.wait_indirect_dma semaphore(%arg21 : memref<!tpu.dma_semaphore, #tpu.memory_space<semaphore_mem>>) src(%arg11 : memref<128x128xf32, #tpu.memory_space<vmem>>) dst(%dma_wait3A_350 : memref<10240x128xf32, #tpu.memory_space<vmem_shared>>)
          } else {
          }
          %dma_start3A_337 = arith.constant 0 : i32
          %dma_start3A_338 = arith.constant 0 : i32
          %dma_start3A_339 = tpu.memref_slice %arg9[%dma_start3A_337, %dma_start3A_338] : memref<2x128xi32, #tpu.memory_space<vmem>> -> memref<1x128xi32, #tpu.memory_space<vmem>>
          %dma_start3A_340 = tpu.memref_squeeze %dma_start3A_339 : memref<1x128xi32, #tpu.memory_space<vmem>> -> memref<128xi32, #tpu.memory_space<vmem>>
          %dma_start3A_341 = arith.constant 0 : i32
          %dma_start3A_342 = arith.constant 0 : i32
          %dma_start3A_343 = tpu.memref_slice %arg2[%dma_start3A_341, %dma_start3A_342] : memref<20000x128xf32, #tpu.memory_space<hbm>> -> memref<20000x128xf32, #tpu.memory_space<hbm>>
          tpu.enqueue_indirect_dma source(%dma_start3A_343 : memref<20000x128xf32, #tpu.memory_space<hbm>>) target(%arg11 : memref<128x128xf32, #tpu.memory_space<vmem>>) offsets(%dma_start3A_340 : memref<128xi32, #tpu.memory_space<vmem>>) semaphore(%arg19 : memref<!tpu.dma_semaphore, #tpu.memory_space<semaphore_mem>>)
        } else {
        }
        %dma_wait3A_292 = arith.constant 0 : i32
        %dma_wait3A_293 = arith.constant 0 : i32
        %dma_wait3A_294 = tpu.memref_slice %arg8[%dma_wait3A_292, %dma_wait3A_293] : memref<2x128xi32, #tpu.memory_space<vmem>> -> memref<1x128xi32, #tpu.memory_space<vmem>>
        %dma_wait3A_295 = tpu.memref_squeeze %dma_wait3A_294 : memref<1x128xi32, #tpu.memory_space<vmem>> -> memref<128xi32, #tpu.memory_space<vmem>>
        %dma_wait3A_296 = arith.constant 0 : i32
        %dma_wait3A_297 = arith.constant 0 : i32
        %dma_wait3A_298 = tpu.memref_slice %arg2[%dma_wait3A_296, %dma_wait3A_297] : memref<20000x128xf32, #tpu.memory_space<hbm>> -> memref<20000x128xf32, #tpu.memory_space<hbm>>
        tpu.wait_indirect_dma semaphore(%arg18 : memref<!tpu.dma_semaphore, #tpu.memory_space<semaphore_mem>>) src(%dma_wait3A_298 : memref<20000x128xf32, #tpu.memory_space<hbm>>) dst(%arg10 : memref<128x128xf32, #tpu.memory_space<vmem>>)
        %dma_start3A_299 = arith.constant 1 : i32
        %dma_start3A_300 = arith.constant 0 : i32
        %dma_start3A_301 = tpu.memref_slice %arg8[%dma_start3A_299, %dma_start3A_300] : memref<2x128xi32, #tpu.memory_space<vmem>> -> memref<1x128xi32, #tpu.memory_space<vmem>>
        %dma_start3A_302 = tpu.memref_squeeze %dma_start3A_301 : memref<1x128xi32, #tpu.memory_space<vmem>> -> memref<128xi32, #tpu.memory_space<vmem>>
        %dma_start3A_303 = arith.constant 0 : i32
        %dma_start3A_304 = arith.constant 0 : i32
        %dma_start3A_305 = tpu.memref_slice %arg13[%dma_start3A_303, %dma_start3A_304] : memref<10240x128xf32, #tpu.memory_space<vmem_shared>> -> memref<10240x128xf32, #tpu.memory_space<vmem_shared>>
        tpu.enqueue_indirect_dma source(%arg10 : memref<128x128xf32, #tpu.memory_space<vmem>>) target(%dma_start3A_305 : memref<10240x128xf32, #tpu.memory_space<vmem_shared>>) offsets(%dma_start3A_302 : memref<128xi32, #tpu.memory_space<vmem>>) semaphore(%arg20 : memref<!tpu.dma_semaphore, #tpu.memory_space<semaphore_mem>>) {add = true}
        %add3A_306 = arith.constant 2 : i32
        %add3A_307 = arith.addi %scan3A_209, %add3A_306 : i32
        %lt3A_308 = arith.constant 79 : i32
        %lt3A_309 = arith.cmpi slt, %add3A_307, %lt3A_308 : i32
        %convert_element_type3A_310 = arith.extui %lt3A_309 : i1 to i32
        %cond3A_311 = arith.constant 0 : i32
        %cond3A_312 = arith.cmpi ne, %convert_element_type3A_310, %cond3A_311 : i32
        scf.if %cond3A_312 {
          %add3A_313 = arith.constant 2 : i32
          %add3A_314 = arith.addi %scan3A_209, %add3A_313 : i32
          %dma_start3A_315 = arith.constant 0 : i32
          %dma_start3A_316 = arith.constant 0 : i32
          %dma_start3A_317 = arith.constant 0 : i32
          %dma_start3A_318 = tpu.memref_slice %arg3[%add3A, %dma_start3A_315, %dma_start3A_316, %dma_start3A_317] : memref<32x79x2x128xi32, #tpu.memory_space<hbm>> -> memref<1x79x2x128xi32, #tpu.memory_space<hbm>>
          %dma_start3A_319 = tpu.memref_squeeze %dma_start3A_318 : memref<1x79x2x128xi32, #tpu.memory_space<hbm>> -> memref<79x2x128xi32, #tpu.memory_space<hbm>>
          %dma_start3A_320 = arith.constant 0 : i32
          %dma_start3A_321 = arith.constant 0 : i32
          %dma_start3A_322 = tpu.memref_slice %dma_start3A_319[%add3A_314, %dma_start3A_320, %dma_start3A_321] : memref<79x2x128xi32, #tpu.memory_space<hbm>> -> memref<1x2x128xi32, #tpu.memory_space<hbm>>
          %dma_start3A_323 = tpu.memref_squeeze %dma_start3A_322 : memref<1x2x128xi32, #tpu.memory_space<hbm>> -> memref<2x128xi32, #tpu.memory_space<hbm>>
          %dma_start3A_324 = arith.constant 0 : i32
          %dma_start3A_325 = arith.constant 0 : i32
          %dma_start3A_326 = arith.constant 0 : i32
          %dma_start3A_327 = tpu.memref_slice %arg3[%add3A, %dma_start3A_324, %dma_start3A_325, %dma_start3A_326] : memref<32x79x2x128xi32, #tpu.memory_space<hbm>> -> memref<1x79x2x128xi32, #tpu.memory_space<hbm>>
          %dma_start3A_328 = tpu.memref_squeeze %dma_start3A_327 : memref<1x79x2x128xi32, #tpu.memory_space<hbm>> -> memref<79x2x128xi32, #tpu.memory_space<hbm>>
          %dma_start3A_329 = arith.constant 0 : i32
          %dma_start3A_330 = arith.constant 0 : i32
          %dma_start3A_331 = tpu.memref_slice %dma_start3A_328[%add3A_314, %dma_start3A_329, %dma_start3A_330] : memref<79x2x128xi32, #tpu.memory_space<hbm>> -> memref<1x2x128xi32, #tpu.memory_space<hbm>>
          %dma_start3A_332 = tpu.memref_squeeze %dma_start3A_331 : memref<1x2x128xi32, #tpu.memory_space<hbm>> -> memref<2x128xi32, #tpu.memory_space<hbm>>
          tpu.enqueue_dma source(%dma_start3A_332 : memref<2x128xi32, #tpu.memory_space<hbm>>) target(%arg6 : memref<2x128xi32, #tpu.memory_space<vmem>>) target_semaphore(%arg14 : memref<!tpu.dma_semaphore, #tpu.memory_space<semaphore_mem>>)
        } else {
        }
      } else {
      }
      %jit3A_264 = arith.constant 4 : i32
      %eq3A_265 = arith.constant 0 : i32
      %eq3A_266 = arith.cmpi eq, %jit3A_264, %eq3A_265 : i32
      %jit3A_267 = arith.constant 1 : i32
      %select_n3A_268 = arith.select %eq3A_266, %jit3A_267, %jit3A_264 : i32
      %rem3A_269 = arith.remsi %scan3A_209, %select_n3A_268 : i32
      %ne3A_270 = arith.constant 0 : i32
      %ne3A_271 = arith.cmpi ne, %rem3A_269, %ne3A_270 : i32
      %lt3A_272 = arith.constant 0 : i32
      %lt3A_273 = arith.cmpi slt, %rem3A_269, %lt3A_272 : i32
      %lt3A_274 = arith.constant 0 : i32
      %lt3A_275 = arith.cmpi slt, %select_n3A_268, %lt3A_274 : i32
      %ne3A_276 = arith.xori %lt3A_273, %lt3A_275 : i1
      %and3A_277 = arith.andi %ne3A_276, %ne3A_271 : i1
      %add3A_278 = arith.addi %rem3A_269, %select_n3A_268 : i32
      %select_n3A_279 = arith.select %and3A_277, %add3A_278, %rem3A_269 : i32
      %eq3A_280 = arith.constant 3 : i32
      %eq3A_281 = arith.cmpi eq, %select_n3A_279, %eq3A_280 : i32
      %convert_element_type3A_282 = arith.extui %eq3A_281 : i1 to i32
      %cond3A_283 = arith.constant 0 : i32
      %cond3A_284 = arith.cmpi ne, %convert_element_type3A_282, %cond3A_283 : i32
      scf.if %cond3A_284 {
        %add3A_285 = arith.constant 1 : i32
        %add3A_286 = arith.addi %scan3A_209, %add3A_285 : i32
        %lt3A_287 = arith.constant 79 : i32
        %lt3A_288 = arith.cmpi slt, %add3A_286, %lt3A_287 : i32
        %convert_element_type3A_289 = arith.extui %lt3A_288 : i1 to i32
        %cond3A_290 = arith.constant 0 : i32
        %cond3A_291 = arith.cmpi ne, %convert_element_type3A_289, %cond3A_290 : i32
        scf.if %cond3A_291 {
          %add3A_313 = arith.constant 1 : i32
          %add3A_314 = arith.addi %scan3A_209, %add3A_313 : i32
          %dma_wait3A_315 = arith.constant 0 : i32
          %dma_wait3A_316 = arith.constant 0 : i32
          %dma_wait3A_317 = arith.constant 0 : i32
          %dma_wait3A_318 = tpu.memref_slice %arg3[%add3A, %dma_wait3A_315, %dma_wait3A_316, %dma_wait3A_317] : memref<32x79x2x128xi32, #tpu.memory_space<hbm>> -> memref<1x79x2x128xi32, #tpu.memory_space<hbm>>
          %dma_wait3A_319 = tpu.memref_squeeze %dma_wait3A_318 : memref<1x79x2x128xi32, #tpu.memory_space<hbm>> -> memref<79x2x128xi32, #tpu.memory_space<hbm>>
          %dma_wait3A_320 = arith.constant 0 : i32
          %dma_wait3A_321 = arith.constant 0 : i32
          %dma_wait3A_322 = tpu.memref_slice %dma_wait3A_319[%add3A_314, %dma_wait3A_320, %dma_wait3A_321] : memref<79x2x128xi32, #tpu.memory_space<hbm>> -> memref<1x2x128xi32, #tpu.memory_space<hbm>>
          %dma_wait3A_323 = tpu.memref_squeeze %dma_wait3A_322 : memref<1x2x128xi32, #tpu.memory_space<hbm>> -> memref<2x128xi32, #tpu.memory_space<hbm>>
          %dma_wait3A_324 = arith.constant 0 : i32
          %dma_wait3A_325 = arith.constant 0 : i32
          %dma_wait3A_326 = arith.constant 0 : i32
          %dma_wait3A_327 = tpu.memref_slice %arg3[%add3A, %dma_wait3A_324, %dma_wait3A_325, %dma_wait3A_326] : memref<32x79x2x128xi32, #tpu.memory_space<hbm>> -> memref<1x79x2x128xi32, #tpu.memory_space<hbm>>
          %dma_wait3A_328 = tpu.memref_squeeze %dma_wait3A_327 : memref<1x79x2x128xi32, #tpu.memory_space<hbm>> -> memref<79x2x128xi32, #tpu.memory_space<hbm>>
          %dma_wait3A_329 = arith.constant 0 : i32
          %dma_wait3A_330 = arith.constant 0 : i32
          %dma_wait3A_331 = tpu.memref_slice %dma_wait3A_328[%add3A_314, %dma_wait3A_329, %dma_wait3A_330] : memref<79x2x128xi32, #tpu.memory_space<hbm>> -> memref<1x2x128xi32, #tpu.memory_space<hbm>>
          %dma_wait3A_332 = tpu.memref_squeeze %dma_wait3A_331 : memref<1x2x128xi32, #tpu.memory_space<hbm>> -> memref<2x128xi32, #tpu.memory_space<hbm>>
          tpu.wait_dma2 semaphore(%arg14 : memref<!tpu.dma_semaphore, #tpu.memory_space<semaphore_mem>>) src(%dma_wait3A_332 : memref<2x128xi32, #tpu.memory_space<hbm>>) dst(%arg6 : memref<2x128xi32, #tpu.memory_space<vmem>>)
          %ge3A = arith.constant 1 : i32
          %ge3A_333 = arith.cmpi sge, %scan3A_209, %ge3A : i32
          %convert_element_type3A_334 = arith.extui %ge3A_333 : i1 to i32
          %cond3A_335 = arith.constant 0 : i32
          %cond3A_336 = arith.cmpi ne, %convert_element_type3A_334, %cond3A_335 : i32
          scf.if %cond3A_336 {
            %dma_wait3A_344 = arith.constant 1 : i32
            %dma_wait3A_345 = arith.constant 0 : i32
            %dma_wait3A_346 = tpu.memref_slice %arg6[%dma_wait3A_344, %dma_wait3A_345] : memref<2x128xi32, #tpu.memory_space<vmem>> -> memref<1x128xi32, #tpu.memory_space<vmem>>
            %dma_wait3A_347 = tpu.memref_squeeze %dma_wait3A_346 : memref<1x128xi32, #tpu.memory_space<vmem>> -> memref<128xi32, #tpu.memory_space<vmem>>
            %dma_wait3A_348 = arith.constant 0 : i32
            %dma_wait3A_349 = arith.constant 0 : i32
            %dma_wait3A_350 = tpu.memref_slice %arg13[%dma_wait3A_348, %dma_wait3A_349] : memref<10240x128xf32, #tpu.memory_space<vmem_shared>> -> memref<10240x128xf32, #tpu.memory_space<vmem_shared>>
            tpu.wait_indirect_dma semaphore(%arg20 : memref<!tpu.dma_semaphore, #tpu.memory_space<semaphore_mem>>) src(%arg10 : memref<128x128xf32, #tpu.memory_space<vmem>>) dst(%dma_wait3A_350 : memref<10240x128xf32, #tpu.memory_space<vmem_shared>>)
          } else {
          }
          %dma_start3A_337 = arith.constant 0 : i32
          %dma_start3A_338 = arith.constant 0 : i32
          %dma_start3A_339 = tpu.memref_slice %arg6[%dma_start3A_337, %dma_start3A_338] : memref<2x128xi32, #tpu.memory_space<vmem>> -> memref<1x128xi32, #tpu.memory_space<vmem>>
          %dma_start3A_340 = tpu.memref_squeeze %dma_start3A_339 : memref<1x128xi32, #tpu.memory_space<vmem>> -> memref<128xi32, #tpu.memory_space<vmem>>
          %dma_start3A_341 = arith.constant 0 : i32
          %dma_start3A_342 = arith.constant 0 : i32
          %dma_start3A_343 = tpu.memref_slice %arg2[%dma_start3A_341, %dma_start3A_342] : memref<20000x128xf32, #tpu.memory_space<hbm>> -> memref<20000x128xf32, #tpu.memory_space<hbm>>
          tpu.enqueue_indirect_dma source(%dma_start3A_343 : memref<20000x128xf32, #tpu.memory_space<hbm>>) target(%arg10 : memref<128x128xf32, #tpu.memory_space<vmem>>) offsets(%dma_start3A_340 : memref<128xi32, #tpu.memory_space<vmem>>) semaphore(%arg18 : memref<!tpu.dma_semaphore, #tpu.memory_space<semaphore_mem>>)
        } else {
        }
        %dma_wait3A_292 = arith.constant 0 : i32
        %dma_wait3A_293 = arith.constant 0 : i32
        %dma_wait3A_294 = tpu.memref_slice %arg9[%dma_wait3A_292, %dma_wait3A_293] : memref<2x128xi32, #tpu.memory_space<vmem>> -> memref<1x128xi32, #tpu.memory_space<vmem>>
        %dma_wait3A_295 = tpu.memref_squeeze %dma_wait3A_294 : memref<1x128xi32, #tpu.memory_space<vmem>> -> memref<128xi32, #tpu.memory_space<vmem>>
        %dma_wait3A_296 = arith.constant 0 : i32
        %dma_wait3A_297 = arith.constant 0 : i32
        %dma_wait3A_298 = tpu.memref_slice %arg2[%dma_wait3A_296, %dma_wait3A_297] : memref<20000x128xf32, #tpu.memory_space<hbm>> -> memref<20000x128xf32, #tpu.memory_space<hbm>>
        tpu.wait_indirect_dma semaphore(%arg19 : memref<!tpu.dma_semaphore, #tpu.memory_space<semaphore_mem>>) src(%dma_wait3A_298 : memref<20000x128xf32, #tpu.memory_space<hbm>>) dst(%arg11 : memref<128x128xf32, #tpu.memory_space<vmem>>)
        %dma_start3A_299 = arith.constant 1 : i32
        %dma_start3A_300 = arith.constant 0 : i32
        %dma_start3A_301 = tpu.memref_slice %arg9[%dma_start3A_299, %dma_start3A_300] : memref<2x128xi32, #tpu.memory_space<vmem>> -> memref<1x128xi32, #tpu.memory_space<vmem>>
        %dma_start3A_302 = tpu.memref_squeeze %dma_start3A_301 : memref<1x128xi32, #tpu.memory_space<vmem>> -> memref<128xi32, #tpu.memory_space<vmem>>
        %dma_start3A_303 = arith.constant 0 : i32
        %dma_start3A_304 = arith.constant 0 : i32
        %dma_start3A_305 = tpu.memref_slice %arg13[%dma_start3A_303, %dma_start3A_304] : memref<10240x128xf32, #tpu.memory_space<vmem_shared>> -> memref<10240x128xf32, #tpu.memory_space<vmem_shared>>
        tpu.enqueue_indirect_dma source(%arg11 : memref<128x128xf32, #tpu.memory_space<vmem>>) target(%dma_start3A_305 : memref<10240x128xf32, #tpu.memory_space<vmem_shared>>) offsets(%dma_start3A_302 : memref<128xi32, #tpu.memory_space<vmem>>) semaphore(%arg21 : memref<!tpu.dma_semaphore, #tpu.memory_space<semaphore_mem>>) {add = true}
        %add3A_306 = arith.constant 2 : i32
        %add3A_307 = arith.addi %scan3A_209, %add3A_306 : i32
        %lt3A_308 = arith.constant 79 : i32
        %lt3A_309 = arith.cmpi slt, %add3A_307, %lt3A_308 : i32
        %convert_element_type3A_310 = arith.extui %lt3A_309 : i1 to i32
        %cond3A_311 = arith.constant 0 : i32
        %cond3A_312 = arith.cmpi ne, %convert_element_type3A_310, %cond3A_311 : i32
        scf.if %cond3A_312 {
          %add3A_313 = arith.constant 2 : i32
          %add3A_314 = arith.addi %scan3A_209, %add3A_313 : i32
          %dma_start3A_315 = arith.constant 0 : i32
          %dma_start3A_316 = arith.constant 0 : i32
          %dma_start3A_317 = arith.constant 0 : i32
          %dma_start3A_318 = tpu.memref_slice %arg3[%add3A, %dma_start3A_315, %dma_start3A_316, %dma_start3A_317] : memref<32x79x2x128xi32, #tpu.memory_space<hbm>> -> memref<1x79x2x128xi32, #tpu.memory_space<hbm>>
          %dma_start3A_319 = tpu.memref_squeeze %dma_start3A_318 : memref<1x79x2x128xi32, #tpu.memory_space<hbm>> -> memref<79x2x128xi32, #tpu.memory_space<hbm>>
          %dma_start3A_320 = arith.constant 0 : i32
          %dma_start3A_321 = arith.constant 0 : i32
          %dma_start3A_322 = tpu.memref_slice %dma_start3A_319[%add3A_314, %dma_start3A_320, %dma_start3A_321] : memref<79x2x128xi32, #tpu.memory_space<hbm>> -> memref<1x2x128xi32, #tpu.memory_space<hbm>>
          %dma_start3A_323 = tpu.memref_squeeze %dma_start3A_322 : memref<1x2x128xi32, #tpu.memory_space<hbm>> -> memref<2x128xi32, #tpu.memory_space<hbm>>
          %dma_start3A_324 = arith.constant 0 : i32
          %dma_start3A_325 = arith.constant 0 : i32
          %dma_start3A_326 = arith.constant 0 : i32
          %dma_start3A_327 = tpu.memref_slice %arg3[%add3A, %dma_start3A_324, %dma_start3A_325, %dma_start3A_326] : memref<32x79x2x128xi32, #tpu.memory_space<hbm>> -> memref<1x79x2x128xi32, #tpu.memory_space<hbm>>
          %dma_start3A_328 = tpu.memref_squeeze %dma_start3A_327 : memref<1x79x2x128xi32, #tpu.memory_space<hbm>> -> memref<79x2x128xi32, #tpu.memory_space<hbm>>
          %dma_start3A_329 = arith.constant 0 : i32
          %dma_start3A_330 = arith.constant 0 : i32
          %dma_start3A_331 = tpu.memref_slice %dma_start3A_328[%add3A_314, %dma_start3A_329, %dma_start3A_330] : memref<79x2x128xi32, #tpu.memory_space<hbm>> -> memref<1x2x128xi32, #tpu.memory_space<hbm>>
          %dma_start3A_332 = tpu.memref_squeeze %dma_start3A_331 : memref<1x2x128xi32, #tpu.memory_space<hbm>> -> memref<2x128xi32, #tpu.memory_space<hbm>>
          tpu.enqueue_dma source(%dma_start3A_332 : memref<2x128xi32, #tpu.memory_space<hbm>>) target(%arg7 : memref<2x128xi32, #tpu.memory_space<vmem>>) target_semaphore(%arg15 : memref<!tpu.dma_semaphore, #tpu.memory_space<semaphore_mem>>)
        } else {
        }
      } else {
      }
    }
    %scan3A_189 = arith.constant 79 : i32
    %dma_wait3A_190 = arith.constant 1 : i32
    %dma_wait3A_191 = arith.constant 0 : i32
    %dma_wait3A_192 = tpu.memref_slice %arg6[%dma_wait3A_190, %dma_wait3A_191] : memref<2x128xi32, #tpu.memory_space<vmem>> -> memref<1x128xi32, #tpu.memory_space<vmem>>
    %dma_wait3A_193 = tpu.memref_squeeze %dma_wait3A_192 : memref<1x128xi32, #tpu.memory_space<vmem>> -> memref<128xi32, #tpu.memory_space<vmem>>
    %dma_wait3A_194 = arith.constant 0 : i32
    %dma_wait3A_195 = arith.constant 0 : i32
    %dma_wait3A_196 = tpu.memref_slice %arg13[%dma_wait3A_194, %dma_wait3A_195] : memref<10240x128xf32, #tpu.memory_space<vmem_shared>> -> memref<10240x128xf32, #tpu.memory_space<vmem_shared>>
    tpu.wait_indirect_dma semaphore(%arg20 : memref<!tpu.dma_semaphore, #tpu.memory_space<semaphore_mem>>) src(%arg10 : memref<128x128xf32, #tpu.memory_space<vmem>>) dst(%dma_wait3A_196 : memref<10240x128xf32, #tpu.memory_space<vmem_shared>>)
    %dma_wait3A_197 = arith.constant 1 : i32
    %dma_wait3A_198 = arith.constant 0 : i32
    %dma_wait3A_199 = tpu.memref_slice %arg7[%dma_wait3A_197, %dma_wait3A_198] : memref<2x128xi32, #tpu.memory_space<vmem>> -> memref<1x128xi32, #tpu.memory_space<vmem>>
    %dma_wait3A_200 = tpu.memref_squeeze %dma_wait3A_199 : memref<1x128xi32, #tpu.memory_space<vmem>> -> memref<128xi32, #tpu.memory_space<vmem>>
    %dma_wait3A_201 = arith.constant 0 : i32
    %dma_wait3A_202 = arith.constant 0 : i32
    %dma_wait3A_203 = tpu.memref_slice %arg13[%dma_wait3A_201, %dma_wait3A_202] : memref<10240x128xf32, #tpu.memory_space<vmem_shared>> -> memref<10240x128xf32, #tpu.memory_space<vmem_shared>>
    tpu.wait_indirect_dma semaphore(%arg21 : memref<!tpu.dma_semaphore, #tpu.memory_space<semaphore_mem>>) src(%arg11 : memref<128x128xf32, #tpu.memory_space<vmem>>) dst(%dma_wait3A_203 : memref<10240x128xf32, #tpu.memory_space<vmem_shared>>)
    %barrier3A_204 = arith.constant 0 : index
    tpu.barrier barrier_id(%barrier3A_204)
    %mul3A_205 = arith.constant 640 : i32
    %mul3A_206 = arith.muli %arg1, %mul3A_205 : i32
    %mul3A_207 = arith.constant 640 : i32
    %mul3A_208 = arith.muli %arg1, %mul3A_207 : i32
    "tpu.region"() ({
      %run_scoped3A_209 = tpu.sem_alloc : memref<!tpu.dma_semaphore, #tpu.memory_space<semaphore_mem>>
      %dma_start3A_210 = arith.constant 0 : i32
      %dma_start3A_211 = arith.constant 0 : i32
      %dma_start3A_212 = tpu.memref_slice %arg5[%arg0, %dma_start3A_210, %dma_start3A_211] : memref<2x10240x128xf32, #tpu.memory_space<hbm>> -> memref<1x10240x128xf32, #tpu.memory_space<hbm>>
      %dma_start3A_213 = tpu.memref_squeeze %dma_start3A_212 : memref<1x10240x128xf32, #tpu.memory_space<hbm>> -> memref<10240x128xf32, #tpu.memory_space<hbm>>
      %dma_start3A_214 = arith.constant 0 : i32
      %dma_start3A_215 = tpu.memref_slice %dma_start3A_213[%mul3A_208, %dma_start3A_214] : memref<10240x128xf32, #tpu.memory_space<hbm>> -> memref<640x128xf32, #tpu.memory_space<hbm>>
      %dma_start3A_216 = arith.constant 0 : i32
      %dma_start3A_217 = tpu.memref_slice %arg13[%mul3A_206, %dma_start3A_216] : memref<10240x128xf32, #tpu.memory_space<vmem_shared>> -> memref<640x128xf32, #tpu.memory_space<vmem_shared>>
      tpu.enqueue_dma source(%dma_start3A_217 : memref<640x128xf32, #tpu.memory_space<vmem_shared>>) target(%dma_start3A_215 : memref<640x128xf32, #tpu.memory_space<hbm>>) target_semaphore(%run_scoped3A_209 : memref<!tpu.dma_semaphore, #tpu.memory_space<semaphore_mem>>)
      %dma_wait3A_218 = arith.constant 0 : i32
      %dma_wait3A_219 = arith.constant 0 : i32
      %dma_wait3A_220 = tpu.memref_slice %arg5[%arg0, %dma_wait3A_218, %dma_wait3A_219] : memref<2x10240x128xf32, #tpu.memory_space<hbm>> -> memref<1x10240x128xf32, #tpu.memory_space<hbm>>
      %dma_wait3A_221 = tpu.memref_squeeze %dma_wait3A_220 : memref<1x10240x128xf32, #tpu.memory_space<hbm>> -> memref<10240x128xf32, #tpu.memory_space<hbm>>
      %dma_wait3A_222 = arith.constant 0 : i32
      %dma_wait3A_223 = tpu.memref_slice %dma_wait3A_221[%mul3A_208, %dma_wait3A_222] : memref<10240x128xf32, #tpu.memory_space<hbm>> -> memref<640x128xf32, #tpu.memory_space<hbm>>
      %dma_wait3A_224 = arith.constant 0 : i32
      %dma_wait3A_225 = tpu.memref_slice %arg13[%mul3A_206, %dma_wait3A_224] : memref<10240x128xf32, #tpu.memory_space<vmem_shared>> -> memref<640x128xf32, #tpu.memory_space<vmem_shared>>
      tpu.wait_dma2 semaphore(%run_scoped3A_209 : memref<!tpu.dma_semaphore, #tpu.memory_space<semaphore_mem>>) src(%dma_wait3A_225 : memref<640x128xf32, #tpu.memory_space<vmem_shared>>) dst(%dma_wait3A_223 : memref<640x128xf32, #tpu.memory_space<hbm>>)
      tpu.yield
    }) : () -> ()
    return
  }
}

#map = affine_map<(d0, d1) -> (0, 0)>
#map1 = affine_map<(d0, d1) -> (0, 0, 0, 0)>
#map2 = affine_map<(d0, d1) -> (0, 0, 0)>
module attributes {stable_mosaic.version = 14 : i64} {
  func.func @_sc_edge(%arg0: i32, %arg1: i32, %arg2: memref<20000x128xf32, #tpu.memory_space<hbm>>, %arg3: memref<32x79x2x128xi32, #tpu.memory_space<hbm>>, %arg4: memref<64x128xf32, #tpu.memory_space<hbm>>, %arg5: memref<2x10240x128xf32, #tpu.memory_space<hbm>>, %arg6: memref<2x128xi32, #tpu.memory_space<vmem>>, %arg7: memref<2x128xi32, #tpu.memory_space<vmem>>, %arg8: memref<2x128xi32, #tpu.memory_space<vmem>>, %arg9: memref<2x128xi32, #tpu.memory_space<vmem>>, %arg10: memref<128x128xf32, #tpu.memory_space<vmem>>, %arg11: memref<128x128xf32, #tpu.memory_space<vmem>>, %arg12: memref<64x128xf32, #tpu.memory_space<vmem>>, %arg13: memref<10240x128xf32, #tpu.memory_space<vmem_shared>>, %arg14: memref<!tpu.dma_semaphore, #tpu.memory_space<semaphore_mem>>, %arg15: memref<!tpu.dma_semaphore, #tpu.memory_space<semaphore_mem>>, %arg16: memref<!tpu.dma_semaphore, #tpu.memory_space<semaphore_mem>>, %arg17: memref<!tpu.dma_semaphore, #tpu.memory_space<semaphore_mem>>, %arg18: memref<!tpu.dma_semaphore, #tpu.memory_space<semaphore_mem>>, %arg19: memref<!tpu.dma_semaphore, #tpu.memory_space<semaphore_mem>>, %arg20: memref<!tpu.dma_semaphore, #tpu.memory_space<semaphore_mem>>, %arg21: memref<!tpu.dma_semaphore, #tpu.memory_space<semaphore_mem>>, %arg22: memref<!tpu.dma_semaphore, #tpu.memory_space<semaphore_mem>>) attributes {dimension_semantics = [#tpu.dimension_semantics<core_parallel>, #tpu.dimension_semantics<subcore_parallel>], iteration_bounds = array<i64: 2, 16>, scalar_prefetch = 0 : i64, scratch_operands = 17 : i64, tpu.core_type = #tpu.core_type<sc_vector_subcore>, window_params = [{transform_indices = #map}, {transform_indices = #map1}, {transform_indices = #map}, {transform_indices = #map2}]} {
    %mul3A = arith.constant 16 : i32
    %mul3A_0 = arith.muli %arg0, %mul3A : i32
    %add3A = arith.addi %mul3A_0, %arg1 : i32
    %run_scoped3A = arith.constant 0 : i32
    "tpu.region"() ({
      %run_scoped3A_209 = tpu.sem_alloc : memref<!tpu.dma_semaphore, #tpu.memory_space<semaphore_mem>>
      %dma_start3A_210 = arith.constant 0 : i32
      %dma_start3A_211 = arith.constant 0 : i32
      %dma_start3A_212 = arith.constant 0 : i32
      %dma_start3A_213 = tpu.memref_slice %arg3[%add3A, %dma_start3A_210, %dma_start3A_211, %dma_start3A_212] : memref<32x79x2x128xi32, #tpu.memory_space<hbm>> -> memref<1x79x2x128xi32, #tpu.memory_space<hbm>>
      %dma_start3A_214 = tpu.memref_squeeze %dma_start3A_213 : memref<1x79x2x128xi32, #tpu.memory_space<hbm>> -> memref<79x2x128xi32, #tpu.memory_space<hbm>>
      %dma_start3A_215 = arith.constant 0 : i32
      %dma_start3A_216 = arith.constant 0 : i32
      %dma_start3A_217 = tpu.memref_slice %dma_start3A_214[%run_scoped3A, %dma_start3A_215, %dma_start3A_216] : memref<79x2x128xi32, #tpu.memory_space<hbm>> -> memref<1x2x128xi32, #tpu.memory_space<hbm>>
      %dma_start3A_218 = tpu.memref_squeeze %dma_start3A_217 : memref<1x2x128xi32, #tpu.memory_space<hbm>> -> memref<2x128xi32, #tpu.memory_space<hbm>>
      %dma_start3A_219 = arith.constant 0 : i32
      %dma_start3A_220 = arith.constant 0 : i32
      %dma_start3A_221 = arith.constant 0 : i32
      %dma_start3A_222 = tpu.memref_slice %arg3[%add3A, %dma_start3A_219, %dma_start3A_220, %dma_start3A_221] : memref<32x79x2x128xi32, #tpu.memory_space<hbm>> -> memref<1x79x2x128xi32, #tpu.memory_space<hbm>>
      %dma_start3A_223 = tpu.memref_squeeze %dma_start3A_222 : memref<1x79x2x128xi32, #tpu.memory_space<hbm>> -> memref<79x2x128xi32, #tpu.memory_space<hbm>>
      %dma_start3A_224 = arith.constant 0 : i32
      %dma_start3A_225 = arith.constant 0 : i32
      %dma_start3A_226 = tpu.memref_slice %dma_start3A_223[%run_scoped3A, %dma_start3A_224, %dma_start3A_225] : memref<79x2x128xi32, #tpu.memory_space<hbm>> -> memref<1x2x128xi32, #tpu.memory_space<hbm>>
      %dma_start3A_227 = tpu.memref_squeeze %dma_start3A_226 : memref<1x2x128xi32, #tpu.memory_space<hbm>> -> memref<2x128xi32, #tpu.memory_space<hbm>>
      tpu.enqueue_dma source(%dma_start3A_227 : memref<2x128xi32, #tpu.memory_space<hbm>>) target(%arg6 : memref<2x128xi32, #tpu.memory_space<vmem>>) target_semaphore(%run_scoped3A_209 : memref<!tpu.dma_semaphore, #tpu.memory_space<semaphore_mem>>)
      %dma_wait3A_228 = arith.constant 0 : i32
      %dma_wait3A_229 = arith.constant 0 : i32
      %dma_wait3A_230 = arith.constant 0 : i32
      %dma_wait3A_231 = tpu.memref_slice %arg3[%add3A, %dma_wait3A_228, %dma_wait3A_229, %dma_wait3A_230] : memref<32x79x2x128xi32, #tpu.memory_space<hbm>> -> memref<1x79x2x128xi32, #tpu.memory_space<hbm>>
      %dma_wait3A_232 = tpu.memref_squeeze %dma_wait3A_231 : memref<1x79x2x128xi32, #tpu.memory_space<hbm>> -> memref<79x2x128xi32, #tpu.memory_space<hbm>>
      %dma_wait3A_233 = arith.constant 0 : i32
      %dma_wait3A_234 = arith.constant 0 : i32
      %dma_wait3A_235 = tpu.memref_slice %dma_wait3A_232[%run_scoped3A, %dma_wait3A_233, %dma_wait3A_234] : memref<79x2x128xi32, #tpu.memory_space<hbm>> -> memref<1x2x128xi32, #tpu.memory_space<hbm>>
      %dma_wait3A_236 = tpu.memref_squeeze %dma_wait3A_235 : memref<1x2x128xi32, #tpu.memory_space<hbm>> -> memref<2x128xi32, #tpu.memory_space<hbm>>
      %dma_wait3A_237 = arith.constant 0 : i32
      %dma_wait3A_238 = arith.constant 0 : i32
      %dma_wait3A_239 = arith.constant 0 : i32
      %dma_wait3A_240 = tpu.memref_slice %arg3[%add3A, %dma_wait3A_237, %dma_wait3A_238, %dma_wait3A_239] : memref<32x79x2x128xi32, #tpu.memory_space<hbm>> -> memref<1x79x2x128xi32, #tpu.memory_space<hbm>>
      %dma_wait3A_241 = tpu.memref_squeeze %dma_wait3A_240 : memref<1x79x2x128xi32, #tpu.memory_space<hbm>> -> memref<79x2x128xi32, #tpu.memory_space<hbm>>
      %dma_wait3A_242 = arith.constant 0 : i32
      %dma_wait3A_243 = arith.constant 0 : i32
      %dma_wait3A_244 = tpu.memref_slice %dma_wait3A_241[%run_scoped3A, %dma_wait3A_242, %dma_wait3A_243] : memref<79x2x128xi32, #tpu.memory_space<hbm>> -> memref<1x2x128xi32, #tpu.memory_space<hbm>>
      %dma_wait3A_245 = tpu.memref_squeeze %dma_wait3A_244 : memref<1x2x128xi32, #tpu.memory_space<hbm>> -> memref<2x128xi32, #tpu.memory_space<hbm>>
      tpu.wait_dma2 semaphore(%run_scoped3A_209 : memref<!tpu.dma_semaphore, #tpu.memory_space<semaphore_mem>>) src(%dma_wait3A_245 : memref<2x128xi32, #tpu.memory_space<hbm>>) dst(%arg6 : memref<2x128xi32, #tpu.memory_space<vmem>>)
      tpu.yield
    }) : () -> ()
    %dma_start3A = arith.constant 1 : i32
    %dma_start3A_1 = arith.constant 0 : i32
    %dma_start3A_2 = arith.constant 0 : i32
    %dma_start3A_3 = arith.constant 0 : i32
    %dma_start3A_4 = tpu.memref_slice %arg3[%add3A, %dma_start3A_1, %dma_start3A_2, %dma_start3A_3] : memref<32x79x2x128xi32, #tpu.memory_space<hbm>> -> memref<1x79x2x128xi32, #tpu.memory_space<hbm>>
    %dma_start3A_5 = tpu.memref_squeeze %dma_start3A_4 : memref<1x79x2x128xi32, #tpu.memory_space<hbm>> -> memref<79x2x128xi32, #tpu.memory_space<hbm>>
    %dma_start3A_6 = arith.constant 0 : i32
    %dma_start3A_7 = arith.constant 0 : i32
    %dma_start3A_8 = tpu.memref_slice %dma_start3A_5[%dma_start3A, %dma_start3A_6, %dma_start3A_7] : memref<79x2x128xi32, #tpu.memory_space<hbm>> -> memref<1x2x128xi32, #tpu.memory_space<hbm>>
    %dma_start3A_9 = tpu.memref_squeeze %dma_start3A_8 : memref<1x2x128xi32, #tpu.memory_space<hbm>> -> memref<2x128xi32, #tpu.memory_space<hbm>>
    %dma_start3A_10 = arith.constant 0 : i32
    %dma_start3A_11 = arith.constant 0 : i32
    %dma_start3A_12 = arith.constant 0 : i32
    %dma_start3A_13 = tpu.memref_slice %arg3[%add3A, %dma_start3A_10, %dma_start3A_11, %dma_start3A_12] : memref<32x79x2x128xi32, #tpu.memory_space<hbm>> -> memref<1x79x2x128xi32, #tpu.memory_space<hbm>>
    %dma_start3A_14 = tpu.memref_squeeze %dma_start3A_13 : memref<1x79x2x128xi32, #tpu.memory_space<hbm>> -> memref<79x2x128xi32, #tpu.memory_space<hbm>>
    %dma_start3A_15 = arith.constant 0 : i32
    %dma_start3A_16 = arith.constant 0 : i32
    %dma_start3A_17 = tpu.memref_slice %dma_start3A_14[%dma_start3A, %dma_start3A_15, %dma_start3A_16] : memref<79x2x128xi32, #tpu.memory_space<hbm>> -> memref<1x2x128xi32, #tpu.memory_space<hbm>>
    %dma_start3A_18 = tpu.memref_squeeze %dma_start3A_17 : memref<1x2x128xi32, #tpu.memory_space<hbm>> -> memref<2x128xi32, #tpu.memory_space<hbm>>
    tpu.enqueue_dma source(%dma_start3A_18 : memref<2x128xi32, #tpu.memory_space<hbm>>) target(%arg7 : memref<2x128xi32, #tpu.memory_space<vmem>>) target_semaphore(%arg15 : memref<!tpu.dma_semaphore, #tpu.memory_space<semaphore_mem>>)
    %dma_start3A_19 = arith.constant 0 : i32
    %dma_start3A_20 = arith.constant 0 : i32
    %dma_start3A_21 = tpu.memref_slice %arg6[%dma_start3A_19, %dma_start3A_20] : memref<2x128xi32, #tpu.memory_space<vmem>> -> memref<1x128xi32, #tpu.memory_space<vmem>>
    %dma_start3A_22 = tpu.memref_squeeze %dma_start3A_21 : memref<1x128xi32, #tpu.memory_space<vmem>> -> memref<128xi32, #tpu.memory_space<vmem>>
    %dma_start3A_23 = arith.constant 0 : i32
    %dma_start3A_24 = arith.constant 0 : i32
    %dma_start3A_25 = tpu.memref_slice %arg2[%dma_start3A_23, %dma_start3A_24] : memref<20000x128xf32, #tpu.memory_space<hbm>> -> memref<20000x128xf32, #tpu.memory_space<hbm>>
    tpu.enqueue_indirect_dma source(%dma_start3A_25 : memref<20000x128xf32, #tpu.memory_space<hbm>>) target(%arg10 : memref<128x128xf32, #tpu.memory_space<vmem>>) offsets(%dma_start3A_22 : memref<128xi32, #tpu.memory_space<vmem>>) semaphore(%arg18 : memref<!tpu.dma_semaphore, #tpu.memory_space<semaphore_mem>>)
    "tpu.region"() ({
      %run_scoped3A_209 = tpu.sem_alloc : memref<!tpu.dma_semaphore, #tpu.memory_space<semaphore_mem>>
      tpu.enqueue_dma source(%arg4 : memref<64x128xf32, #tpu.memory_space<hbm>>) target(%arg12 : memref<64x128xf32, #tpu.memory_space<vmem>>) target_semaphore(%run_scoped3A_209 : memref<!tpu.dma_semaphore, #tpu.memory_space<semaphore_mem>>)
      tpu.wait_dma2 semaphore(%run_scoped3A_209 : memref<!tpu.dma_semaphore, #tpu.memory_space<semaphore_mem>>) src(%arg4 : memref<64x128xf32, #tpu.memory_space<hbm>>) dst(%arg12 : memref<64x128xf32, #tpu.memory_space<vmem>>)
      tpu.yield
    }) : () -> ()
    %mul3A_26 = arith.constant 640 : i32
    %mul3A_27 = arith.muli %arg1, %mul3A_26 : i32
    %add3A_28 = arith.constant 0 : i32
    %add3A_29 = arith.addi %mul3A_27, %add3A_28 : i32
    %dma_start3A_30 = arith.constant 0 : i32
    %dma_start3A_31 = tpu.memref_slice %arg13[%add3A_29, %dma_start3A_30] : memref<10240x128xf32, #tpu.memory_space<vmem_shared>> -> memref<64x128xf32, #tpu.memory_space<vmem_shared>>
    %dma_start3A_32 = arith.constant 0 : i32
    %dma_start3A_33 = tpu.memref_slice %arg13[%add3A_29, %dma_start3A_32] : memref<10240x128xf32, #tpu.memory_space<vmem_shared>> -> memref<64x128xf32, #tpu.memory_space<vmem_shared>>
    tpu.enqueue_dma source(%arg12 : memref<64x128xf32, #tpu.memory_space<vmem>>) target(%dma_start3A_33 : memref<64x128xf32, #tpu.memory_space<vmem_shared>>) target_semaphore(%arg22 : memref<!tpu.dma_semaphore, #tpu.memory_space<semaphore_mem>>)
    %mul3A_34 = arith.constant 640 : i32
    %mul3A_35 = arith.muli %arg1, %mul3A_34 : i32
    %add3A_36 = arith.constant 64 : i32
    %add3A_37 = arith.addi %mul3A_35, %add3A_36 : i32
    %dma_start3A_38 = arith.constant 0 : i32
    %dma_start3A_39 = tpu.memref_slice %arg13[%add3A_37, %dma_start3A_38] : memref<10240x128xf32, #tpu.memory_space<vmem_shared>> -> memref<64x128xf32, #tpu.memory_space<vmem_shared>>
    %dma_start3A_40 = arith.constant 0 : i32
    %dma_start3A_41 = tpu.memref_slice %arg13[%add3A_37, %dma_start3A_40] : memref<10240x128xf32, #tpu.memory_space<vmem_shared>> -> memref<64x128xf32, #tpu.memory_space<vmem_shared>>
    tpu.enqueue_dma source(%arg12 : memref<64x128xf32, #tpu.memory_space<vmem>>) target(%dma_start3A_41 : memref<64x128xf32, #tpu.memory_space<vmem_shared>>) target_semaphore(%arg22 : memref<!tpu.dma_semaphore, #tpu.memory_space<semaphore_mem>>)
    %mul3A_42 = arith.constant 640 : i32
    %mul3A_43 = arith.muli %arg1, %mul3A_42 : i32
    %add3A_44 = arith.constant 128 : i32
    %add3A_45 = arith.addi %mul3A_43, %add3A_44 : i32
    %dma_start3A_46 = arith.constant 0 : i32
    %dma_start3A_47 = tpu.memref_slice %arg13[%add3A_45, %dma_start3A_46] : memref<10240x128xf32, #tpu.memory_space<vmem_shared>> -> memref<64x128xf32, #tpu.memory_space<vmem_shared>>
    %dma_start3A_48 = arith.constant 0 : i32
    %dma_start3A_49 = tpu.memref_slice %arg13[%add3A_45, %dma_start3A_48] : memref<10240x128xf32, #tpu.memory_space<vmem_shared>> -> memref<64x128xf32, #tpu.memory_space<vmem_shared>>
    tpu.enqueue_dma source(%arg12 : memref<64x128xf32, #tpu.memory_space<vmem>>) target(%dma_start3A_49 : memref<64x128xf32, #tpu.memory_space<vmem_shared>>) target_semaphore(%arg22 : memref<!tpu.dma_semaphore, #tpu.memory_space<semaphore_mem>>)
    %mul3A_50 = arith.constant 640 : i32
    %mul3A_51 = arith.muli %arg1, %mul3A_50 : i32
    %add3A_52 = arith.constant 192 : i32
    %add3A_53 = arith.addi %mul3A_51, %add3A_52 : i32
    %dma_start3A_54 = arith.constant 0 : i32
    %dma_start3A_55 = tpu.memref_slice %arg13[%add3A_53, %dma_start3A_54] : memref<10240x128xf32, #tpu.memory_space<vmem_shared>> -> memref<64x128xf32, #tpu.memory_space<vmem_shared>>
    %dma_start3A_56 = arith.constant 0 : i32
    %dma_start3A_57 = tpu.memref_slice %arg13[%add3A_53, %dma_start3A_56] : memref<10240x128xf32, #tpu.memory_space<vmem_shared>> -> memref<64x128xf32, #tpu.memory_space<vmem_shared>>
    tpu.enqueue_dma source(%arg12 : memref<64x128xf32, #tpu.memory_space<vmem>>) target(%dma_start3A_57 : memref<64x128xf32, #tpu.memory_space<vmem_shared>>) target_semaphore(%arg22 : memref<!tpu.dma_semaphore, #tpu.memory_space<semaphore_mem>>)
    %mul3A_58 = arith.constant 640 : i32
    %mul3A_59 = arith.muli %arg1, %mul3A_58 : i32
    %add3A_60 = arith.constant 256 : i32
    %add3A_61 = arith.addi %mul3A_59, %add3A_60 : i32
    %dma_start3A_62 = arith.constant 0 : i32
    %dma_start3A_63 = tpu.memref_slice %arg13[%add3A_61, %dma_start3A_62] : memref<10240x128xf32, #tpu.memory_space<vmem_shared>> -> memref<64x128xf32, #tpu.memory_space<vmem_shared>>
    %dma_start3A_64 = arith.constant 0 : i32
    %dma_start3A_65 = tpu.memref_slice %arg13[%add3A_61, %dma_start3A_64] : memref<10240x128xf32, #tpu.memory_space<vmem_shared>> -> memref<64x128xf32, #tpu.memory_space<vmem_shared>>
    tpu.enqueue_dma source(%arg12 : memref<64x128xf32, #tpu.memory_space<vmem>>) target(%dma_start3A_65 : memref<64x128xf32, #tpu.memory_space<vmem_shared>>) target_semaphore(%arg22 : memref<!tpu.dma_semaphore, #tpu.memory_space<semaphore_mem>>)
    %mul3A_66 = arith.constant 640 : i32
    %mul3A_67 = arith.muli %arg1, %mul3A_66 : i32
    %add3A_68 = arith.constant 320 : i32
    %add3A_69 = arith.addi %mul3A_67, %add3A_68 : i32
    %dma_start3A_70 = arith.constant 0 : i32
    %dma_start3A_71 = tpu.memref_slice %arg13[%add3A_69, %dma_start3A_70] : memref<10240x128xf32, #tpu.memory_space<vmem_shared>> -> memref<64x128xf32, #tpu.memory_space<vmem_shared>>
    %dma_start3A_72 = arith.constant 0 : i32
    %dma_start3A_73 = tpu.memref_slice %arg13[%add3A_69, %dma_start3A_72] : memref<10240x128xf32, #tpu.memory_space<vmem_shared>> -> memref<64x128xf32, #tpu.memory_space<vmem_shared>>
    tpu.enqueue_dma source(%arg12 : memref<64x128xf32, #tpu.memory_space<vmem>>) target(%dma_start3A_73 : memref<64x128xf32, #tpu.memory_space<vmem_shared>>) target_semaphore(%arg22 : memref<!tpu.dma_semaphore, #tpu.memory_space<semaphore_mem>>)
    %mul3A_74 = arith.constant 640 : i32
    %mul3A_75 = arith.muli %arg1, %mul3A_74 : i32
    %add3A_76 = arith.constant 384 : i32
    %add3A_77 = arith.addi %mul3A_75, %add3A_76 : i32
    %dma_start3A_78 = arith.constant 0 : i32
    %dma_start3A_79 = tpu.memref_slice %arg13[%add3A_77, %dma_start3A_78] : memref<10240x128xf32, #tpu.memory_space<vmem_shared>> -> memref<64x128xf32, #tpu.memory_space<vmem_shared>>
    %dma_start3A_80 = arith.constant 0 : i32
    %dma_start3A_81 = tpu.memref_slice %arg13[%add3A_77, %dma_start3A_80] : memref<10240x128xf32, #tpu.memory_space<vmem_shared>> -> memref<64x128xf32, #tpu.memory_space<vmem_shared>>
    tpu.enqueue_dma source(%arg12 : memref<64x128xf32, #tpu.memory_space<vmem>>) target(%dma_start3A_81 : memref<64x128xf32, #tpu.memory_space<vmem_shared>>) target_semaphore(%arg22 : memref<!tpu.dma_semaphore, #tpu.memory_space<semaphore_mem>>)
    %mul3A_82 = arith.constant 640 : i32
    %mul3A_83 = arith.muli %arg1, %mul3A_82 : i32
    %add3A_84 = arith.constant 448 : i32
    %add3A_85 = arith.addi %mul3A_83, %add3A_84 : i32
    %dma_start3A_86 = arith.constant 0 : i32
    %dma_start3A_87 = tpu.memref_slice %arg13[%add3A_85, %dma_start3A_86] : memref<10240x128xf32, #tpu.memory_space<vmem_shared>> -> memref<64x128xf32, #tpu.memory_space<vmem_shared>>
    %dma_start3A_88 = arith.constant 0 : i32
    %dma_start3A_89 = tpu.memref_slice %arg13[%add3A_85, %dma_start3A_88] : memref<10240x128xf32, #tpu.memory_space<vmem_shared>> -> memref<64x128xf32, #tpu.memory_space<vmem_shared>>
    tpu.enqueue_dma source(%arg12 : memref<64x128xf32, #tpu.memory_space<vmem>>) target(%dma_start3A_89 : memref<64x128xf32, #tpu.memory_space<vmem_shared>>) target_semaphore(%arg22 : memref<!tpu.dma_semaphore, #tpu.memory_space<semaphore_mem>>)
    %mul3A_90 = arith.constant 640 : i32
    %mul3A_91 = arith.muli %arg1, %mul3A_90 : i32
    %add3A_92 = arith.constant 512 : i32
    %add3A_93 = arith.addi %mul3A_91, %add3A_92 : i32
    %dma_start3A_94 = arith.constant 0 : i32
    %dma_start3A_95 = tpu.memref_slice %arg13[%add3A_93, %dma_start3A_94] : memref<10240x128xf32, #tpu.memory_space<vmem_shared>> -> memref<64x128xf32, #tpu.memory_space<vmem_shared>>
    %dma_start3A_96 = arith.constant 0 : i32
    %dma_start3A_97 = tpu.memref_slice %arg13[%add3A_93, %dma_start3A_96] : memref<10240x128xf32, #tpu.memory_space<vmem_shared>> -> memref<64x128xf32, #tpu.memory_space<vmem_shared>>
    tpu.enqueue_dma source(%arg12 : memref<64x128xf32, #tpu.memory_space<vmem>>) target(%dma_start3A_97 : memref<64x128xf32, #tpu.memory_space<vmem_shared>>) target_semaphore(%arg22 : memref<!tpu.dma_semaphore, #tpu.memory_space<semaphore_mem>>)
    %mul3A_98 = arith.constant 640 : i32
    %mul3A_99 = arith.muli %arg1, %mul3A_98 : i32
    %add3A_100 = arith.constant 576 : i32
    %add3A_101 = arith.addi %mul3A_99, %add3A_100 : i32
    %dma_start3A_102 = arith.constant 0 : i32
    %dma_start3A_103 = tpu.memref_slice %arg13[%add3A_101, %dma_start3A_102] : memref<10240x128xf32, #tpu.memory_space<vmem_shared>> -> memref<64x128xf32, #tpu.memory_space<vmem_shared>>
    %dma_start3A_104 = arith.constant 0 : i32
    %dma_start3A_105 = tpu.memref_slice %arg13[%add3A_101, %dma_start3A_104] : memref<10240x128xf32, #tpu.memory_space<vmem_shared>> -> memref<64x128xf32, #tpu.memory_space<vmem_shared>>
    tpu.enqueue_dma source(%arg12 : memref<64x128xf32, #tpu.memory_space<vmem>>) target(%dma_start3A_105 : memref<64x128xf32, #tpu.memory_space<vmem_shared>>) target_semaphore(%arg22 : memref<!tpu.dma_semaphore, #tpu.memory_space<semaphore_mem>>)
    %mul3A_106 = arith.constant 640 : i32
    %mul3A_107 = arith.muli %arg1, %mul3A_106 : i32
    %add3A_108 = arith.constant 0 : i32
    %add3A_109 = arith.addi %mul3A_107, %add3A_108 : i32
    %dma_wait3A = arith.constant 0 : i32
    %dma_wait3A_110 = tpu.memref_slice %arg13[%add3A_109, %dma_wait3A] : memref<10240x128xf32, #tpu.memory_space<vmem_shared>> -> memref<64x128xf32, #tpu.memory_space<vmem_shared>>
    %dma_wait3A_111 = arith.constant 0 : i32
    %dma_wait3A_112 = tpu.memref_slice %arg13[%add3A_109, %dma_wait3A_111] : memref<10240x128xf32, #tpu.memory_space<vmem_shared>> -> memref<64x128xf32, #tpu.memory_space<vmem_shared>>
    tpu.wait_dma2 semaphore(%arg22 : memref<!tpu.dma_semaphore, #tpu.memory_space<semaphore_mem>>) src(%arg12 : memref<64x128xf32, #tpu.memory_space<vmem>>) dst(%dma_wait3A_112 : memref<64x128xf32, #tpu.memory_space<vmem_shared>>)
    %mul3A_113 = arith.constant 640 : i32
    %mul3A_114 = arith.muli %arg1, %mul3A_113 : i32
    %add3A_115 = arith.constant 64 : i32
    %add3A_116 = arith.addi %mul3A_114, %add3A_115 : i32
    %dma_wait3A_117 = arith.constant 0 : i32
    %dma_wait3A_118 = tpu.memref_slice %arg13[%add3A_116, %dma_wait3A_117] : memref<10240x128xf32, #tpu.memory_space<vmem_shared>> -> memref<64x128xf32, #tpu.memory_space<vmem_shared>>
    %dma_wait3A_119 = arith.constant 0 : i32
    %dma_wait3A_120 = tpu.memref_slice %arg13[%add3A_116, %dma_wait3A_119] : memref<10240x128xf32, #tpu.memory_space<vmem_shared>> -> memref<64x128xf32, #tpu.memory_space<vmem_shared>>
    tpu.wait_dma2 semaphore(%arg22 : memref<!tpu.dma_semaphore, #tpu.memory_space<semaphore_mem>>) src(%arg12 : memref<64x128xf32, #tpu.memory_space<vmem>>) dst(%dma_wait3A_120 : memref<64x128xf32, #tpu.memory_space<vmem_shared>>)
    %mul3A_121 = arith.constant 640 : i32
    %mul3A_122 = arith.muli %arg1, %mul3A_121 : i32
    %add3A_123 = arith.constant 128 : i32
    %add3A_124 = arith.addi %mul3A_122, %add3A_123 : i32
    %dma_wait3A_125 = arith.constant 0 : i32
    %dma_wait3A_126 = tpu.memref_slice %arg13[%add3A_124, %dma_wait3A_125] : memref<10240x128xf32, #tpu.memory_space<vmem_shared>> -> memref<64x128xf32, #tpu.memory_space<vmem_shared>>
    %dma_wait3A_127 = arith.constant 0 : i32
    %dma_wait3A_128 = tpu.memref_slice %arg13[%add3A_124, %dma_wait3A_127] : memref<10240x128xf32, #tpu.memory_space<vmem_shared>> -> memref<64x128xf32, #tpu.memory_space<vmem_shared>>
    tpu.wait_dma2 semaphore(%arg22 : memref<!tpu.dma_semaphore, #tpu.memory_space<semaphore_mem>>) src(%arg12 : memref<64x128xf32, #tpu.memory_space<vmem>>) dst(%dma_wait3A_128 : memref<64x128xf32, #tpu.memory_space<vmem_shared>>)
    %mul3A_129 = arith.constant 640 : i32
    %mul3A_130 = arith.muli %arg1, %mul3A_129 : i32
    %add3A_131 = arith.constant 192 : i32
    %add3A_132 = arith.addi %mul3A_130, %add3A_131 : i32
    %dma_wait3A_133 = arith.constant 0 : i32
    %dma_wait3A_134 = tpu.memref_slice %arg13[%add3A_132, %dma_wait3A_133] : memref<10240x128xf32, #tpu.memory_space<vmem_shared>> -> memref<64x128xf32, #tpu.memory_space<vmem_shared>>
    %dma_wait3A_135 = arith.constant 0 : i32
    %dma_wait3A_136 = tpu.memref_slice %arg13[%add3A_132, %dma_wait3A_135] : memref<10240x128xf32, #tpu.memory_space<vmem_shared>> -> memref<64x128xf32, #tpu.memory_space<vmem_shared>>
    tpu.wait_dma2 semaphore(%arg22 : memref<!tpu.dma_semaphore, #tpu.memory_space<semaphore_mem>>) src(%arg12 : memref<64x128xf32, #tpu.memory_space<vmem>>) dst(%dma_wait3A_136 : memref<64x128xf32, #tpu.memory_space<vmem_shared>>)
    %mul3A_137 = arith.constant 640 : i32
    %mul3A_138 = arith.muli %arg1, %mul3A_137 : i32
    %add3A_139 = arith.constant 256 : i32
    %add3A_140 = arith.addi %mul3A_138, %add3A_139 : i32
    %dma_wait3A_141 = arith.constant 0 : i32
    %dma_wait3A_142 = tpu.memref_slice %arg13[%add3A_140, %dma_wait3A_141] : memref<10240x128xf32, #tpu.memory_space<vmem_shared>> -> memref<64x128xf32, #tpu.memory_space<vmem_shared>>
    %dma_wait3A_143 = arith.constant 0 : i32
    %dma_wait3A_144 = tpu.memref_slice %arg13[%add3A_140, %dma_wait3A_143] : memref<10240x128xf32, #tpu.memory_space<vmem_shared>> -> memref<64x128xf32, #tpu.memory_space<vmem_shared>>
    tpu.wait_dma2 semaphore(%arg22 : memref<!tpu.dma_semaphore, #tpu.memory_space<semaphore_mem>>) src(%arg12 : memref<64x128xf32, #tpu.memory_space<vmem>>) dst(%dma_wait3A_144 : memref<64x128xf32, #tpu.memory_space<vmem_shared>>)
    %mul3A_145 = arith.constant 640 : i32
    %mul3A_146 = arith.muli %arg1, %mul3A_145 : i32
    %add3A_147 = arith.constant 320 : i32
    %add3A_148 = arith.addi %mul3A_146, %add3A_147 : i32
    %dma_wait3A_149 = arith.constant 0 : i32
    %dma_wait3A_150 = tpu.memref_slice %arg13[%add3A_148, %dma_wait3A_149] : memref<10240x128xf32, #tpu.memory_space<vmem_shared>> -> memref<64x128xf32, #tpu.memory_space<vmem_shared>>
    %dma_wait3A_151 = arith.constant 0 : i32
    %dma_wait3A_152 = tpu.memref_slice %arg13[%add3A_148, %dma_wait3A_151] : memref<10240x128xf32, #tpu.memory_space<vmem_shared>> -> memref<64x128xf32, #tpu.memory_space<vmem_shared>>
    tpu.wait_dma2 semaphore(%arg22 : memref<!tpu.dma_semaphore, #tpu.memory_space<semaphore_mem>>) src(%arg12 : memref<64x128xf32, #tpu.memory_space<vmem>>) dst(%dma_wait3A_152 : memref<64x128xf32, #tpu.memory_space<vmem_shared>>)
    %mul3A_153 = arith.constant 640 : i32
    %mul3A_154 = arith.muli %arg1, %mul3A_153 : i32
    %add3A_155 = arith.constant 384 : i32
    %add3A_156 = arith.addi %mul3A_154, %add3A_155 : i32
    %dma_wait3A_157 = arith.constant 0 : i32
    %dma_wait3A_158 = tpu.memref_slice %arg13[%add3A_156, %dma_wait3A_157] : memref<10240x128xf32, #tpu.memory_space<vmem_shared>> -> memref<64x128xf32, #tpu.memory_space<vmem_shared>>
    %dma_wait3A_159 = arith.constant 0 : i32
    %dma_wait3A_160 = tpu.memref_slice %arg13[%add3A_156, %dma_wait3A_159] : memref<10240x128xf32, #tpu.memory_space<vmem_shared>> -> memref<64x128xf32, #tpu.memory_space<vmem_shared>>
    tpu.wait_dma2 semaphore(%arg22 : memref<!tpu.dma_semaphore, #tpu.memory_space<semaphore_mem>>) src(%arg12 : memref<64x128xf32, #tpu.memory_space<vmem>>) dst(%dma_wait3A_160 : memref<64x128xf32, #tpu.memory_space<vmem_shared>>)
    %mul3A_161 = arith.constant 640 : i32
    %mul3A_162 = arith.muli %arg1, %mul3A_161 : i32
    %add3A_163 = arith.constant 448 : i32
    %add3A_164 = arith.addi %mul3A_162, %add3A_163 : i32
    %dma_wait3A_165 = arith.constant 0 : i32
    %dma_wait3A_166 = tpu.memref_slice %arg13[%add3A_164, %dma_wait3A_165] : memref<10240x128xf32, #tpu.memory_space<vmem_shared>> -> memref<64x128xf32, #tpu.memory_space<vmem_shared>>
    %dma_wait3A_167 = arith.constant 0 : i32
    %dma_wait3A_168 = tpu.memref_slice %arg13[%add3A_164, %dma_wait3A_167] : memref<10240x128xf32, #tpu.memory_space<vmem_shared>> -> memref<64x128xf32, #tpu.memory_space<vmem_shared>>
    tpu.wait_dma2 semaphore(%arg22 : memref<!tpu.dma_semaphore, #tpu.memory_space<semaphore_mem>>) src(%arg12 : memref<64x128xf32, #tpu.memory_space<vmem>>) dst(%dma_wait3A_168 : memref<64x128xf32, #tpu.memory_space<vmem_shared>>)
    %mul3A_169 = arith.constant 640 : i32
    %mul3A_170 = arith.muli %arg1, %mul3A_169 : i32
    %add3A_171 = arith.constant 512 : i32
    %add3A_172 = arith.addi %mul3A_170, %add3A_171 : i32
    %dma_wait3A_173 = arith.constant 0 : i32
    %dma_wait3A_174 = tpu.memref_slice %arg13[%add3A_172, %dma_wait3A_173] : memref<10240x128xf32, #tpu.memory_space<vmem_shared>> -> memref<64x128xf32, #tpu.memory_space<vmem_shared>>
    %dma_wait3A_175 = arith.constant 0 : i32
    %dma_wait3A_176 = tpu.memref_slice %arg13[%add3A_172, %dma_wait3A_175] : memref<10240x128xf32, #tpu.memory_space<vmem_shared>> -> memref<64x128xf32, #tpu.memory_space<vmem_shared>>
    tpu.wait_dma2 semaphore(%arg22 : memref<!tpu.dma_semaphore, #tpu.memory_space<semaphore_mem>>) src(%arg12 : memref<64x128xf32, #tpu.memory_space<vmem>>) dst(%dma_wait3A_176 : memref<64x128xf32, #tpu.memory_space<vmem_shared>>)
    %mul3A_177 = arith.constant 640 : i32
    %mul3A_178 = arith.muli %arg1, %mul3A_177 : i32
    %add3A_179 = arith.constant 576 : i32
    %add3A_180 = arith.addi %mul3A_178, %add3A_179 : i32
    %dma_wait3A_181 = arith.constant 0 : i32
    %dma_wait3A_182 = tpu.memref_slice %arg13[%add3A_180, %dma_wait3A_181] : memref<10240x128xf32, #tpu.memory_space<vmem_shared>> -> memref<64x128xf32, #tpu.memory_space<vmem_shared>>
    %dma_wait3A_183 = arith.constant 0 : i32
    %dma_wait3A_184 = tpu.memref_slice %arg13[%add3A_180, %dma_wait3A_183] : memref<10240x128xf32, #tpu.memory_space<vmem_shared>> -> memref<64x128xf32, #tpu.memory_space<vmem_shared>>
    tpu.wait_dma2 semaphore(%arg22 : memref<!tpu.dma_semaphore, #tpu.memory_space<semaphore_mem>>) src(%arg12 : memref<64x128xf32, #tpu.memory_space<vmem>>) dst(%dma_wait3A_184 : memref<64x128xf32, #tpu.memory_space<vmem_shared>>)
    %barrier3A = arith.constant 0 : index
    tpu.barrier barrier_id(%barrier3A)
    %scan3A = arith.constant 0 : i32
    %scan3A_185 = arith.constant 0 : i32
    %scan3A_186 = arith.constant 79 : i32
    %scan3A_187 = arith.addi %scan3A_185, %scan3A_186 : i32
    %scan3A_188 = arith.constant 1 : i32
    scf.for %scan3A_209 = %scan3A_185 to %scan3A_187 step %scan3A_188  : i32 {
      %jit3A = arith.constant 4 : i32
      %eq3A = arith.constant 0 : i32
      %eq3A_210 = arith.cmpi eq, %jit3A, %eq3A : i32
      %jit3A_211 = arith.constant 1 : i32
      %select_n3A = arith.select %eq3A_210, %jit3A_211, %jit3A : i32
      %rem3A = arith.remsi %scan3A_209, %select_n3A : i32
      %ne3A = arith.constant 0 : i32
      %ne3A_212 = arith.cmpi ne, %rem3A, %ne3A : i32
      %lt3A = arith.constant 0 : i32
      %lt3A_213 = arith.cmpi slt, %rem3A, %lt3A : i32
      %lt3A_214 = arith.constant 0 : i32
      %lt3A_215 = arith.cmpi slt, %select_n3A, %lt3A_214 : i32
      %ne3A_216 = arith.xori %lt3A_213, %lt3A_215 : i1
      %and3A = arith.andi %ne3A_216, %ne3A_212 : i1
      %add3A_217 = arith.addi %rem3A, %select_n3A : i32
      %select_n3A_218 = arith.select %and3A, %add3A_217, %rem3A : i32
      %eq3A_219 = arith.constant 0 : i32
      %eq3A_220 = arith.cmpi eq, %select_n3A_218, %eq3A_219 : i32
      %convert_element_type3A = arith.extui %eq3A_220 : i1 to i32
      %cond3A = arith.constant 0 : i32
      %cond3A_221 = arith.cmpi ne, %convert_element_type3A, %cond3A : i32
      scf.if %cond3A_221 {
        %add3A_285 = arith.constant 1 : i32
        %add3A_286 = arith.addi %scan3A_209, %add3A_285 : i32
        %lt3A_287 = arith.constant 79 : i32
        %lt3A_288 = arith.cmpi slt, %add3A_286, %lt3A_287 : i32
        %convert_element_type3A_289 = arith.extui %lt3A_288 : i1 to i32
        %cond3A_290 = arith.constant 0 : i32
        %cond3A_291 = arith.cmpi ne, %convert_element_type3A_289, %cond3A_290 : i32
        scf.if %cond3A_291 {
          %add3A_313 = arith.constant 1 : i32
          %add3A_314 = arith.addi %scan3A_209, %add3A_313 : i32
          %dma_wait3A_315 = arith.constant 0 : i32
          %dma_wait3A_316 = arith.constant 0 : i32
          %dma_wait3A_317 = arith.constant 0 : i32
          %dma_wait3A_318 = tpu.memref_slice %arg3[%add3A, %dma_wait3A_315, %dma_wait3A_316, %dma_wait3A_317] : memref<32x79x2x128xi32, #tpu.memory_space<hbm>> -> memref<1x79x2x128xi32, #tpu.memory_space<hbm>>
          %dma_wait3A_319 = tpu.memref_squeeze %dma_wait3A_318 : memref<1x79x2x128xi32, #tpu.memory_space<hbm>> -> memref<79x2x128xi32, #tpu.memory_space<hbm>>
          %dma_wait3A_320 = arith.constant 0 : i32
          %dma_wait3A_321 = arith.constant 0 : i32
          %dma_wait3A_322 = tpu.memref_slice %dma_wait3A_319[%add3A_314, %dma_wait3A_320, %dma_wait3A_321] : memref<79x2x128xi32, #tpu.memory_space<hbm>> -> memref<1x2x128xi32, #tpu.memory_space<hbm>>
          %dma_wait3A_323 = tpu.memref_squeeze %dma_wait3A_322 : memref<1x2x128xi32, #tpu.memory_space<hbm>> -> memref<2x128xi32, #tpu.memory_space<hbm>>
          %dma_wait3A_324 = arith.constant 0 : i32
          %dma_wait3A_325 = arith.constant 0 : i32
          %dma_wait3A_326 = arith.constant 0 : i32
          %dma_wait3A_327 = tpu.memref_slice %arg3[%add3A, %dma_wait3A_324, %dma_wait3A_325, %dma_wait3A_326] : memref<32x79x2x128xi32, #tpu.memory_space<hbm>> -> memref<1x79x2x128xi32, #tpu.memory_space<hbm>>
          %dma_wait3A_328 = tpu.memref_squeeze %dma_wait3A_327 : memref<1x79x2x128xi32, #tpu.memory_space<hbm>> -> memref<79x2x128xi32, #tpu.memory_space<hbm>>
          %dma_wait3A_329 = arith.constant 0 : i32
          %dma_wait3A_330 = arith.constant 0 : i32
          %dma_wait3A_331 = tpu.memref_slice %dma_wait3A_328[%add3A_314, %dma_wait3A_329, %dma_wait3A_330] : memref<79x2x128xi32, #tpu.memory_space<hbm>> -> memref<1x2x128xi32, #tpu.memory_space<hbm>>
          %dma_wait3A_332 = tpu.memref_squeeze %dma_wait3A_331 : memref<1x2x128xi32, #tpu.memory_space<hbm>> -> memref<2x128xi32, #tpu.memory_space<hbm>>
          tpu.wait_dma2 semaphore(%arg15 : memref<!tpu.dma_semaphore, #tpu.memory_space<semaphore_mem>>) src(%dma_wait3A_332 : memref<2x128xi32, #tpu.memory_space<hbm>>) dst(%arg7 : memref<2x128xi32, #tpu.memory_space<vmem>>)
          %ge3A = arith.constant 1 : i32
          %ge3A_333 = arith.cmpi sge, %scan3A_209, %ge3A : i32
          %convert_element_type3A_334 = arith.extui %ge3A_333 : i1 to i32
          %cond3A_335 = arith.constant 0 : i32
          %cond3A_336 = arith.cmpi ne, %convert_element_type3A_334, %cond3A_335 : i32
          scf.if %cond3A_336 {
            %dma_wait3A_344 = arith.constant 1 : i32
            %dma_wait3A_345 = arith.constant 0 : i32
            %dma_wait3A_346 = tpu.memref_slice %arg6[%dma_wait3A_344, %dma_wait3A_345] : memref<2x128xi32, #tpu.memory_space<vmem>> -> memref<1x128xi32, #tpu.memory_space<vmem>>
            %dma_wait3A_347 = tpu.memref_squeeze %dma_wait3A_346 : memref<1x128xi32, #tpu.memory_space<vmem>> -> memref<128xi32, #tpu.memory_space<vmem>>
            %dma_wait3A_348 = arith.constant 0 : i32
            %dma_wait3A_349 = arith.constant 0 : i32
            %dma_wait3A_350 = tpu.memref_slice %arg13[%dma_wait3A_348, %dma_wait3A_349] : memref<10240x128xf32, #tpu.memory_space<vmem_shared>> -> memref<10240x128xf32, #tpu.memory_space<vmem_shared>>
            tpu.wait_indirect_dma semaphore(%arg21 : memref<!tpu.dma_semaphore, #tpu.memory_space<semaphore_mem>>) src(%arg11 : memref<128x128xf32, #tpu.memory_space<vmem>>) dst(%dma_wait3A_350 : memref<10240x128xf32, #tpu.memory_space<vmem_shared>>)
          } else {
          }
          %dma_start3A_337 = arith.constant 0 : i32
          %dma_start3A_338 = arith.constant 0 : i32
          %dma_start3A_339 = tpu.memref_slice %arg7[%dma_start3A_337, %dma_start3A_338] : memref<2x128xi32, #tpu.memory_space<vmem>> -> memref<1x128xi32, #tpu.memory_space<vmem>>
          %dma_start3A_340 = tpu.memref_squeeze %dma_start3A_339 : memref<1x128xi32, #tpu.memory_space<vmem>> -> memref<128xi32, #tpu.memory_space<vmem>>
          %dma_start3A_341 = arith.constant 0 : i32
          %dma_start3A_342 = arith.constant 0 : i32
          %dma_start3A_343 = tpu.memref_slice %arg2[%dma_start3A_341, %dma_start3A_342] : memref<20000x128xf32, #tpu.memory_space<hbm>> -> memref<20000x128xf32, #tpu.memory_space<hbm>>
          tpu.enqueue_indirect_dma source(%dma_start3A_343 : memref<20000x128xf32, #tpu.memory_space<hbm>>) target(%arg11 : memref<128x128xf32, #tpu.memory_space<vmem>>) offsets(%dma_start3A_340 : memref<128xi32, #tpu.memory_space<vmem>>) semaphore(%arg19 : memref<!tpu.dma_semaphore, #tpu.memory_space<semaphore_mem>>)
        } else {
        }
        %dma_wait3A_292 = arith.constant 0 : i32
        %dma_wait3A_293 = arith.constant 0 : i32
        %dma_wait3A_294 = tpu.memref_slice %arg6[%dma_wait3A_292, %dma_wait3A_293] : memref<2x128xi32, #tpu.memory_space<vmem>> -> memref<1x128xi32, #tpu.memory_space<vmem>>
        %dma_wait3A_295 = tpu.memref_squeeze %dma_wait3A_294 : memref<1x128xi32, #tpu.memory_space<vmem>> -> memref<128xi32, #tpu.memory_space<vmem>>
        %dma_wait3A_296 = arith.constant 0 : i32
        %dma_wait3A_297 = arith.constant 0 : i32
        %dma_wait3A_298 = tpu.memref_slice %arg2[%dma_wait3A_296, %dma_wait3A_297] : memref<20000x128xf32, #tpu.memory_space<hbm>> -> memref<20000x128xf32, #tpu.memory_space<hbm>>
        tpu.wait_indirect_dma semaphore(%arg18 : memref<!tpu.dma_semaphore, #tpu.memory_space<semaphore_mem>>) src(%dma_wait3A_298 : memref<20000x128xf32, #tpu.memory_space<hbm>>) dst(%arg10 : memref<128x128xf32, #tpu.memory_space<vmem>>)
        %dma_start3A_299 = arith.constant 1 : i32
        %dma_start3A_300 = arith.constant 0 : i32
        %dma_start3A_301 = tpu.memref_slice %arg6[%dma_start3A_299, %dma_start3A_300] : memref<2x128xi32, #tpu.memory_space<vmem>> -> memref<1x128xi32, #tpu.memory_space<vmem>>
        %dma_start3A_302 = tpu.memref_squeeze %dma_start3A_301 : memref<1x128xi32, #tpu.memory_space<vmem>> -> memref<128xi32, #tpu.memory_space<vmem>>
        %dma_start3A_303 = arith.constant 0 : i32
        %dma_start3A_304 = arith.constant 0 : i32
        %dma_start3A_305 = tpu.memref_slice %arg13[%dma_start3A_303, %dma_start3A_304] : memref<10240x128xf32, #tpu.memory_space<vmem_shared>> -> memref<10240x128xf32, #tpu.memory_space<vmem_shared>>
        tpu.enqueue_indirect_dma source(%arg10 : memref<128x128xf32, #tpu.memory_space<vmem>>) target(%dma_start3A_305 : memref<10240x128xf32, #tpu.memory_space<vmem_shared>>) offsets(%dma_start3A_302 : memref<128xi32, #tpu.memory_space<vmem>>) semaphore(%arg20 : memref<!tpu.dma_semaphore, #tpu.memory_space<semaphore_mem>>) {add = true}
        %add3A_306 = arith.constant 2 : i32
        %add3A_307 = arith.addi %scan3A_209, %add3A_306 : i32
        %lt3A_308 = arith.constant 79 : i32
        %lt3A_309 = arith.cmpi slt, %add3A_307, %lt3A_308 : i32
        %convert_element_type3A_310 = arith.extui %lt3A_309 : i1 to i32
        %cond3A_311 = arith.constant 0 : i32
        %cond3A_312 = arith.cmpi ne, %convert_element_type3A_310, %cond3A_311 : i32
        scf.if %cond3A_312 {
          %add3A_313 = arith.constant 2 : i32
          %add3A_314 = arith.addi %scan3A_209, %add3A_313 : i32
          %dma_start3A_315 = arith.constant 0 : i32
          %dma_start3A_316 = arith.constant 0 : i32
          %dma_start3A_317 = arith.constant 0 : i32
          %dma_start3A_318 = tpu.memref_slice %arg3[%add3A, %dma_start3A_315, %dma_start3A_316, %dma_start3A_317] : memref<32x79x2x128xi32, #tpu.memory_space<hbm>> -> memref<1x79x2x128xi32, #tpu.memory_space<hbm>>
          %dma_start3A_319 = tpu.memref_squeeze %dma_start3A_318 : memref<1x79x2x128xi32, #tpu.memory_space<hbm>> -> memref<79x2x128xi32, #tpu.memory_space<hbm>>
          %dma_start3A_320 = arith.constant 0 : i32
          %dma_start3A_321 = arith.constant 0 : i32
          %dma_start3A_322 = tpu.memref_slice %dma_start3A_319[%add3A_314, %dma_start3A_320, %dma_start3A_321] : memref<79x2x128xi32, #tpu.memory_space<hbm>> -> memref<1x2x128xi32, #tpu.memory_space<hbm>>
          %dma_start3A_323 = tpu.memref_squeeze %dma_start3A_322 : memref<1x2x128xi32, #tpu.memory_space<hbm>> -> memref<2x128xi32, #tpu.memory_space<hbm>>
          %dma_start3A_324 = arith.constant 0 : i32
          %dma_start3A_325 = arith.constant 0 : i32
          %dma_start3A_326 = arith.constant 0 : i32
          %dma_start3A_327 = tpu.memref_slice %arg3[%add3A, %dma_start3A_324, %dma_start3A_325, %dma_start3A_326] : memref<32x79x2x128xi32, #tpu.memory_space<hbm>> -> memref<1x79x2x128xi32, #tpu.memory_space<hbm>>
          %dma_start3A_328 = tpu.memref_squeeze %dma_start3A_327 : memref<1x79x2x128xi32, #tpu.memory_space<hbm>> -> memref<79x2x128xi32, #tpu.memory_space<hbm>>
          %dma_start3A_329 = arith.constant 0 : i32
          %dma_start3A_330 = arith.constant 0 : i32
          %dma_start3A_331 = tpu.memref_slice %dma_start3A_328[%add3A_314, %dma_start3A_329, %dma_start3A_330] : memref<79x2x128xi32, #tpu.memory_space<hbm>> -> memref<1x2x128xi32, #tpu.memory_space<hbm>>
          %dma_start3A_332 = tpu.memref_squeeze %dma_start3A_331 : memref<1x2x128xi32, #tpu.memory_space<hbm>> -> memref<2x128xi32, #tpu.memory_space<hbm>>
          tpu.enqueue_dma source(%dma_start3A_332 : memref<2x128xi32, #tpu.memory_space<hbm>>) target(%arg8 : memref<2x128xi32, #tpu.memory_space<vmem>>) target_semaphore(%arg16 : memref<!tpu.dma_semaphore, #tpu.memory_space<semaphore_mem>>)
        } else {
        }
      } else {
      }
      %jit3A_222 = arith.constant 4 : i32
      %eq3A_223 = arith.constant 0 : i32
      %eq3A_224 = arith.cmpi eq, %jit3A_222, %eq3A_223 : i32
      %jit3A_225 = arith.constant 1 : i32
      %select_n3A_226 = arith.select %eq3A_224, %jit3A_225, %jit3A_222 : i32
      %rem3A_227 = arith.remsi %scan3A_209, %select_n3A_226 : i32
      %ne3A_228 = arith.constant 0 : i32
      %ne3A_229 = arith.cmpi ne, %rem3A_227, %ne3A_228 : i32
      %lt3A_230 = arith.constant 0 : i32
      %lt3A_231 = arith.cmpi slt, %rem3A_227, %lt3A_230 : i32
      %lt3A_232 = arith.constant 0 : i32
      %lt3A_233 = arith.cmpi slt, %select_n3A_226, %lt3A_232 : i32
      %ne3A_234 = arith.xori %lt3A_231, %lt3A_233 : i1
      %and3A_235 = arith.andi %ne3A_234, %ne3A_229 : i1
      %add3A_236 = arith.addi %rem3A_227, %select_n3A_226 : i32
      %select_n3A_237 = arith.select %and3A_235, %add3A_236, %rem3A_227 : i32
      %eq3A_238 = arith.constant 1 : i32
      %eq3A_239 = arith.cmpi eq, %select_n3A_237, %eq3A_238 : i32
      %convert_element_type3A_240 = arith.extui %eq3A_239 : i1 to i32
      %cond3A_241 = arith.constant 0 : i32
      %cond3A_242 = arith.cmpi ne, %convert_element_type3A_240, %cond3A_241 : i32
      scf.if %cond3A_242 {
        %add3A_285 = arith.constant 1 : i32
        %add3A_286 = arith.addi %scan3A_209, %add3A_285 : i32
        %lt3A_287 = arith.constant 79 : i32
        %lt3A_288 = arith.cmpi slt, %add3A_286, %lt3A_287 : i32
        %convert_element_type3A_289 = arith.extui %lt3A_288 : i1 to i32
        %cond3A_290 = arith.constant 0 : i32
        %cond3A_291 = arith.cmpi ne, %convert_element_type3A_289, %cond3A_290 : i32
        scf.if %cond3A_291 {
          %add3A_313 = arith.constant 1 : i32
          %add3A_314 = arith.addi %scan3A_209, %add3A_313 : i32
          %dma_wait3A_315 = arith.constant 0 : i32
          %dma_wait3A_316 = arith.constant 0 : i32
          %dma_wait3A_317 = arith.constant 0 : i32
          %dma_wait3A_318 = tpu.memref_slice %arg3[%add3A, %dma_wait3A_315, %dma_wait3A_316, %dma_wait3A_317] : memref<32x79x2x128xi32, #tpu.memory_space<hbm>> -> memref<1x79x2x128xi32, #tpu.memory_space<hbm>>
          %dma_wait3A_319 = tpu.memref_squeeze %dma_wait3A_318 : memref<1x79x2x128xi32, #tpu.memory_space<hbm>> -> memref<79x2x128xi32, #tpu.memory_space<hbm>>
          %dma_wait3A_320 = arith.constant 0 : i32
          %dma_wait3A_321 = arith.constant 0 : i32
          %dma_wait3A_322 = tpu.memref_slice %dma_wait3A_319[%add3A_314, %dma_wait3A_320, %dma_wait3A_321] : memref<79x2x128xi32, #tpu.memory_space<hbm>> -> memref<1x2x128xi32, #tpu.memory_space<hbm>>
          %dma_wait3A_323 = tpu.memref_squeeze %dma_wait3A_322 : memref<1x2x128xi32, #tpu.memory_space<hbm>> -> memref<2x128xi32, #tpu.memory_space<hbm>>
          %dma_wait3A_324 = arith.constant 0 : i32
          %dma_wait3A_325 = arith.constant 0 : i32
          %dma_wait3A_326 = arith.constant 0 : i32
          %dma_wait3A_327 = tpu.memref_slice %arg3[%add3A, %dma_wait3A_324, %dma_wait3A_325, %dma_wait3A_326] : memref<32x79x2x128xi32, #tpu.memory_space<hbm>> -> memref<1x79x2x128xi32, #tpu.memory_space<hbm>>
          %dma_wait3A_328 = tpu.memref_squeeze %dma_wait3A_327 : memref<1x79x2x128xi32, #tpu.memory_space<hbm>> -> memref<79x2x128xi32, #tpu.memory_space<hbm>>
          %dma_wait3A_329 = arith.constant 0 : i32
          %dma_wait3A_330 = arith.constant 0 : i32
          %dma_wait3A_331 = tpu.memref_slice %dma_wait3A_328[%add3A_314, %dma_wait3A_329, %dma_wait3A_330] : memref<79x2x128xi32, #tpu.memory_space<hbm>> -> memref<1x2x128xi32, #tpu.memory_space<hbm>>
          %dma_wait3A_332 = tpu.memref_squeeze %dma_wait3A_331 : memref<1x2x128xi32, #tpu.memory_space<hbm>> -> memref<2x128xi32, #tpu.memory_space<hbm>>
          tpu.wait_dma2 semaphore(%arg16 : memref<!tpu.dma_semaphore, #tpu.memory_space<semaphore_mem>>) src(%dma_wait3A_332 : memref<2x128xi32, #tpu.memory_space<hbm>>) dst(%arg8 : memref<2x128xi32, #tpu.memory_space<vmem>>)
          %ge3A = arith.constant 1 : i32
          %ge3A_333 = arith.cmpi sge, %scan3A_209, %ge3A : i32
          %convert_element_type3A_334 = arith.extui %ge3A_333 : i1 to i32
          %cond3A_335 = arith.constant 0 : i32
          %cond3A_336 = arith.cmpi ne, %convert_element_type3A_334, %cond3A_335 : i32
          scf.if %cond3A_336 {
            %dma_wait3A_344 = arith.constant 1 : i32
            %dma_wait3A_345 = arith.constant 0 : i32
            %dma_wait3A_346 = tpu.memref_slice %arg6[%dma_wait3A_344, %dma_wait3A_345] : memref<2x128xi32, #tpu.memory_space<vmem>> -> memref<1x128xi32, #tpu.memory_space<vmem>>
            %dma_wait3A_347 = tpu.memref_squeeze %dma_wait3A_346 : memref<1x128xi32, #tpu.memory_space<vmem>> -> memref<128xi32, #tpu.memory_space<vmem>>
            %dma_wait3A_348 = arith.constant 0 : i32
            %dma_wait3A_349 = arith.constant 0 : i32
            %dma_wait3A_350 = tpu.memref_slice %arg13[%dma_wait3A_348, %dma_wait3A_349] : memref<10240x128xf32, #tpu.memory_space<vmem_shared>> -> memref<10240x128xf32, #tpu.memory_space<vmem_shared>>
            tpu.wait_indirect_dma semaphore(%arg20 : memref<!tpu.dma_semaphore, #tpu.memory_space<semaphore_mem>>) src(%arg10 : memref<128x128xf32, #tpu.memory_space<vmem>>) dst(%dma_wait3A_350 : memref<10240x128xf32, #tpu.memory_space<vmem_shared>>)
          } else {
          }
          %dma_start3A_337 = arith.constant 0 : i32
          %dma_start3A_338 = arith.constant 0 : i32
          %dma_start3A_339 = tpu.memref_slice %arg8[%dma_start3A_337, %dma_start3A_338] : memref<2x128xi32, #tpu.memory_space<vmem>> -> memref<1x128xi32, #tpu.memory_space<vmem>>
          %dma_start3A_340 = tpu.memref_squeeze %dma_start3A_339 : memref<1x128xi32, #tpu.memory_space<vmem>> -> memref<128xi32, #tpu.memory_space<vmem>>
          %dma_start3A_341 = arith.constant 0 : i32
          %dma_start3A_342 = arith.constant 0 : i32
          %dma_start3A_343 = tpu.memref_slice %arg2[%dma_start3A_341, %dma_start3A_342] : memref<20000x128xf32, #tpu.memory_space<hbm>> -> memref<20000x128xf32, #tpu.memory_space<hbm>>
          tpu.enqueue_indirect_dma source(%dma_start3A_343 : memref<20000x128xf32, #tpu.memory_space<hbm>>) target(%arg10 : memref<128x128xf32, #tpu.memory_space<vmem>>) offsets(%dma_start3A_340 : memref<128xi32, #tpu.memory_space<vmem>>) semaphore(%arg18 : memref<!tpu.dma_semaphore, #tpu.memory_space<semaphore_mem>>)
        } else {
        }
        %dma_wait3A_292 = arith.constant 0 : i32
        %dma_wait3A_293 = arith.constant 0 : i32
        %dma_wait3A_294 = tpu.memref_slice %arg7[%dma_wait3A_292, %dma_wait3A_293] : memref<2x128xi32, #tpu.memory_space<vmem>> -> memref<1x128xi32, #tpu.memory_space<vmem>>
        %dma_wait3A_295 = tpu.memref_squeeze %dma_wait3A_294 : memref<1x128xi32, #tpu.memory_space<vmem>> -> memref<128xi32, #tpu.memory_space<vmem>>
        %dma_wait3A_296 = arith.constant 0 : i32
        %dma_wait3A_297 = arith.constant 0 : i32
        %dma_wait3A_298 = tpu.memref_slice %arg2[%dma_wait3A_296, %dma_wait3A_297] : memref<20000x128xf32, #tpu.memory_space<hbm>> -> memref<20000x128xf32, #tpu.memory_space<hbm>>
        tpu.wait_indirect_dma semaphore(%arg19 : memref<!tpu.dma_semaphore, #tpu.memory_space<semaphore_mem>>) src(%dma_wait3A_298 : memref<20000x128xf32, #tpu.memory_space<hbm>>) dst(%arg11 : memref<128x128xf32, #tpu.memory_space<vmem>>)
        %dma_start3A_299 = arith.constant 1 : i32
        %dma_start3A_300 = arith.constant 0 : i32
        %dma_start3A_301 = tpu.memref_slice %arg7[%dma_start3A_299, %dma_start3A_300] : memref<2x128xi32, #tpu.memory_space<vmem>> -> memref<1x128xi32, #tpu.memory_space<vmem>>
        %dma_start3A_302 = tpu.memref_squeeze %dma_start3A_301 : memref<1x128xi32, #tpu.memory_space<vmem>> -> memref<128xi32, #tpu.memory_space<vmem>>
        %dma_start3A_303 = arith.constant 0 : i32
        %dma_start3A_304 = arith.constant 0 : i32
        %dma_start3A_305 = tpu.memref_slice %arg13[%dma_start3A_303, %dma_start3A_304] : memref<10240x128xf32, #tpu.memory_space<vmem_shared>> -> memref<10240x128xf32, #tpu.memory_space<vmem_shared>>
        tpu.enqueue_indirect_dma source(%arg11 : memref<128x128xf32, #tpu.memory_space<vmem>>) target(%dma_start3A_305 : memref<10240x128xf32, #tpu.memory_space<vmem_shared>>) offsets(%dma_start3A_302 : memref<128xi32, #tpu.memory_space<vmem>>) semaphore(%arg21 : memref<!tpu.dma_semaphore, #tpu.memory_space<semaphore_mem>>) {add = true}
        %add3A_306 = arith.constant 2 : i32
        %add3A_307 = arith.addi %scan3A_209, %add3A_306 : i32
        %lt3A_308 = arith.constant 79 : i32
        %lt3A_309 = arith.cmpi slt, %add3A_307, %lt3A_308 : i32
        %convert_element_type3A_310 = arith.extui %lt3A_309 : i1 to i32
        %cond3A_311 = arith.constant 0 : i32
        %cond3A_312 = arith.cmpi ne, %convert_element_type3A_310, %cond3A_311 : i32
        scf.if %cond3A_312 {
          %add3A_313 = arith.constant 2 : i32
          %add3A_314 = arith.addi %scan3A_209, %add3A_313 : i32
          %dma_start3A_315 = arith.constant 0 : i32
          %dma_start3A_316 = arith.constant 0 : i32
          %dma_start3A_317 = arith.constant 0 : i32
          %dma_start3A_318 = tpu.memref_slice %arg3[%add3A, %dma_start3A_315, %dma_start3A_316, %dma_start3A_317] : memref<32x79x2x128xi32, #tpu.memory_space<hbm>> -> memref<1x79x2x128xi32, #tpu.memory_space<hbm>>
          %dma_start3A_319 = tpu.memref_squeeze %dma_start3A_318 : memref<1x79x2x128xi32, #tpu.memory_space<hbm>> -> memref<79x2x128xi32, #tpu.memory_space<hbm>>
          %dma_start3A_320 = arith.constant 0 : i32
          %dma_start3A_321 = arith.constant 0 : i32
          %dma_start3A_322 = tpu.memref_slice %dma_start3A_319[%add3A_314, %dma_start3A_320, %dma_start3A_321] : memref<79x2x128xi32, #tpu.memory_space<hbm>> -> memref<1x2x128xi32, #tpu.memory_space<hbm>>
          %dma_start3A_323 = tpu.memref_squeeze %dma_start3A_322 : memref<1x2x128xi32, #tpu.memory_space<hbm>> -> memref<2x128xi32, #tpu.memory_space<hbm>>
          %dma_start3A_324 = arith.constant 0 : i32
          %dma_start3A_325 = arith.constant 0 : i32
          %dma_start3A_326 = arith.constant 0 : i32
          %dma_start3A_327 = tpu.memref_slice %arg3[%add3A, %dma_start3A_324, %dma_start3A_325, %dma_start3A_326] : memref<32x79x2x128xi32, #tpu.memory_space<hbm>> -> memref<1x79x2x128xi32, #tpu.memory_space<hbm>>
          %dma_start3A_328 = tpu.memref_squeeze %dma_start3A_327 : memref<1x79x2x128xi32, #tpu.memory_space<hbm>> -> memref<79x2x128xi32, #tpu.memory_space<hbm>>
          %dma_start3A_329 = arith.constant 0 : i32
          %dma_start3A_330 = arith.constant 0 : i32
          %dma_start3A_331 = tpu.memref_slice %dma_start3A_328[%add3A_314, %dma_start3A_329, %dma_start3A_330] : memref<79x2x128xi32, #tpu.memory_space<hbm>> -> memref<1x2x128xi32, #tpu.memory_space<hbm>>
          %dma_start3A_332 = tpu.memref_squeeze %dma_start3A_331 : memref<1x2x128xi32, #tpu.memory_space<hbm>> -> memref<2x128xi32, #tpu.memory_space<hbm>>
          tpu.enqueue_dma source(%dma_start3A_332 : memref<2x128xi32, #tpu.memory_space<hbm>>) target(%arg9 : memref<2x128xi32, #tpu.memory_space<vmem>>) target_semaphore(%arg17 : memref<!tpu.dma_semaphore, #tpu.memory_space<semaphore_mem>>)
        } else {
        }
      } else {
      }
      %jit3A_243 = arith.constant 4 : i32
      %eq3A_244 = arith.constant 0 : i32
      %eq3A_245 = arith.cmpi eq, %jit3A_243, %eq3A_244 : i32
      %jit3A_246 = arith.constant 1 : i32
      %select_n3A_247 = arith.select %eq3A_245, %jit3A_246, %jit3A_243 : i32
      %rem3A_248 = arith.remsi %scan3A_209, %select_n3A_247 : i32
      %ne3A_249 = arith.constant 0 : i32
      %ne3A_250 = arith.cmpi ne, %rem3A_248, %ne3A_249 : i32
      %lt3A_251 = arith.constant 0 : i32
      %lt3A_252 = arith.cmpi slt, %rem3A_248, %lt3A_251 : i32
      %lt3A_253 = arith.constant 0 : i32
      %lt3A_254 = arith.cmpi slt, %select_n3A_247, %lt3A_253 : i32
      %ne3A_255 = arith.xori %lt3A_252, %lt3A_254 : i1
      %and3A_256 = arith.andi %ne3A_255, %ne3A_250 : i1
      %add3A_257 = arith.addi %rem3A_248, %select_n3A_247 : i32
      %select_n3A_258 = arith.select %and3A_256, %add3A_257, %rem3A_248 : i32
      %eq3A_259 = arith.constant 2 : i32
      %eq3A_260 = arith.cmpi eq, %select_n3A_258, %eq3A_259 : i32
      %convert_element_type3A_261 = arith.extui %eq3A_260 : i1 to i32
      %cond3A_262 = arith.constant 0 : i32
      %cond3A_263 = arith.cmpi ne, %convert_element_type3A_261, %cond3A_262 : i32
      scf.if %cond3A_263 {
        %add3A_285 = arith.constant 1 : i32
        %add3A_286 = arith.addi %scan3A_209, %add3A_285 : i32
        %lt3A_287 = arith.constant 79 : i32
        %lt3A_288 = arith.cmpi slt, %add3A_286, %lt3A_287 : i32
        %convert_element_type3A_289 = arith.extui %lt3A_288 : i1 to i32
        %cond3A_290 = arith.constant 0 : i32
        %cond3A_291 = arith.cmpi ne, %convert_element_type3A_289, %cond3A_290 : i32
        scf.if %cond3A_291 {
          %add3A_313 = arith.constant 1 : i32
          %add3A_314 = arith.addi %scan3A_209, %add3A_313 : i32
          %dma_wait3A_315 = arith.constant 0 : i32
          %dma_wait3A_316 = arith.constant 0 : i32
          %dma_wait3A_317 = arith.constant 0 : i32
          %dma_wait3A_318 = tpu.memref_slice %arg3[%add3A, %dma_wait3A_315, %dma_wait3A_316, %dma_wait3A_317] : memref<32x79x2x128xi32, #tpu.memory_space<hbm>> -> memref<1x79x2x128xi32, #tpu.memory_space<hbm>>
          %dma_wait3A_319 = tpu.memref_squeeze %dma_wait3A_318 : memref<1x79x2x128xi32, #tpu.memory_space<hbm>> -> memref<79x2x128xi32, #tpu.memory_space<hbm>>
          %dma_wait3A_320 = arith.constant 0 : i32
          %dma_wait3A_321 = arith.constant 0 : i32
          %dma_wait3A_322 = tpu.memref_slice %dma_wait3A_319[%add3A_314, %dma_wait3A_320, %dma_wait3A_321] : memref<79x2x128xi32, #tpu.memory_space<hbm>> -> memref<1x2x128xi32, #tpu.memory_space<hbm>>
          %dma_wait3A_323 = tpu.memref_squeeze %dma_wait3A_322 : memref<1x2x128xi32, #tpu.memory_space<hbm>> -> memref<2x128xi32, #tpu.memory_space<hbm>>
          %dma_wait3A_324 = arith.constant 0 : i32
          %dma_wait3A_325 = arith.constant 0 : i32
          %dma_wait3A_326 = arith.constant 0 : i32
          %dma_wait3A_327 = tpu.memref_slice %arg3[%add3A, %dma_wait3A_324, %dma_wait3A_325, %dma_wait3A_326] : memref<32x79x2x128xi32, #tpu.memory_space<hbm>> -> memref<1x79x2x128xi32, #tpu.memory_space<hbm>>
          %dma_wait3A_328 = tpu.memref_squeeze %dma_wait3A_327 : memref<1x79x2x128xi32, #tpu.memory_space<hbm>> -> memref<79x2x128xi32, #tpu.memory_space<hbm>>
          %dma_wait3A_329 = arith.constant 0 : i32
          %dma_wait3A_330 = arith.constant 0 : i32
          %dma_wait3A_331 = tpu.memref_slice %dma_wait3A_328[%add3A_314, %dma_wait3A_329, %dma_wait3A_330] : memref<79x2x128xi32, #tpu.memory_space<hbm>> -> memref<1x2x128xi32, #tpu.memory_space<hbm>>
          %dma_wait3A_332 = tpu.memref_squeeze %dma_wait3A_331 : memref<1x2x128xi32, #tpu.memory_space<hbm>> -> memref<2x128xi32, #tpu.memory_space<hbm>>
          tpu.wait_dma2 semaphore(%arg17 : memref<!tpu.dma_semaphore, #tpu.memory_space<semaphore_mem>>) src(%dma_wait3A_332 : memref<2x128xi32, #tpu.memory_space<hbm>>) dst(%arg9 : memref<2x128xi32, #tpu.memory_space<vmem>>)
          %ge3A = arith.constant 1 : i32
          %ge3A_333 = arith.cmpi sge, %scan3A_209, %ge3A : i32
          %convert_element_type3A_334 = arith.extui %ge3A_333 : i1 to i32
          %cond3A_335 = arith.constant 0 : i32
          %cond3A_336 = arith.cmpi ne, %convert_element_type3A_334, %cond3A_335 : i32
          scf.if %cond3A_336 {
            %dma_wait3A_344 = arith.constant 1 : i32
            %dma_wait3A_345 = arith.constant 0 : i32
            %dma_wait3A_346 = tpu.memref_slice %arg6[%dma_wait3A_344, %dma_wait3A_345] : memref<2x128xi32, #tpu.memory_space<vmem>> -> memref<1x128xi32, #tpu.memory_space<vmem>>
            %dma_wait3A_347 = tpu.memref_squeeze %dma_wait3A_346 : memref<1x128xi32, #tpu.memory_space<vmem>> -> memref<128xi32, #tpu.memory_space<vmem>>
            %dma_wait3A_348 = arith.constant 0 : i32
            %dma_wait3A_349 = arith.constant 0 : i32
            %dma_wait3A_350 = tpu.memref_slice %arg13[%dma_wait3A_348, %dma_wait3A_349] : memref<10240x128xf32, #tpu.memory_space<vmem_shared>> -> memref<10240x128xf32, #tpu.memory_space<vmem_shared>>
            tpu.wait_indirect_dma semaphore(%arg21 : memref<!tpu.dma_semaphore, #tpu.memory_space<semaphore_mem>>) src(%arg11 : memref<128x128xf32, #tpu.memory_space<vmem>>) dst(%dma_wait3A_350 : memref<10240x128xf32, #tpu.memory_space<vmem_shared>>)
          } else {
          }
          %dma_start3A_337 = arith.constant 0 : i32
          %dma_start3A_338 = arith.constant 0 : i32
          %dma_start3A_339 = tpu.memref_slice %arg9[%dma_start3A_337, %dma_start3A_338] : memref<2x128xi32, #tpu.memory_space<vmem>> -> memref<1x128xi32, #tpu.memory_space<vmem>>
          %dma_start3A_340 = tpu.memref_squeeze %dma_start3A_339 : memref<1x128xi32, #tpu.memory_space<vmem>> -> memref<128xi32, #tpu.memory_space<vmem>>
          %dma_start3A_341 = arith.constant 0 : i32
          %dma_start3A_342 = arith.constant 0 : i32
          %dma_start3A_343 = tpu.memref_slice %arg2[%dma_start3A_341, %dma_start3A_342] : memref<20000x128xf32, #tpu.memory_space<hbm>> -> memref<20000x128xf32, #tpu.memory_space<hbm>>
          tpu.enqueue_indirect_dma source(%dma_start3A_343 : memref<20000x128xf32, #tpu.memory_space<hbm>>) target(%arg11 : memref<128x128xf32, #tpu.memory_space<vmem>>) offsets(%dma_start3A_340 : memref<128xi32, #tpu.memory_space<vmem>>) semaphore(%arg19 : memref<!tpu.dma_semaphore, #tpu.memory_space<semaphore_mem>>)
        } else {
        }
        %dma_wait3A_292 = arith.constant 0 : i32
        %dma_wait3A_293 = arith.constant 0 : i32
        %dma_wait3A_294 = tpu.memref_slice %arg8[%dma_wait3A_292, %dma_wait3A_293] : memref<2x128xi32, #tpu.memory_space<vmem>> -> memref<1x128xi32, #tpu.memory_space<vmem>>
        %dma_wait3A_295 = tpu.memref_squeeze %dma_wait3A_294 : memref<1x128xi32, #tpu.memory_space<vmem>> -> memref<128xi32, #tpu.memory_space<vmem>>
        %dma_wait3A_296 = arith.constant 0 : i32
        %dma_wait3A_297 = arith.constant 0 : i32
        %dma_wait3A_298 = tpu.memref_slice %arg2[%dma_wait3A_296, %dma_wait3A_297] : memref<20000x128xf32, #tpu.memory_space<hbm>> -> memref<20000x128xf32, #tpu.memory_space<hbm>>
        tpu.wait_indirect_dma semaphore(%arg18 : memref<!tpu.dma_semaphore, #tpu.memory_space<semaphore_mem>>) src(%dma_wait3A_298 : memref<20000x128xf32, #tpu.memory_space<hbm>>) dst(%arg10 : memref<128x128xf32, #tpu.memory_space<vmem>>)
        %dma_start3A_299 = arith.constant 1 : i32
        %dma_start3A_300 = arith.constant 0 : i32
        %dma_start3A_301 = tpu.memref_slice %arg8[%dma_start3A_299, %dma_start3A_300] : memref<2x128xi32, #tpu.memory_space<vmem>> -> memref<1x128xi32, #tpu.memory_space<vmem>>
        %dma_start3A_302 = tpu.memref_squeeze %dma_start3A_301 : memref<1x128xi32, #tpu.memory_space<vmem>> -> memref<128xi32, #tpu.memory_space<vmem>>
        %dma_start3A_303 = arith.constant 0 : i32
        %dma_start3A_304 = arith.constant 0 : i32
        %dma_start3A_305 = tpu.memref_slice %arg13[%dma_start3A_303, %dma_start3A_304] : memref<10240x128xf32, #tpu.memory_space<vmem_shared>> -> memref<10240x128xf32, #tpu.memory_space<vmem_shared>>
        tpu.enqueue_indirect_dma source(%arg10 : memref<128x128xf32, #tpu.memory_space<vmem>>) target(%dma_start3A_305 : memref<10240x128xf32, #tpu.memory_space<vmem_shared>>) offsets(%dma_start3A_302 : memref<128xi32, #tpu.memory_space<vmem>>) semaphore(%arg20 : memref<!tpu.dma_semaphore, #tpu.memory_space<semaphore_mem>>) {add = true}
        %add3A_306 = arith.constant 2 : i32
        %add3A_307 = arith.addi %scan3A_209, %add3A_306 : i32
        %lt3A_308 = arith.constant 79 : i32
        %lt3A_309 = arith.cmpi slt, %add3A_307, %lt3A_308 : i32
        %convert_element_type3A_310 = arith.extui %lt3A_309 : i1 to i32
        %cond3A_311 = arith.constant 0 : i32
        %cond3A_312 = arith.cmpi ne, %convert_element_type3A_310, %cond3A_311 : i32
        scf.if %cond3A_312 {
          %add3A_313 = arith.constant 2 : i32
          %add3A_314 = arith.addi %scan3A_209, %add3A_313 : i32
          %dma_start3A_315 = arith.constant 0 : i32
          %dma_start3A_316 = arith.constant 0 : i32
          %dma_start3A_317 = arith.constant 0 : i32
          %dma_start3A_318 = tpu.memref_slice %arg3[%add3A, %dma_start3A_315, %dma_start3A_316, %dma_start3A_317] : memref<32x79x2x128xi32, #tpu.memory_space<hbm>> -> memref<1x79x2x128xi32, #tpu.memory_space<hbm>>
          %dma_start3A_319 = tpu.memref_squeeze %dma_start3A_318 : memref<1x79x2x128xi32, #tpu.memory_space<hbm>> -> memref<79x2x128xi32, #tpu.memory_space<hbm>>
          %dma_start3A_320 = arith.constant 0 : i32
          %dma_start3A_321 = arith.constant 0 : i32
          %dma_start3A_322 = tpu.memref_slice %dma_start3A_319[%add3A_314, %dma_start3A_320, %dma_start3A_321] : memref<79x2x128xi32, #tpu.memory_space<hbm>> -> memref<1x2x128xi32, #tpu.memory_space<hbm>>
          %dma_start3A_323 = tpu.memref_squeeze %dma_start3A_322 : memref<1x2x128xi32, #tpu.memory_space<hbm>> -> memref<2x128xi32, #tpu.memory_space<hbm>>
          %dma_start3A_324 = arith.constant 0 : i32
          %dma_start3A_325 = arith.constant 0 : i32
          %dma_start3A_326 = arith.constant 0 : i32
          %dma_start3A_327 = tpu.memref_slice %arg3[%add3A, %dma_start3A_324, %dma_start3A_325, %dma_start3A_326] : memref<32x79x2x128xi32, #tpu.memory_space<hbm>> -> memref<1x79x2x128xi32, #tpu.memory_space<hbm>>
          %dma_start3A_328 = tpu.memref_squeeze %dma_start3A_327 : memref<1x79x2x128xi32, #tpu.memory_space<hbm>> -> memref<79x2x128xi32, #tpu.memory_space<hbm>>
          %dma_start3A_329 = arith.constant 0 : i32
          %dma_start3A_330 = arith.constant 0 : i32
          %dma_start3A_331 = tpu.memref_slice %dma_start3A_328[%add3A_314, %dma_start3A_329, %dma_start3A_330] : memref<79x2x128xi32, #tpu.memory_space<hbm>> -> memref<1x2x128xi32, #tpu.memory_space<hbm>>
          %dma_start3A_332 = tpu.memref_squeeze %dma_start3A_331 : memref<1x2x128xi32, #tpu.memory_space<hbm>> -> memref<2x128xi32, #tpu.memory_space<hbm>>
          tpu.enqueue_dma source(%dma_start3A_332 : memref<2x128xi32, #tpu.memory_space<hbm>>) target(%arg6 : memref<2x128xi32, #tpu.memory_space<vmem>>) target_semaphore(%arg14 : memref<!tpu.dma_semaphore, #tpu.memory_space<semaphore_mem>>)
        } else {
        }
      } else {
      }
      %jit3A_264 = arith.constant 4 : i32
      %eq3A_265 = arith.constant 0 : i32
      %eq3A_266 = arith.cmpi eq, %jit3A_264, %eq3A_265 : i32
      %jit3A_267 = arith.constant 1 : i32
      %select_n3A_268 = arith.select %eq3A_266, %jit3A_267, %jit3A_264 : i32
      %rem3A_269 = arith.remsi %scan3A_209, %select_n3A_268 : i32
      %ne3A_270 = arith.constant 0 : i32
      %ne3A_271 = arith.cmpi ne, %rem3A_269, %ne3A_270 : i32
      %lt3A_272 = arith.constant 0 : i32
      %lt3A_273 = arith.cmpi slt, %rem3A_269, %lt3A_272 : i32
      %lt3A_274 = arith.constant 0 : i32
      %lt3A_275 = arith.cmpi slt, %select_n3A_268, %lt3A_274 : i32
      %ne3A_276 = arith.xori %lt3A_273, %lt3A_275 : i1
      %and3A_277 = arith.andi %ne3A_276, %ne3A_271 : i1
      %add3A_278 = arith.addi %rem3A_269, %select_n3A_268 : i32
      %select_n3A_279 = arith.select %and3A_277, %add3A_278, %rem3A_269 : i32
      %eq3A_280 = arith.constant 3 : i32
      %eq3A_281 = arith.cmpi eq, %select_n3A_279, %eq3A_280 : i32
      %convert_element_type3A_282 = arith.extui %eq3A_281 : i1 to i32
      %cond3A_283 = arith.constant 0 : i32
      %cond3A_284 = arith.cmpi ne, %convert_element_type3A_282, %cond3A_283 : i32
      scf.if %cond3A_284 {
        %add3A_285 = arith.constant 1 : i32
        %add3A_286 = arith.addi %scan3A_209, %add3A_285 : i32
        %lt3A_287 = arith.constant 79 : i32
        %lt3A_288 = arith.cmpi slt, %add3A_286, %lt3A_287 : i32
        %convert_element_type3A_289 = arith.extui %lt3A_288 : i1 to i32
        %cond3A_290 = arith.constant 0 : i32
        %cond3A_291 = arith.cmpi ne, %convert_element_type3A_289, %cond3A_290 : i32
        scf.if %cond3A_291 {
          %add3A_313 = arith.constant 1 : i32
          %add3A_314 = arith.addi %scan3A_209, %add3A_313 : i32
          %dma_wait3A_315 = arith.constant 0 : i32
          %dma_wait3A_316 = arith.constant 0 : i32
          %dma_wait3A_317 = arith.constant 0 : i32
          %dma_wait3A_318 = tpu.memref_slice %arg3[%add3A, %dma_wait3A_315, %dma_wait3A_316, %dma_wait3A_317] : memref<32x79x2x128xi32, #tpu.memory_space<hbm>> -> memref<1x79x2x128xi32, #tpu.memory_space<hbm>>
          %dma_wait3A_319 = tpu.memref_squeeze %dma_wait3A_318 : memref<1x79x2x128xi32, #tpu.memory_space<hbm>> -> memref<79x2x128xi32, #tpu.memory_space<hbm>>
          %dma_wait3A_320 = arith.constant 0 : i32
          %dma_wait3A_321 = arith.constant 0 : i32
          %dma_wait3A_322 = tpu.memref_slice %dma_wait3A_319[%add3A_314, %dma_wait3A_320, %dma_wait3A_321] : memref<79x2x128xi32, #tpu.memory_space<hbm>> -> memref<1x2x128xi32, #tpu.memory_space<hbm>>
          %dma_wait3A_323 = tpu.memref_squeeze %dma_wait3A_322 : memref<1x2x128xi32, #tpu.memory_space<hbm>> -> memref<2x128xi32, #tpu.memory_space<hbm>>
          %dma_wait3A_324 = arith.constant 0 : i32
          %dma_wait3A_325 = arith.constant 0 : i32
          %dma_wait3A_326 = arith.constant 0 : i32
          %dma_wait3A_327 = tpu.memref_slice %arg3[%add3A, %dma_wait3A_324, %dma_wait3A_325, %dma_wait3A_326] : memref<32x79x2x128xi32, #tpu.memory_space<hbm>> -> memref<1x79x2x128xi32, #tpu.memory_space<hbm>>
          %dma_wait3A_328 = tpu.memref_squeeze %dma_wait3A_327 : memref<1x79x2x128xi32, #tpu.memory_space<hbm>> -> memref<79x2x128xi32, #tpu.memory_space<hbm>>
          %dma_wait3A_329 = arith.constant 0 : i32
          %dma_wait3A_330 = arith.constant 0 : i32
          %dma_wait3A_331 = tpu.memref_slice %dma_wait3A_328[%add3A_314, %dma_wait3A_329, %dma_wait3A_330] : memref<79x2x128xi32, #tpu.memory_space<hbm>> -> memref<1x2x128xi32, #tpu.memory_space<hbm>>
          %dma_wait3A_332 = tpu.memref_squeeze %dma_wait3A_331 : memref<1x2x128xi32, #tpu.memory_space<hbm>> -> memref<2x128xi32, #tpu.memory_space<hbm>>
          tpu.wait_dma2 semaphore(%arg14 : memref<!tpu.dma_semaphore, #tpu.memory_space<semaphore_mem>>) src(%dma_wait3A_332 : memref<2x128xi32, #tpu.memory_space<hbm>>) dst(%arg6 : memref<2x128xi32, #tpu.memory_space<vmem>>)
          %ge3A = arith.constant 1 : i32
          %ge3A_333 = arith.cmpi sge, %scan3A_209, %ge3A : i32
          %convert_element_type3A_334 = arith.extui %ge3A_333 : i1 to i32
          %cond3A_335 = arith.constant 0 : i32
          %cond3A_336 = arith.cmpi ne, %convert_element_type3A_334, %cond3A_335 : i32
          scf.if %cond3A_336 {
            %dma_wait3A_344 = arith.constant 1 : i32
            %dma_wait3A_345 = arith.constant 0 : i32
            %dma_wait3A_346 = tpu.memref_slice %arg6[%dma_wait3A_344, %dma_wait3A_345] : memref<2x128xi32, #tpu.memory_space<vmem>> -> memref<1x128xi32, #tpu.memory_space<vmem>>
            %dma_wait3A_347 = tpu.memref_squeeze %dma_wait3A_346 : memref<1x128xi32, #tpu.memory_space<vmem>> -> memref<128xi32, #tpu.memory_space<vmem>>
            %dma_wait3A_348 = arith.constant 0 : i32
            %dma_wait3A_349 = arith.constant 0 : i32
            %dma_wait3A_350 = tpu.memref_slice %arg13[%dma_wait3A_348, %dma_wait3A_349] : memref<10240x128xf32, #tpu.memory_space<vmem_shared>> -> memref<10240x128xf32, #tpu.memory_space<vmem_shared>>
            tpu.wait_indirect_dma semaphore(%arg20 : memref<!tpu.dma_semaphore, #tpu.memory_space<semaphore_mem>>) src(%arg10 : memref<128x128xf32, #tpu.memory_space<vmem>>) dst(%dma_wait3A_350 : memref<10240x128xf32, #tpu.memory_space<vmem_shared>>)
          } else {
          }
          %dma_start3A_337 = arith.constant 0 : i32
          %dma_start3A_338 = arith.constant 0 : i32
          %dma_start3A_339 = tpu.memref_slice %arg6[%dma_start3A_337, %dma_start3A_338] : memref<2x128xi32, #tpu.memory_space<vmem>> -> memref<1x128xi32, #tpu.memory_space<vmem>>
          %dma_start3A_340 = tpu.memref_squeeze %dma_start3A_339 : memref<1x128xi32, #tpu.memory_space<vmem>> -> memref<128xi32, #tpu.memory_space<vmem>>
          %dma_start3A_341 = arith.constant 0 : i32
          %dma_start3A_342 = arith.constant 0 : i32
          %dma_start3A_343 = tpu.memref_slice %arg2[%dma_start3A_341, %dma_start3A_342] : memref<20000x128xf32, #tpu.memory_space<hbm>> -> memref<20000x128xf32, #tpu.memory_space<hbm>>
          tpu.enqueue_indirect_dma source(%dma_start3A_343 : memref<20000x128xf32, #tpu.memory_space<hbm>>) target(%arg10 : memref<128x128xf32, #tpu.memory_space<vmem>>) offsets(%dma_start3A_340 : memref<128xi32, #tpu.memory_space<vmem>>) semaphore(%arg18 : memref<!tpu.dma_semaphore, #tpu.memory_space<semaphore_mem>>)
        } else {
        }
        %dma_wait3A_292 = arith.constant 0 : i32
        %dma_wait3A_293 = arith.constant 0 : i32
        %dma_wait3A_294 = tpu.memref_slice %arg9[%dma_wait3A_292, %dma_wait3A_293] : memref<2x128xi32, #tpu.memory_space<vmem>> -> memref<1x128xi32, #tpu.memory_space<vmem>>
        %dma_wait3A_295 = tpu.memref_squeeze %dma_wait3A_294 : memref<1x128xi32, #tpu.memory_space<vmem>> -> memref<128xi32, #tpu.memory_space<vmem>>
        %dma_wait3A_296 = arith.constant 0 : i32
        %dma_wait3A_297 = arith.constant 0 : i32
        %dma_wait3A_298 = tpu.memref_slice %arg2[%dma_wait3A_296, %dma_wait3A_297] : memref<20000x128xf32, #tpu.memory_space<hbm>> -> memref<20000x128xf32, #tpu.memory_space<hbm>>
        tpu.wait_indirect_dma semaphore(%arg19 : memref<!tpu.dma_semaphore, #tpu.memory_space<semaphore_mem>>) src(%dma_wait3A_298 : memref<20000x128xf32, #tpu.memory_space<hbm>>) dst(%arg11 : memref<128x128xf32, #tpu.memory_space<vmem>>)
        %dma_start3A_299 = arith.constant 1 : i32
        %dma_start3A_300 = arith.constant 0 : i32
        %dma_start3A_301 = tpu.memref_slice %arg9[%dma_start3A_299, %dma_start3A_300] : memref<2x128xi32, #tpu.memory_space<vmem>> -> memref<1x128xi32, #tpu.memory_space<vmem>>
        %dma_start3A_302 = tpu.memref_squeeze %dma_start3A_301 : memref<1x128xi32, #tpu.memory_space<vmem>> -> memref<128xi32, #tpu.memory_space<vmem>>
        %dma_start3A_303 = arith.constant 0 : i32
        %dma_start3A_304 = arith.constant 0 : i32
        %dma_start3A_305 = tpu.memref_slice %arg13[%dma_start3A_303, %dma_start3A_304] : memref<10240x128xf32, #tpu.memory_space<vmem_shared>> -> memref<10240x128xf32, #tpu.memory_space<vmem_shared>>
        tpu.enqueue_indirect_dma source(%arg11 : memref<128x128xf32, #tpu.memory_space<vmem>>) target(%dma_start3A_305 : memref<10240x128xf32, #tpu.memory_space<vmem_shared>>) offsets(%dma_start3A_302 : memref<128xi32, #tpu.memory_space<vmem>>) semaphore(%arg21 : memref<!tpu.dma_semaphore, #tpu.memory_space<semaphore_mem>>) {add = true}
        %add3A_306 = arith.constant 2 : i32
        %add3A_307 = arith.addi %scan3A_209, %add3A_306 : i32
        %lt3A_308 = arith.constant 79 : i32
        %lt3A_309 = arith.cmpi slt, %add3A_307, %lt3A_308 : i32
        %convert_element_type3A_310 = arith.extui %lt3A_309 : i1 to i32
        %cond3A_311 = arith.constant 0 : i32
        %cond3A_312 = arith.cmpi ne, %convert_element_type3A_310, %cond3A_311 : i32
        scf.if %cond3A_312 {
          %add3A_313 = arith.constant 2 : i32
          %add3A_314 = arith.addi %scan3A_209, %add3A_313 : i32
          %dma_start3A_315 = arith.constant 0 : i32
          %dma_start3A_316 = arith.constant 0 : i32
          %dma_start3A_317 = arith.constant 0 : i32
          %dma_start3A_318 = tpu.memref_slice %arg3[%add3A, %dma_start3A_315, %dma_start3A_316, %dma_start3A_317] : memref<32x79x2x128xi32, #tpu.memory_space<hbm>> -> memref<1x79x2x128xi32, #tpu.memory_space<hbm>>
          %dma_start3A_319 = tpu.memref_squeeze %dma_start3A_318 : memref<1x79x2x128xi32, #tpu.memory_space<hbm>> -> memref<79x2x128xi32, #tpu.memory_space<hbm>>
          %dma_start3A_320 = arith.constant 0 : i32
          %dma_start3A_321 = arith.constant 0 : i32
          %dma_start3A_322 = tpu.memref_slice %dma_start3A_319[%add3A_314, %dma_start3A_320, %dma_start3A_321] : memref<79x2x128xi32, #tpu.memory_space<hbm>> -> memref<1x2x128xi32, #tpu.memory_space<hbm>>
          %dma_start3A_323 = tpu.memref_squeeze %dma_start3A_322 : memref<1x2x128xi32, #tpu.memory_space<hbm>> -> memref<2x128xi32, #tpu.memory_space<hbm>>
          %dma_start3A_324 = arith.constant 0 : i32
          %dma_start3A_325 = arith.constant 0 : i32
          %dma_start3A_326 = arith.constant 0 : i32
          %dma_start3A_327 = tpu.memref_slice %arg3[%add3A, %dma_start3A_324, %dma_start3A_325, %dma_start3A_326] : memref<32x79x2x128xi32, #tpu.memory_space<hbm>> -> memref<1x79x2x128xi32, #tpu.memory_space<hbm>>
          %dma_start3A_328 = tpu.memref_squeeze %dma_start3A_327 : memref<1x79x2x128xi32, #tpu.memory_space<hbm>> -> memref<79x2x128xi32, #tpu.memory_space<hbm>>
          %dma_start3A_329 = arith.constant 0 : i32
          %dma_start3A_330 = arith.constant 0 : i32
          %dma_start3A_331 = tpu.memref_slice %dma_start3A_328[%add3A_314, %dma_start3A_329, %dma_start3A_330] : memref<79x2x128xi32, #tpu.memory_space<hbm>> -> memref<1x2x128xi32, #tpu.memory_space<hbm>>
          %dma_start3A_332 = tpu.memref_squeeze %dma_start3A_331 : memref<1x2x128xi32, #tpu.memory_space<hbm>> -> memref<2x128xi32, #tpu.memory_space<hbm>>
          tpu.enqueue_dma source(%dma_start3A_332 : memref<2x128xi32, #tpu.memory_space<hbm>>) target(%arg7 : memref<2x128xi32, #tpu.memory_space<vmem>>) target_semaphore(%arg15 : memref<!tpu.dma_semaphore, #tpu.memory_space<semaphore_mem>>)
        } else {
        }
      } else {
      }
    }
    %scan3A_189 = arith.constant 79 : i32
    %dma_wait3A_190 = arith.constant 1 : i32
    %dma_wait3A_191 = arith.constant 0 : i32
    %dma_wait3A_192 = tpu.memref_slice %arg6[%dma_wait3A_190, %dma_wait3A_191] : memref<2x128xi32, #tpu.memory_space<vmem>> -> memref<1x128xi32, #tpu.memory_space<vmem>>
    %dma_wait3A_193 = tpu.memref_squeeze %dma_wait3A_192 : memref<1x128xi32, #tpu.memory_space<vmem>> -> memref<128xi32, #tpu.memory_space<vmem>>
    %dma_wait3A_194 = arith.constant 0 : i32
    %dma_wait3A_195 = arith.constant 0 : i32
    %dma_wait3A_196 = tpu.memref_slice %arg13[%dma_wait3A_194, %dma_wait3A_195] : memref<10240x128xf32, #tpu.memory_space<vmem_shared>> -> memref<10240x128xf32, #tpu.memory_space<vmem_shared>>
    tpu.wait_indirect_dma semaphore(%arg20 : memref<!tpu.dma_semaphore, #tpu.memory_space<semaphore_mem>>) src(%arg10 : memref<128x128xf32, #tpu.memory_space<vmem>>) dst(%dma_wait3A_196 : memref<10240x128xf32, #tpu.memory_space<vmem_shared>>)
    %dma_wait3A_197 = arith.constant 1 : i32
    %dma_wait3A_198 = arith.constant 0 : i32
    %dma_wait3A_199 = tpu.memref_slice %arg7[%dma_wait3A_197, %dma_wait3A_198] : memref<2x128xi32, #tpu.memory_space<vmem>> -> memref<1x128xi32, #tpu.memory_space<vmem>>
    %dma_wait3A_200 = tpu.memref_squeeze %dma_wait3A_199 : memref<1x128xi32, #tpu.memory_space<vmem>> -> memref<128xi32, #tpu.memory_space<vmem>>
    %dma_wait3A_201 = arith.constant 0 : i32
    %dma_wait3A_202 = arith.constant 0 : i32
    %dma_wait3A_203 = tpu.memref_slice %arg13[%dma_wait3A_201, %dma_wait3A_202] : memref<10240x128xf32, #tpu.memory_space<vmem_shared>> -> memref<10240x128xf32, #tpu.memory_space<vmem_shared>>
    tpu.wait_indirect_dma semaphore(%arg21 : memref<!tpu.dma_semaphore, #tpu.memory_space<semaphore_mem>>) src(%arg11 : memref<128x128xf32, #tpu.memory_space<vmem>>) dst(%dma_wait3A_203 : memref<10240x128xf32, #tpu.memory_space<vmem_shared>>)
    %barrier3A_204 = arith.constant 0 : index
    tpu.barrier barrier_id(%barrier3A_204)
    %mul3A_205 = arith.constant 640 : i32
    %mul3A_206 = arith.muli %arg1, %mul3A_205 : i32
    %mul3A_207 = arith.constant 640 : i32
    %mul3A_208 = arith.muli %arg1, %mul3A_207 : i32
    "tpu.region"() ({
      %run_scoped3A_209 = tpu.sem_alloc : memref<!tpu.dma_semaphore, #tpu.memory_space<semaphore_mem>>
      %dma_start3A_210 = arith.constant 0 : i32
      %dma_start3A_211 = arith.constant 0 : i32
      %dma_start3A_212 = tpu.memref_slice %arg5[%arg0, %dma_start3A_210, %dma_start3A_211] : memref<2x10240x128xf32, #tpu.memory_space<hbm>> -> memref<1x10240x128xf32, #tpu.memory_space<hbm>>
      %dma_start3A_213 = tpu.memref_squeeze %dma_start3A_212 : memref<1x10240x128xf32, #tpu.memory_space<hbm>> -> memref<10240x128xf32, #tpu.memory_space<hbm>>
      %dma_start3A_214 = arith.constant 0 : i32
      %dma_start3A_215 = tpu.memref_slice %dma_start3A_213[%mul3A_208, %dma_start3A_214] : memref<10240x128xf32, #tpu.memory_space<hbm>> -> memref<640x128xf32, #tpu.memory_space<hbm>>
      %dma_start3A_216 = arith.constant 0 : i32
      %dma_start3A_217 = tpu.memref_slice %arg13[%mul3A_206, %dma_start3A_216] : memref<10240x128xf32, #tpu.memory_space<vmem_shared>> -> memref<640x128xf32, #tpu.memory_space<vmem_shared>>
      tpu.enqueue_dma source(%dma_start3A_217 : memref<640x128xf32, #tpu.memory_space<vmem_shared>>) target(%dma_start3A_215 : memref<640x128xf32, #tpu.memory_space<hbm>>) target_semaphore(%run_scoped3A_209 : memref<!tpu.dma_semaphore, #tpu.memory_space<semaphore_mem>>)
      %dma_wait3A_218 = arith.constant 0 : i32
      %dma_wait3A_219 = arith.constant 0 : i32
      %dma_wait3A_220 = tpu.memref_slice %arg5[%arg0, %dma_wait3A_218, %dma_wait3A_219] : memref<2x10240x128xf32, #tpu.memory_space<hbm>> -> memref<1x10240x128xf32, #tpu.memory_space<hbm>>
      %dma_wait3A_221 = tpu.memref_squeeze %dma_wait3A_220 : memref<1x10240x128xf32, #tpu.memory_space<hbm>> -> memref<10240x128xf32, #tpu.memory_space<hbm>>
      %dma_wait3A_222 = arith.constant 0 : i32
      %dma_wait3A_223 = tpu.memref_slice %dma_wait3A_221[%mul3A_208, %dma_wait3A_222] : memref<10240x128xf32, #tpu.memory_space<hbm>> -> memref<640x128xf32, #tpu.memory_space<hbm>>
      %dma_wait3A_224 = arith.constant 0 : i32
      %dma_wait3A_225 = tpu.memref_slice %arg13[%mul3A_206, %dma_wait3A_224] : memref<10240x128xf32, #tpu.memory_space<vmem_shared>> -> memref<640x128xf32, #tpu.memory_space<vmem_shared>>
      tpu.wait_dma2 semaphore(%run_scoped3A_209 : memref<!tpu.dma_semaphore, #tpu.memory_space<semaphore_mem>>) src(%dma_wait3A_225 : memref<640x128xf32, #tpu.memory_space<vmem_shared>>) dst(%dma_wait3A_223 : memref<640x128xf32, #tpu.memory_space<hbm>>)
      tpu.yield
    }) : () -> ()
    return
  }
}

module attributes {stable_mosaic.version = 14 : i64} {
  func.func @_mm_body(%arg0: i32, %arg1: i32, %arg2: memref<1000x128xf32, #tpu.memory_space<vmem>>, %arg3: memref<1x128x128xf32, #tpu.memory_space<vmem>>, %arg4: memref<1000x128xf32, #tpu.memory_space<vmem>>) attributes {dimension_semantics = [#tpu.dimension_semantics<arbitrary>, #tpu.dimension_semantics<arbitrary>], iteration_bounds = array<i64: 2, 10>, scalar_prefetch = 0 : i64, scratch_operands = 0 : i64, tpu.core_type = #tpu.core_type<tc>, window_params = [{transform_indices = @transform_0, window_bounds = array<i64: 1000, 128>}, {transform_indices = @transform_1, window_bounds = array<i64: 1, 128, 128>}, {transform_indices = @transform_2, window_bounds = array<i64: 1000, 128>}]} {
    %get3A = arith.constant 0 : index
    %get3A_0 = arith.constant 0 : index
    %get3A_1 = vector.load %arg2[%get3A, %get3A_0] : memref<1000x128xf32, #tpu.memory_space<vmem>>, vector<1000x128xf32>
    %get3A_2 = arith.constant 0 : index
    %get3A_3 = arith.constant 0 : index
    %get3A_4 = arith.constant 0 : index
    %get3A_5 = vector.load %arg3[%get3A_2, %get3A_3, %get3A_4] : memref<1x128x128xf32, #tpu.memory_space<vmem>>, vector<1x128x128xf32>
    %get3A_6 = vector.shape_cast %get3A_5 : vector<1x128x128xf32> to vector<128x128xf32>
    %dot_general3A = arith.constant dense<0.000000e+00> : vector<1000x128xf32>
    %dot_general3A_7 = tpu.matmul %get3A_1, %get3A_6, %dot_general3A {dimension_numbers = #tpu.dot_dimension_numbers<[1], [0], [0], [1], [0, 0, 1, 1], [], []>, transpose_lhs_hint = false} : vector<1000x128xf32>, vector<128x128xf32>, vector<1000x128xf32> -> vector<1000x128xf32>
    %swap3A = arith.constant 0 : index
    %swap3A_8 = arith.constant 0 : index
    %swap3A_9 = vector.load %arg4[%swap3A, %swap3A_8] : memref<1000x128xf32, #tpu.memory_space<vmem>>, vector<1000x128xf32>
    tpu.vector_store %arg4[%swap3A, %swap3A_8], %dot_general3A_7 {strides = array<i32>} : memref<1000x128xf32, #tpu.memory_space<vmem>>, vector<1000x128xf32>,
    return
  }
  func.func @transform_0(%arg0: i32, %arg1: i32) -> (i32, i32) {
    %c0_i32 = arith.constant 0 : i32
    %c0_i32_0 = arith.constant 0 : i32
    return %arg1, %c0_i32 : i32, i32
  }
  func.func @transform_1(%arg0: i32, %arg1: i32) -> (i32, i32, i32) {
    %c0_i32 = arith.constant 0 : i32
    %c0_i32_0 = arith.constant 0 : i32
    %c0_i32_1 = arith.constant 0 : i32
    return %arg0, %c0_i32, %c0_i32_0 : i32, i32, i32
  }
  func.func @transform_2(%arg0: i32, %arg1: i32) -> (i32, i32) {
    %mul3A = arith.constant 10 : i32
    %mul3A_0 = arith.muli %arg0, %mul3A : i32
    %add3A = arith.addi %mul3A_0, %arg1 : i32
    %c0_i32 = arith.constant 0 : i32
    %c0_i32_1 = arith.constant 0 : i32
    return %add3A, %c0_i32 : i32, i32
  }
}

module attributes {stable_mosaic.version = 14 : i64} {
  func.func @_cp_body(%arg0: i32, %arg1: i32, %arg2: memref<1000x128xf32, #tpu.memory_space<vmem>>, %arg3: memref<2x1000x128xf32, #tpu.memory_space<vmem>>, %arg4: memref<1x128x128xf32, #tpu.memory_space<vmem>>, %arg5: memref<1000x128xf32, #tpu.memory_space<vmem>>, %arg6: memref<1000x128xf32, #tpu.memory_space<vmem>>) attributes {dimension_semantics = [#tpu.dimension_semantics<arbitrary>, #tpu.dimension_semantics<arbitrary>], iteration_bounds = array<i64: 2, 10>, scalar_prefetch = 0 : i64, scratch_operands = 0 : i64, tpu.core_type = #tpu.core_type<tc>, window_params = [{transform_indices = @transform_0, window_bounds = array<i64: 1000, 128>}, {transform_indices = @transform_1, window_bounds = array<i64: 2, 1000, 128>}, {transform_indices = @transform_2, window_bounds = array<i64: 1, 128, 128>}, {transform_indices = @transform_3, window_bounds = array<i64: 1000, 128>}, {transform_indices = @transform_4, window_bounds = array<i64: 1000, 128>}]} {
    %get3A = arith.constant 0 : index
    %get3A_0 = arith.constant 0 : index
    %get3A_1 = arith.constant 0 : index
    %get3A_2 = vector.load %arg3[%get3A, %get3A_0, %get3A_1] : memref<2x1000x128xf32, #tpu.memory_space<vmem>>, vector<1x1000x128xf32>
    %get3A_3 = vector.shape_cast %get3A_2 : vector<1x1000x128xf32> to vector<1000x128xf32>
    %get3A_4 = arith.constant 1 : index
    %get3A_5 = arith.constant 0 : index
    %get3A_6 = arith.constant 0 : index
    %get3A_7 = vector.load %arg3[%get3A_4, %get3A_5, %get3A_6] : memref<2x1000x128xf32, #tpu.memory_space<vmem>>, vector<1x1000x128xf32>
    %get3A_8 = vector.shape_cast %get3A_7 : vector<1x1000x128xf32> to vector<1000x128xf32>
    %add3A = arith.addf %get3A_3, %get3A_8 : vector<1000x128xf32>
    %get3A_9 = arith.constant 0 : index
    %get3A_10 = arith.constant 0 : index
    %get3A_11 = vector.load %arg2[%get3A_9, %get3A_10] : memref<1000x128xf32, #tpu.memory_space<vmem>>, vector<1000x128xf32>
    %max3A = arith.constant 0.000000e+00 : f32
    %max3A_12 = vector.broadcast %max3A : f32 to vector<1000x128xf32>
    %max3A_13 = arith.maximumf %add3A, %max3A_12 : vector<1000x128xf32>
    %add3A_14 = arith.addf %get3A_11, %max3A_13 : vector<1000x128xf32>
    %mul3A = arith.mulf %add3A_14, %add3A_14 : vector<1000x128xf32>
    %reduce_sum3A = arith.constant dense<0.000000e+00> : vector<1000xf32>
    %reduce_sum3A_15 = vector.multi_reduction <add>, %mul3A, %reduce_sum3A [1] : vector<1000x128xf32> to vector<1000xf32>
    %broadcast_in_dim3A = vector.shape_cast %reduce_sum3A_15 : vector<1000xf32> to vector<1000x1xf32>
    %sqrt3A = math.sqrt %broadcast_in_dim3A : vector<1000x1xf32>
    %max3A_16 = arith.constant 9.99999996E-13 : f32
    %max3A_17 = vector.broadcast %max3A_16 : f32 to vector<1000x1xf32>
    %max3A_18 = arith.maximumf %sqrt3A, %max3A_17 : vector<1000x1xf32>
    %div3A = vector.broadcast %max3A_18 : vector<1000x1xf32> to vector<1000x128xf32>
    %div3A_19 = arith.divf %add3A_14, %div3A : vector<1000x128xf32>
    %swap3A = arith.constant 0 : index
    %swap3A_20 = arith.constant 0 : index
    %swap3A_21 = vector.load %arg5[%swap3A, %swap3A_20] : memref<1000x128xf32, #tpu.memory_space<vmem>>, vector<1000x128xf32>
    tpu.vector_store %arg5[%swap3A, %swap3A_20], %div3A_19 {strides = array<i32>} : memref<1000x128xf32, #tpu.memory_space<vmem>>, vector<1000x128xf32>,
    %get3A_22 = arith.constant 0 : index
    %get3A_23 = arith.constant 0 : index
    %get3A_24 = arith.constant 0 : index
    %get3A_25 = vector.load %arg4[%get3A_22, %get3A_23, %get3A_24] : memref<1x128x128xf32, #tpu.memory_space<vmem>>, vector<1x128x128xf32>
    %get3A_26 = vector.shape_cast %get3A_25 : vector<1x128x128xf32> to vector<128x128xf32>
    %dot_general3A = arith.constant dense<0.000000e+00> : vector<1000x128xf32>
    %dot_general3A_27 = tpu.matmul %div3A_19, %get3A_26, %dot_general3A {dimension_numbers = #tpu.dot_dimension_numbers<[1], [0], [0], [1], [0, 0, 1, 1], [], []>, transpose_lhs_hint = false} : vector<1000x128xf32>, vector<128x128xf32>, vector<1000x128xf32> -> vector<1000x128xf32>
    %swap3A_28 = arith.constant 0 : index
    %swap3A_29 = arith.constant 0 : index
    %swap3A_30 = vector.load %arg6[%swap3A_28, %swap3A_29] : memref<1000x128xf32, #tpu.memory_space<vmem>>, vector<1000x128xf32>
    tpu.vector_store %arg6[%swap3A_28, %swap3A_29], %dot_general3A_27 {strides = array<i32>} : memref<1000x128xf32, #tpu.memory_space<vmem>>, vector<1000x128xf32>,
    return
  }
  func.func @transform_0(%arg0: i32, %arg1: i32) -> (i32, i32) {
    %c0_i32 = arith.constant 0 : i32
    %c0_i32_0 = arith.constant 0 : i32
    return %arg1, %c0_i32 : i32, i32
  }
  func.func @transform_1(%arg0: i32, %arg1: i32) -> (i32, i32, i32) {
    %c0_i32 = arith.constant 0 : i32
    %c0_i32_0 = arith.constant 0 : i32
    %c0_i32_1 = arith.constant 0 : i32
    return %c0_i32, %arg1, %c0_i32_0 : i32, i32, i32
  }
  func.func @transform_2(%arg0: i32, %arg1: i32) -> (i32, i32, i32) {
    %c0_i32 = arith.constant 0 : i32
    %c0_i32_0 = arith.constant 0 : i32
    %c0_i32_1 = arith.constant 0 : i32
    return %arg0, %c0_i32, %c0_i32_0 : i32, i32, i32
  }
  func.func @transform_3(%arg0: i32, %arg1: i32) -> (i32, i32) {
    %c0_i32 = arith.constant 0 : i32
    %c0_i32_0 = arith.constant 0 : i32
    return %arg1, %c0_i32 : i32, i32
  }
  func.func @transform_4(%arg0: i32, %arg1: i32) -> (i32, i32) {
    %mul3A = arith.constant 10 : i32
    %mul3A_0 = arith.muli %arg0, %mul3A : i32
    %add3A = arith.addi %mul3A_0, %arg1 : i32
    %c0_i32 = arith.constant 0 : i32
    %c0_i32_1 = arith.constant 0 : i32
    return %add3A, %c0_i32 : i32, i32
  }
}

module attributes {stable_mosaic.version = 14 : i64} {
  func.func @_comb_body(%arg0: i32, %arg1: memref<1000x128xf32, #tpu.memory_space<vmem>>, %arg2: memref<2x1000x128xf32, #tpu.memory_space<vmem>>, %arg3: memref<1000x128xf32, #tpu.memory_space<vmem>>) attributes {dimension_semantics = [#tpu.dimension_semantics<arbitrary>], iteration_bounds = array<i64: 10>, scalar_prefetch = 0 : i64, scratch_operands = 0 : i64, tpu.core_type = #tpu.core_type<tc>, window_params = [{transform_indices = @transform_0, window_bounds = array<i64: 1000, 128>}, {transform_indices = @transform_1, window_bounds = array<i64: 2, 1000, 128>}, {transform_indices = @transform_2, window_bounds = array<i64: 1000, 128>}]} {
    %get3A = arith.constant 0 : index
    %get3A_0 = arith.constant 0 : index
    %get3A_1 = arith.constant 0 : index
    %get3A_2 = vector.load %arg2[%get3A, %get3A_0, %get3A_1] : memref<2x1000x128xf32, #tpu.memory_space<vmem>>, vector<1x1000x128xf32>
    %get3A_3 = vector.shape_cast %get3A_2 : vector<1x1000x128xf32> to vector<1000x128xf32>
    %get3A_4 = arith.constant 1 : index
    %get3A_5 = arith.constant 0 : index
    %get3A_6 = arith.constant 0 : index
    %get3A_7 = vector.load %arg2[%get3A_4, %get3A_5, %get3A_6] : memref<2x1000x128xf32, #tpu.memory_space<vmem>>, vector<1x1000x128xf32>
    %get3A_8 = vector.shape_cast %get3A_7 : vector<1x1000x128xf32> to vector<1000x128xf32>
    %add3A = arith.addf %get3A_3, %get3A_8 : vector<1000x128xf32>
    %get3A_9 = arith.constant 0 : index
    %get3A_10 = arith.constant 0 : index
    %get3A_11 = vector.load %arg1[%get3A_9, %get3A_10] : memref<1000x128xf32, #tpu.memory_space<vmem>>, vector<1000x128xf32>
    %max3A = arith.constant 0.000000e+00 : f32
    %max3A_12 = vector.broadcast %max3A : f32 to vector<1000x128xf32>
    %max3A_13 = arith.maximumf %add3A, %max3A_12 : vector<1000x128xf32>
    %add3A_14 = arith.addf %get3A_11, %max3A_13 : vector<1000x128xf32>
    %mul3A = arith.mulf %add3A_14, %add3A_14 : vector<1000x128xf32>
    %reduce_sum3A = arith.constant dense<0.000000e+00> : vector<1000xf32>
    %reduce_sum3A_15 = vector.multi_reduction <add>, %mul3A, %reduce_sum3A [1] : vector<1000x128xf32> to vector<1000xf32>
    %broadcast_in_dim3A = vector.shape_cast %reduce_sum3A_15 : vector<1000xf32> to vector<1000x1xf32>
    %sqrt3A = math.sqrt %broadcast_in_dim3A : vector<1000x1xf32>
    %max3A_16 = arith.constant 9.99999996E-13 : f32
    %max3A_17 = vector.broadcast %max3A_16 : f32 to vector<1000x1xf32>
    %max3A_18 = arith.maximumf %sqrt3A, %max3A_17 : vector<1000x1xf32>
    %div3A = vector.broadcast %max3A_18 : vector<1000x1xf32> to vector<1000x128xf32>
    %div3A_19 = arith.divf %add3A_14, %div3A : vector<1000x128xf32>
    %swap3A = arith.constant 0 : index
    %swap3A_20 = arith.constant 0 : index
    %swap3A_21 = vector.load %arg3[%swap3A, %swap3A_20] : memref<1000x128xf32, #tpu.memory_space<vmem>>, vector<1000x128xf32>
    tpu.vector_store %arg3[%swap3A, %swap3A_20], %div3A_19 {strides = array<i32>} : memref<1000x128xf32, #tpu.memory_space<vmem>>, vector<1000x128xf32>,
    return
  }
  func.func @transform_0(%arg0: i32) -> (i32, i32) {
    %c0_i32 = arith.constant 0 : i32
    %c0_i32_0 = arith.constant 0 : i32
    return %arg0, %c0_i32 : i32, i32
  }
  func.func @transform_1(%arg0: i32) -> (i32, i32, i32) {
    %c0_i32 = arith.constant 0 : i32
    %c0_i32_0 = arith.constant 0 : i32
    %c0_i32_1 = arith.constant 0 : i32
    return %c0_i32, %arg0, %c0_i32_0 : i32, i32, i32
  }
  func.func @transform_2(%arg0: i32) -> (i32, i32) {
    %c0_i32 = arith.constant 0 : i32
    %c0_i32_0 = arith.constant 0 : i32
    return %arg0, %c0_i32 : i32, i32
  }
}

</mosaic_0001>

<sc_bundles>
// kernel: kernel.10.cloned.1.call-start
scs
__scs_entry_jumppad:
0x0: {  	(pc) =	sbr.rel $0x88, $3  }
0x1: {  	(tag) =	ssettag $0x0;
	lr =	simm.s32 $0x1  }
0x2: {  	[smem:$0x3F9D] =	sst lr;
	_ =	strace $0xD0000000  }
0x3: {  	_ = 	snop  }
0x4: {  	_ = 	snop  }
0x5: {  	_ = 	snop  }
0x6: {  	_ = 	snop  }
0x7: {  	_ = 	snop  }
__scs_overlays_trampoline_lowered:
0x8: {  	[smem:$0x3FAC] =	sst s0  }
0x9: {  	[smem:$0x3FAD] =	sst s1  }
0xa: {  	[smem:$0x3FAE] =	sst s2  }
0xb: {  	[smem:$0x3FAF] =	sst s3  }
0xc: {  	[smem:$0x3FB0] =	sst s4  }
0xd: {  	[smem:$0x3FB1] =	sst s5  }
0xe: {  	[smem:$0x3FB2] =	sst s6  }
0xf: {  	[smem:$0x3FB3] =	sst s7  }
0x10: {  	[smem:$0x3FB4] =	sst s8  }
0x11: {  	[smem:$0x3FB5] =	sst s9;
	s0 =	simm.s32 @!p0 $0x0  }
0x12: {  	s1 =	sld [smem:$0x3F9B];
	s0 =	simm.s32 @p0 $0x1  }
0x13: {  	[smem:$0x3FB6] =	sst s0;
	s0 =	simm.s32 @!p1 $0x0  }
0x14: {  	s2 =	sld [smem:$0x3F9A];
	s0 =	simm.s32 @p1 $0x1  }
0x15: {  	[smem:$0x3FB7] =	sst s0;
	s0 =	simm.s32 @!p2 $0x0  }
0x16: {  	s3 =	sld [smem:$0x3FDB];
	s0 =	simm.s32 @p2 $0x1  }
0x17: {  	s4 =	simm.s32 $0x1BF5;
	[smem:$0x3FB9] =	sst s0  }
0x18: {  	s0 =	sld [smem:$0x3F9C];
	_ =	swait.ge [sflag:s4], $0x0  }
0x19: {  	s7 =	sld [smem:$0x3F9D]  }
0x1a: {  	s8 =	sadd.s32 $0xFFFFE003, lr  }
0x1b: {  	s9 =	sadd.s32 $0xFFFFFEF7, lr;
	s5 =	simm.s32 $0xFFFFFFFF;
	p2 =	slt.u32 s8, $0xFFFFF086  }
0x1c: {  	p1 =	slt.u32 s9, $0xF7A;
	s5 =	simm.s32 @!p2 $0x0  }
0x1d: {  	s5 =	simm.s32 @p1 $0x1;
	p0 =	seq.s32 s7, s2  }
0x1e: {  	s7 =	smul.u32 @!p0 $0xF7A, s2;
	p2 =	seq.s32 @!p0 s5, $0x0  }
0x1f: {  	s9 =	smul.u32 $0xF7A, s1;
	s8 =	simm.s32 @!p0 $0x1BF5;
	p2 =	por !p2, p0  }
0x20: {  	[sflag:s8] =	ssyncset.s32 @!p0 $0xFFFFF086;
	s6 =	sadd.s32 @!p0 s3, s7;
	s7 =	simm.s32 @!p0 $0x108  }
0x21: {  	s3 =	sadd.s32 s3, s9;
	s6 =	sadd.s32 @!p0 $0x88, s6;
	s7 =	simm.s32 @p2 $0x1082  }
0x22: {  	[simem:s7], [sflag:s8] =	dma.local @!p0 [hbm:s6], $0xF7A  }
0x23: {  	s9 =	sor.u32 $0xD0000000, s2;
	s6 =	simm.s32 $0x108;
	_ =	swait.ge @!p0 [sflag:s8], $0x0  }
0x24: {  	s3 =	sadd.s32 $0x88, s3;
	s6 =	simm.s32 @!p1 $0x1082;
	[sflag:s4] =	ssyncset.s32 $0xFFFFF086  }
0x25: {  	[simem:s6], [sflag:s4] =	dma.local [hbm:s3], $0xF7A  }
0x26: {  	[smem:$0x3F9D] =	sst s1;
	(tag) =	ssettag s2;
	_ =	strace s9  }
0x27: {  	s1 =	sld [smem:$0x3FAD]  }
0x28: {  	s2 =	sld [smem:$0x3FAE]  }
0x29: {  	s4 =	sld [smem:$0x3FB0]  }
0x2a: {  	p0 =	seq.s32 s5, $0x0;
	s5 =	sld [smem:$0x3FB1]  }
0x2b: {  	s6 =	sld [smem:$0x3FB2]  }
0x2c: {  	s7 =	sld [smem:$0x3FB3]  }
0x2d: {  	s3 =	simm.s32 $0x108;
	s8 =	sld [smem:$0x3FB4]  }
0x2e: {  	s3 =	simm.s32 @!p0 $0x1082;
	s9 =	sld [smem:$0x3FB5]  }
0x2f: {  	lr =	sadd.s32 s0, s3;
	s0 =	sld [smem:$0x3FAC]  }
0x30: {  	s3 =	sld [smem:$0x3FAF]  }
0x31: {  	[smem:$0x3FB8] =	sst s10  }
0x32: {  	s10 =	sld [smem:$0x3FB6];
	_ =	sdelay $0x3  }
0x33: {  	p0 =	seq.s32 s10, $0x1;
	s10 =	sld [smem:$0x3FB8];
	_ =	sdelay $0x3  }
0x34: {  	[smem:$0x3FB8] =	sst s10  }
0x35: {  	s10 =	sld [smem:$0x3FB7];
	_ =	sdelay $0x3  }
0x36: {  	p1 =	seq.s32 s10, $0x1;
	s10 =	sld [smem:$0x3FB8];
	_ =	sdelay $0x3  }
0x37: {  	[smem:$0x3FB8] =	sst s10  }
0x38: {  	s10 =	sld [smem:$0x3FB9]  }
0x39: {  	_ = 	snop;
	(pc) =	sbr.ind lr, $3  }
0x3a: {  	_ = 	snop  }
0x3b: {  	_ = 	snop  }
0x3c: {  	p2 =	seq.s32 s10, $0x1;
	s10 =	sld [smem:$0x3FB8]  }
0x3d: {  	_ =	shalt  }
0x3e: {  	_ =	shalt  }
0x3f: {  	_ =	shalt  }
0x40: {  	_ =	shalt  }
0x41: {  	_ =	shalt  }
0x42: {  	_ =	shalt  }
0x43: {  	_ =	shalt  }
0x44: {  	_ =	shalt  }
0x45: {  	_ =	shalt  }
0x46: {  	_ =	shalt  }
0x47: {  	_ =	shalt  }
0x48: {  	_ =	shalt  }
0x49: {  	_ =	shalt  }
0x4a: {  	_ =	shalt  }
0x4b: {  	_ =	shalt  }
0x4c: {  	_ =	shalt  }
0x4d: {  	_ =	shalt  }
0x4e: {  	_ =	shalt  }
0x4f: {  	_ =	shalt  }
0x50: {  	_ =	shalt  }
0x51: {  	_ =	shalt  }
0x52: {  	_ =	shalt  }
0x53: {  	_ =	shalt  }
0x54: {  	_ =	shalt  }
0x55: {  	_ =	shalt  }
0x56: {  	_ =	shalt  }
0x57: {  	_ =	shalt  }
0x58: {  	_ =	shalt  }
0x59: {  	_ =	shalt  }
0x5a: {  	_ =	shalt  }
0x5b: {  	_ =	shalt  }
0x5c: {  	_ =	shalt  }
0x5d: {  	_ =	shalt  }
0x5e: {  	_ =	shalt  }
0x5f: {  	_ =	shalt  }
0x60: {  	_ =	shalt  }
0x61: {  	_ =	shalt  }
0x62: {  	_ =	shalt  }
0x63: {  	_ =	shalt  }
0x64: {  	_ =	shalt  }
0x65: {  	_ =	shalt  }
0x66: {  	_ =	shalt  }
0x67: {  	_ =	shalt  }
0x68: {  	_ =	shalt  }
0x69: {  	_ =	shalt  }
0x6a: {  	_ =	shalt  }
0x6b: {  	_ =	shalt  }
0x6c: {  	_ =	shalt  }
0x6d: {  	_ =	shalt  }
0x6e: {  	_ =	shalt  }
0x6f: {  	_ =	shalt  }
0x70: {  	_ =	shalt  }
0x71: {  	_ =	shalt  }
0x72: {  	_ =	shalt  }
0x73: {  	_ =	shalt  }
0x74: {  	_ =	shalt  }
0x75: {  	_ =	shalt  }
0x76: {  	_ =	shalt  }
0x77: {  	_ =	shalt  }
0x78: {  	_ =	shalt  }
0x79: {  	_ =	shalt  }
0x7a: {  	_ =	shalt  }
0x7b: {  	_ =	shalt  }
0x7c: {  	_ =	shalt  }
0x7d: {  	_ =	shalt  }
0x7e: {  	_ =	shalt  }
0x7f: {  	_ =	shalt  }
0x80: {  	_ =	shalt  }
0x81: {  	_ =	shalt  }
0x82: {  	_ =	shalt  }
0x83: {  	_ =	shalt  }
0x84: {  	_ =	shalt  }
0x85: {  	_ =	shalt  }
0x86: {  	_ =	shalt  }
0x87: {  	_ =	shalt  }
.Lfunc_end0:
.L_simem_size_0:
called_computation.1_lowered:
.L_overlay_start_0:
0x88: {  	s2 =	sld [smem:$0x3FD9]  }
0x89: {  	s3 =	sld [smem:$0x3FFE];
	_ =	sdelay $0x1  }
0x8a: {  	s1 =	srdreg.scid  }
0x8b: {  	s0 =	sand.u32 $0x1, s1  }
0x8c: {  	s17 =	sshll.u32 s0, $0xA;
	s2 =	sadd.s32 s3, s2  }
0x8d: {  	s2 =	sadd.s32 s2, s17  }
0x8e: {  	[smem:$0x3FC4] =	sst s2  }
0x8f: {  	_ = 	snop  }
0x90: {  	s2 =	sld [smem:$0x3FD0];
	(tm) =	ssettm $0x1  }
0x91: {  	s18 =	sld [smem:$0x3FFB];
	_ =	sdelay $0x3  }
0x92: {  	_ =	strace s18  }
0x93: {  	s3 =	sld [smem:$0x3FFC];
	_ =	sdelay $0x3  }
0x94: {  	_ =	strace s3  }
0x95: {  	s3 =	sld [smem:$0x3FFD];
	_ =	sdelay $0x3  }
0x96: {  	_ =	strace s3  }
0x97: {  	_ =	strace $0x8FFFFFFF  }
0x98: {  	s19 =	sld [smem:$0x3FDB];
	_ =	sdelay $0x1  }
0x99: {  	s4 =	simm.s32 $_scs_section_size  }
0x9a: {  	s5 =	simm.s32 $_size__tile_overlayer_lowered;
	s6 =	simm.s32 $_tile_overlayer_lowered  }
0x9b: {  	s22 =	simm.s32 $0x1BFF;
	s21 =	sshll.u32 s6, $0x1;
	s3 =	sadd.s32 s4, s19  }
0x9c: {  	s7 =	simm.s32 $0x0;
	s20 =	sshll.u32 s5, $0x1;
	s5 =	sadd.s32 s21, s3  }
0x9d: {  	[timem:s7], [sflag:s22] =	dma.local [hbm:s5], s20  }
0x9e: {  	_ =	swait.ge [sflag:s22], s20  }
0x9f: {  	s4 =	ssub.s32 $0x0, s20;
	[sflag:s22] =	ssyncset.done $0x0  }
0xa0: {  	[sflag:s22] =	ssyncadd.s32 s4;
	_ =	sdelay $0x1  }
0xa1: {  	s23 =	simm.s32 $0x1B8B  }
0xa2: {  	_ =	swait.ge [sflag:s23], $0x1  }
0xa3: {  	[sflag:s23] =	ssyncset.done $0x0  }
0xa4: {  	s25 =	simm.s32 $0x1B8E;
	s24 =	sld [smem:$0x3FFE];
	[sflag:s23] =	ssyncadd.s32 $0xFFFFFFFF  }
0xa5: {  	s26 =	simm.s32 $execute0_lowered;
	[smem:$0x3FD2] =	sst s25  }
0xa6: {  	s5 =	sshll.u32 s26, $0x1;
	_ =	strace $0x80000049;
	[dreg:$0x1] =	wrdreg $0xFFFFFFFF  }
0xa7: {  	s28 =	simm.s32 $_size_execute0_lowered;
	s3 =	sadd.s32 s3, s5;
	[dreg:$0x0] =	wrdreg $0x0  }
0xa8: {  	s5 =	sshll.u32 s28, $0x1;
	[dreg:$0x2] =	wrdreg s3  }
0xa9: {  	[dreg:$0x3] =	wrdreg s5  }
0xaa: {  	[dreg:$0x4] =	wrdreg $0xC0  }
0xab: {  	_ =	task [dreg:s7], $0x5FFFF  }
0xac: {  	[dreg:$0x1] =	wrdreg $0xFFFFFFFF  }
0xad: {  	[dreg:$0x0] =	wrdreg $0x60  }
0xae: {  	[dreg:$0x2] =	wrdreg s24  }
0xaf: {  	[dreg:$0x3] =	wrdreg s2  }
0xb0: {  	[dreg:$0x4] =	wrdreg $0xA4000  }
0xb1: {  	[dreg:$0x5] =	wrdreg $0x9  }
0xb2: {  	_ =	task.clear_ibuf [dreg:s7], $0x6FFFF;
	_ =	strace $0x90000049  }
0xb3: {  	s29 =	simm.s32 $0x9;
	_ =	strace $0x8000004B  }
0xb4: {  	_ =	swait.ge [sflag:s29], $0x1  }
0xb5: {  	[sflag:s29] =	ssyncadd.s32 $0xFFFFFFFF  }
0xb6: {  	_ =	strace $0x9000004B  }
0xb7: {  	_ =	sfence  }
0xb8: {  	s30 =	sld [smem:$0x0];
	_ =	sdelay $0x2  }
0xb9: {  	s31 =	sshll.u32 s1, $0xD;
	s1 =	sshrl.u32 s1, $0x2  }
0xba: {  	s3 =	sand.u32 $0x4000, s31;
	s1 =	sadd.s32 s1, s30  }
0xbb: {  	s0 =	sor.u32 s3, s0;
	s1 =	sshll.u32 s1, $0x11  }
0xbc: {  	s0 =	sor.u32 s1, s0  }
0xbd: {  	s0 =	sadd.s32 $0x8F2B, s0  }
0xbe: {  	[sflag:s0] =	ssyncadd.remote.s32 $0x1  }
0xbf: {  	_ =	sfence.sel $0xFFFF  }
0xc0: {  	[dreg:$0x0] =	wrdreg $0xFFFFFFFF;
	(pc) =	sbr.abs _section_cstart, $3  }
0xc1: {  	[dreg:$0x1] =	wrdreg $0xFFFFFFFF  }
0xc2: {  	_ =	task.clear_ibuf [dreg:s7], $0x2FFFF;
	_ =	strace $0x9FFFFFFF  }
0xc3: {  	(tm) =	ssettm $0x7FFFFFFF  }
tec
execute0_lowered:
.L_overlay_start_1:
0x0: {  	(tag) =	ssettag $0x1  }
0x1: {  	s0 =	rddreg [dreg:$0x0]  }
0x2: {  	s3 =	rddreg [dreg:$0x1]  }
0x3: {  	s1 =	rddreg [dreg:$0x2];
	s2 =	simm.s32 $0x0  }
0x4: {  	s4 =	srdreg.scid;
	s19 =	stileid.u32;
	s20 =	simm.s32 $0xA  }
0x5: {  	s23 =	simm.s32 $0x400;
	s25 =	simm.s32 $0x8400;
	s28 =	simm.s32 $0x7  }
0x6: {  	s29 =	simm.s32 $0x8;
	s30 =	simm.s32 $0x0;
	[smem:$0x7FF] =	sst s2  }
0x7: {  	s6 =	sand.u32 $0x1, s4;
	s4 =	sadd.s32 $0x1400, s0;
	s9 =	smul.u32 $0x50000, s19  }
0x8: {  	s31 =	smul.u32 $0x2800, s19;
	_ =	strace $0x8000004A;
	s5 =	sshll.u32 s6, $0x4  }
0x9: {  	s7 =	smul.u32 $0x28000, s6;
	s6 =	ssub.s32 $0x2, s6;
	s8 =	sor.u32 s19, s5  }
0xa: {  	s5 =	sadd.s32 $0x4F600, s0;
	s26 =	sshrl.u32 s6, $0x1;
	s9 =	sshrl.u32 s9, $0x2  }
0xb: {  	s8 =	smul.u32 $0x9E0, s8;
	s0 =	sadd.s32 s7, s0;
	s7 =	sadd.s32 s9, s1  }
0xc: {  	s18 =	ssub.s32 s6, s26;
	s26 =	simm.s32 $0x9;
	s9 =	sadd.s32 $0x2000, s7  }
.Ltmp0:
0xd: {  	s10 =	sadd.s32 $0x4000, s7;
	s11 =	sadd.s32 $0x6000, s7;
	(pc) =	sbr.rel .LBB2_1-.Ltmp0, $4  }
0xe: {  	s12 =	sadd.s32 $0x8000, s7;
	s13 =	sadd.s32 $0xA000, s7;
	s14 =	sadd.s32 $0xC000, s7  }
0xf: {  	s15 =	sadd.s32 $0xE000, s7;
	s16 =	sadd.s32 $0x10000, s7;
	s17 =	sadd.s32 $0x12000, s7  }
0x10: {  	s0 =	sadd.s32 $0x4FA00, s0;
	s18 =	smax.u32 s18, $0x1;
	s6 =	sadd.s32 s3, s8  }
0x11: {  	s24 =	sadd.s32 s31, s0;
	s8 =	sadd.s32 $0x20, s6;
	s19 =	sadd.s32 $0x40, s6  }
.LBB2_6:
0x12: {  	_ =	swait.ge [sflag:s28], $0x4000  }
0x13: {  	[sflag:s28] =	ssyncset.done $0x0  }
0x14: {  	[sflag:s28] =	ssyncadd.s32 $0xFFFFC000  }
0x15: {  	s0 =	stileid.u32;
	_ =	swait.ge [sflag:s29], $0x4000  }
0x16: {  	s3 =	sshrl.u32 s7, $0x3;
	s30 =	sadd.s32 $0x1, s30;
	[sflag:s29] =	ssyncset.done $0x0  }
0x17: {  	s0 =	sshll.u32 s0, $0x6;
	p0 =	sne.s32 s30, s18;
	[sflag:s29] =	ssyncadd.s32 $0xFFFFC000  }
.Ltmp1:
0x18: {  	s0 =	sor.u32 $0x1C0A, s0;
	[bflag:$0x0] =	sbarrier.arrive $0xFFFF;
	(pc) =	sbr.rel @!p0 .LBB2_7-.Ltmp1, $4  }
0x19: {  	[hbm:s24], [sflag:s0] =	dma.local [spmem:s3], $0x2800  }
0x1a: {  	_ =	swait.ge [sflag:s20], $0x2800  }
0x1b: {  	[sflag:s20] =	ssyncset.done $0x0  }
0x1c: {  	[sflag:s20] =	ssyncadd.s32 $0xFFFFD800  }
.LBB2_1:
0x1d: {  	[tilespmem:s2], [sflag:$0xA] =	stream.linear.gather [hbm4b:s6+s2], $0x100, $0x38;
	[tilespmem:$0x1E400] =	vst v63  }
0x1e: {  	_ =	swait.ge [sflag:s20], $0x100  }
0x1f: {  	[sflag:s20] =	ssyncset.done $0x0  }
0x20: {  	s0 =	simm.s32 $0x100;
	[sflag:s20] =	ssyncadd.s32 $0xFFFFFF00  }
0x21: {  	[tilespmem:s0], [sflag:$0x2] =	stream.linear.gather [hbm4b:s8+s2], $0x100, $0x38;
	[tilespmem:$0x1E400] =	vst v63  }
0x22: {  	s22 =	simm.s32 $0x80  }
0x23: {  	[tilespmem:s23], [sflag:$0x5] =	stream.indirect.gather [hbm4b:s4+s22], $0x80, s2, s22, $0xb8;
	[tilespmem:$0x1E400] =	vst v63  }
0x24: {  	_ = 	snop  }
0x25: {  	[tilespmem:s25], [sflag:$0xA] =	stream.linear.gather [hbm4b:s5+s2], $0x2000, $0x38;
	[tilespmem:$0x1E400] =	vst v63  }
0x26: {  	_ =	swait.ge [sflag:s20], $0x2000  }
0x27: {  	[sflag:s20] =	ssyncset.done $0x0  }
0x28: {  	[sflag:s20] =	ssyncadd.s32 $0xFFFFE000  }
0x29: {  	[spmem:s7] =	stream.linear.scatter [tilespmem:s25], [sflag:$0x9], $0x2000, $0x38;
	[tilespmem:$0x1E400] =	vst v63  }
0x2a: {  	_ = 	snop  }
0x2b: {  	[spmem:s9] =	stream.linear.scatter [tilespmem:s25], [sflag:$0x9], $0x2000, $0x38;
	[tilespmem:$0x1E400] =	vst v63  }
0x2c: {  	_ = 	snop  }
0x2d: {  	[spmem:s10] =	stream.linear.scatter [tilespmem:s25], [sflag:$0x9], $0x2000, $0x38;
	[tilespmem:$0x1E400] =	vst v63  }
0x2e: {  	_ = 	snop  }
0x2f: {  	[spmem:s11] =	stream.linear.scatter [tilespmem:s25], [sflag:$0x9], $0x2000, $0x38;
	[tilespmem:$0x1E400] =	vst v63  }
0x30: {  	_ = 	snop  }
0x31: {  	[spmem:s12] =	stream.linear.scatter [tilespmem:s25], [sflag:$0x9], $0x2000, $0x38;
	[tilespmem:$0x1E400] =	vst v63  }
0x32: {  	_ = 	snop  }
0x33: {  	[spmem:s13] =	stream.linear.scatter [tilespmem:s25], [sflag:$0x9], $0x2000, $0x38;
	[tilespmem:$0x1E400] =	vst v63  }
0x34: {  	_ = 	snop  }
0x35: {  	[spmem:s14] =	stream.linear.scatter [tilespmem:s25], [sflag:$0x9], $0x2000, $0x38;
	[tilespmem:$0x1E400] =	vst v63  }
0x36: {  	_ = 	snop  }
0x37: {  	[spmem:s15] =	stream.linear.scatter [tilespmem:s25], [sflag:$0x9], $0x2000, $0x38;
	[tilespmem:$0x1E400] =	vst v63  }
0x38: {  	_ = 	snop  }
0x39: {  	[spmem:s16] =	stream.linear.scatter [tilespmem:s25], [sflag:$0x9], $0x2000, $0x38;
	[tilespmem:$0x1E400] =	vst v63  }
0x3a: {  	_ = 	snop  }
0x3b: {  	[spmem:s17] =	stream.linear.scatter [tilespmem:s25], [sflag:$0x9], $0x2000, $0x38;
	[tilespmem:$0x1E400] =	vst v63  }
0x3c: {  	_ =	swait.ge [sflag:s26], $0x2000  }
0x3d: {  	[sflag:s26] =	ssyncset.done $0x0  }
0x3e: {  	[sflag:s26] =	ssyncadd.s32 $0xFFFFE000  }
0x3f: {  	_ =	swait.ge [sflag:s26], $0x2000  }
0x40: {  	[sflag:s26] =	ssyncset.done $0x0  }
0x41: {  	[sflag:s26] =	ssyncadd.s32 $0xFFFFE000  }
0x42: {  	_ =	swait.ge [sflag:s26], $0x2000  }
0x43: {  	[sflag:s26] =	ssyncset.done $0x0  }
0x44: {  	[sflag:s26] =	ssyncadd.s32 $0xFFFFE000  }
0x45: {  	_ =	swait.ge [sflag:s26], $0x2000  }
0x46: {  	[sflag:s26] =	ssyncset.done $0x0  }
0x47: {  	[sflag:s26] =	ssyncadd.s32 $0xFFFFE000  }
0x48: {  	_ =	swait.ge [sflag:s26], $0x2000  }
0x49: {  	[sflag:s26] =	ssyncset.done $0x0  }
0x4a: {  	[sflag:s26] =	ssyncadd.s32 $0xFFFFE000  }
0x4b: {  	_ =	swait.ge [sflag:s26], $0x2000  }
0x4c: {  	[sflag:s26] =	ssyncset.done $0x0  }
0x4d: {  	[sflag:s26] =	ssyncadd.s32 $0xFFFFE000  }
0x4e: {  	_ =	swait.ge [sflag:s26], $0x2000  }
0x4f: {  	[sflag:s26] =	ssyncset.done $0x0  }
0x50: {  	[sflag:s26] =	ssyncadd.s32 $0xFFFFE000  }
0x51: {  	_ =	swait.ge [sflag:s26], $0x2000  }
0x52: {  	[sflag:s26] =	ssyncset.done $0x0  }
0x53: {  	[sflag:s26] =	ssyncadd.s32 $0xFFFFE000  }
0x54: {  	_ =	swait.ge [sflag:s26], $0x2000  }
0x55: {  	[sflag:s26] =	ssyncset.done $0x0  }
0x56: {  	[sflag:s26] =	ssyncadd.s32 $0xFFFFE000  }
.Ltmp2:
0x57: {  	_ =	swait.ge [sflag:s26], $0x2000;
	(pc) =	sbr.rel .LBB2_2-.Ltmp2, $4  }
0x58: {  	[sflag:s26] =	ssyncset.done $0x0  }
0x59: {  	[sflag:s26] =	ssyncadd.s32 $0xFFFFE000  }
0x5a: {  	[bflag:$0x0] =	sbarrier.arrive $0xFFFF  }
0x5b: {  	s31 =	smov.u32 s19;
	s0 =	simm.s32 $0x0  }
.LBB2_4:
0x5c: {  	p0 =	seq.s32 s3, $0x2  }
0x5d: {  	p2 =	seq.s32 @p0 s0, $0x4E  }
0x5e: {  	p1 =	por p2, !p0  }
0x5f: {  	s3 =	simm.s32 @!p1 $0x4;
	p3 =	seq.s32 @!p1 s0, $0x0  }
0x60: {  	_ =	swait.ge @!p1 [sflag:s3], $0x100;
	p2 =	por @p0 p3, p2  }
0x61: {  	[sflag:s3] =	ssyncset.done @!p1 $0x0;
	p2 =	por p2, !p0  }
0x62: {  	[sflag:s3] =	ssyncadd.s32 @!p1 $0xFFFFFF00;
	s3 =	simm.s32 @!p2 $0x8  }
0x63: {  	_ =	swait.ge @!p2 [sflag:s3], $0x4000  }
0x64: {  	s21 =	simm.s32 @!p1 $0x300;
	[sflag:s3] =	ssyncset.done @!p2 $0x0  }
0x65: {  	s22 =	simm.s32 @!p1 $0x4400;
	[sflag:s3] =	ssyncadd.s32 @!p2 $0xFFFFC000;
	s3 =	simm.s32 @!p1 $0x80  }
0x66: {  	[tilespmem:s22], [sflag:$0x6] =	stream.indirect.gather @!p1 [hbm4b:s4+s3], $0x80, s21, s3, $0xb8;
	[tilespmem:$0x1E400] =	vst v63  }
0x67: {  	s3 =	simm.s32 @p0 $0x5  }
0x68: {  	s21 =	simm.s32 @p0 $0x280;
	_ =	swait.ge @p0 [sflag:s3], $0x4000  }
0x69: {  	s22 =	simm.s32 @p0 $0x400;
	p1 =	sgt.u32 @p0 s0, $0x4C;
	[sflag:s3] =	ssyncset.done @p0 $0x0  }
0x6a: {  	p1 =	por p1, !p0;
	[sflag:s3] =	ssyncadd.s32 @p0 $0xFFFFC000;
	s3 =	simm.s32 @p0 $0x80  }
0x6b: {  	[spmem:s1] =	stream.indirect.scatter.add.f32 @p0 [tilespmem:s22], [sflag:$0x7], $0x80, s21, s3, $0xb8;
	[tilespmem:$0x1E400] =	vst v63  }
0x6c: {  	p2 =	seq.s32 @!p0 s0, $0x4E;
	s3 =	simm.s32 @!p1 $0x0  }
0x6d: {  	[tilespmem:s3], [sflag:$0x1] =	stream.linear.gather @!p1 [hbm4b:s31+s3], $0x100, $0x38;
	[tilespmem:$0x1E400] =	vst v63  }
0x6e: {  	p1 =	por p2, p0  }
0x6f: {  	s3 =	simm.s32 @!p1 $0x1;
	p3 =	seq.s32 @!p1 s0, $0x0  }
0x70: {  	_ =	swait.ge @!p1 [sflag:s3], $0x100;
	p2 =	por @!p0 p3, p2  }
0x71: {  	[sflag:s3] =	ssyncset.done @!p1 $0x0;
	p2 =	por p2, p0  }
0x72: {  	[sflag:s3] =	ssyncadd.s32 @!p1 $0xFFFFFF00;
	s3 =	simm.s32 @!p2 $0x7  }
0x73: {  	_ =	swait.ge @!p2 [sflag:s3], $0x4000  }
0x74: {  	s21 =	simm.s32 @!p1 $0x0;
	[sflag:s3] =	ssyncset.done @!p2 $0x0  }
0x75: {  	s22 =	simm.s32 @!p1 $0x400;
	[sflag:s3] =	ssyncadd.s32 @!p2 $0xFFFFC000;
	s3 =	simm.s32 @!p1 $0x80  }
0x76: {  	[tilespmem:s22], [sflag:$0x5] =	stream.indirect.gather @!p1 [hbm4b:s4+s3], $0x80, s21, s3, $0xb8;
	[tilespmem:$0x1E400] =	vst v63  }
0x77: {  	s3 =	simm.s32 @!p0 $0x6  }
0x78: {  	_ =	swait.ge @!p0 [sflag:s3], $0x4000  }
0x79: {  	s21 =	simm.s32 @!p0 $0x380;
	s22 =	simm.s32 @!p0 $0x4400;
	[sflag:s3] =	ssyncset.done @!p0 $0x0  }
0x7a: {  	p1 =	sgt.u32 @!p0 s0, $0x4C;
	[sflag:s3] =	ssyncadd.s32 @!p0 $0xFFFFC000;
	s3 =	simm.s32 @!p0 $0x80  }
0x7b: {  	[spmem:s1] =	stream.indirect.scatter.add.f32 @!p0 [tilespmem:s22], [sflag:$0x8], $0x80, s21, s3, $0xb8;
	[tilespmem:$0x1E400] =	vst v63  }
0x7c: {  	p0 =	por p1, p0  }
0x7d: {  	s3 =	simm.s32 @!p0 $0x0;
	s21 =	simm.s32 @!p0 $0x100  }
0x7e: {  	[tilespmem:s21], [sflag:$0x2] =	stream.linear.gather @!p0 [hbm4b:s31+s3], $0x100, $0x38;
	[tilespmem:$0x1E400] =	vst v63  }
.LBB2_5:
0x7f: {  	s0 =	sadd.s32 $0x1, s0  }
0x80: {  	p0 =	sne.s32 s0, $0x4F  }
.Ltmp3:
0x81: {  	_ = 	snop;
	(pc) =	sbr.rel @!p0 .LBB2_6-.Ltmp3, $2  }
0x82: {  	_ =	sdelay $0x2  }
0x83: {  	s31 =	sadd.s32 $0x20, s31  }
.LBB2_2:
0x84: {  	s3 =	sand.u32 $0x3, s0  }
0x85: {  	p0 =	sgt.s32 s3, $0x1  }
.Ltmp4:
0x86: {  	_ = 	snop;
	(pc) =	sbr.rel @p0 .LBB2_4-.Ltmp4, $1  }
0x87: {  	_ =	sdelay $0x3  }
0x88: {  	p0 =	seq.s32 s3, $0x0  }
0x89: {  	p2 =	seq.s32 @p0 s0, $0x4E  }
0x8a: {  	p1 =	por p2, !p0  }
0x8b: {  	s3 =	simm.s32 @!p1 $0x2;
	p3 =	seq.s32 @!p1 s0, $0x0  }
0x8c: {  	_ =	swait.ge @!p1 [sflag:s3], $0x100;
	p2 =	por @p0 p3, p2  }
0x8d: {  	[sflag:s3] =	ssyncset.done @!p1 $0x0;
	p2 =	por p2, !p0  }
0x8e: {  	[sflag:s3] =	ssyncadd.s32 @!p1 $0xFFFFFF00;
	s3 =	simm.s32 @!p2 $0x8  }
0x8f: {  	_ =	swait.ge @!p2 [sflag:s3], $0x4000  }
0x90: {  	s21 =	simm.s32 @!p1 $0x100;
	[sflag:s3] =	ssyncset.done @!p2 $0x0  }
0x91: {  	s22 =	simm.s32 @!p1 $0x4400;
	[sflag:s3] =	ssyncadd.s32 @!p2 $0xFFFFC000;
	s3 =	simm.s32 @!p1 $0x80  }
0x92: {  	[tilespmem:s22], [sflag:$0x6] =	stream.indirect.gather @!p1 [hbm4b:s4+s3], $0x80, s21, s3, $0xb8;
	[tilespmem:$0x1E400] =	vst v63  }
0x93: {  	s3 =	simm.s32 @p0 $0x5  }
0x94: {  	_ =	swait.ge @p0 [sflag:s3], $0x4000  }
0x95: {  	s21 =	simm.s32 @p0 $0x400;
	p1 =	sgt.u32 @p0 s0, $0x4C;
	[sflag:s3] =	ssyncset.done @p0 $0x0  }
0x96: {  	p1 =	por p1, !p0;
	[sflag:s3] =	ssyncadd.s32 @p0 $0xFFFFC000;
	s3 =	simm.s32 @p0 $0x80  }
0x97: {  	[spmem:s1] =	stream.indirect.scatter.add.f32 @p0 [tilespmem:s21], [sflag:$0x7], $0x80, s3, s3, $0xb8;
	[tilespmem:$0x1E400] =	vst v63  }
0x98: {  	p2 =	seq.s32 @!p0 s0, $0x4E;
	s3 =	simm.s32 @!p1 $0x0;
	s21 =	simm.s32 @!p1 $0x200  }
0x99: {  	[tilespmem:s21], [sflag:$0x3] =	stream.linear.gather @!p1 [hbm4b:s31+s3], $0x100, $0x38;
	[tilespmem:$0x1E400] =	vst v63  }
0x9a: {  	p1 =	por p2, p0  }
0x9b: {  	s3 =	simm.s32 @!p1 $0x3;
	p3 =	seq.s32 @!p1 s0, $0x0  }
0x9c: {  	_ =	swait.ge @!p1 [sflag:s3], $0x100;
	p2 =	por @!p0 p3, p2  }
0x9d: {  	[sflag:s3] =	ssyncset.done @!p1 $0x0;
	p2 =	por p2, p0  }
0x9e: {  	[sflag:s3] =	ssyncadd.s32 @!p1 $0xFFFFFF00;
	s3 =	simm.s32 @!p2 $0x7  }
0x9f: {  	_ =	swait.ge @!p2 [sflag:s3], $0x4000  }
0xa0: {  	s21 =	simm.s32 @!p1 $0x200;
	[sflag:s3] =	ssyncset.done @!p2 $0x0  }
0xa1: {  	s22 =	simm.s32 @!p1 $0x400;
	[sflag:s3] =	ssyncadd.s32 @!p2 $0xFFFFC000;
	s3 =	simm.s32 @!p1 $0x80  }
0xa2: {  	[tilespmem:s22], [sflag:$0x5] =	stream.indirect.gather @!p1 [hbm4b:s4+s3], $0x80, s21, s3, $0xb8;
	[tilespmem:$0x1E400] =	vst v63  }
0xa3: {  	s3 =	simm.s32 @!p0 $0x6  }
0xa4: {  	s21 =	simm.s32 @!p0 $0x180;
	_ =	swait.ge @!p0 [sflag:s3], $0x4000  }
0xa5: {  	s22 =	simm.s32 @!p0 $0x4400;
	p1 =	sgt.u32 @!p0 s0, $0x4C;
	[sflag:s3] =	ssyncset.done @!p0 $0x0  }
.Ltmp5:
0xa6: {  	[sflag:s3] =	ssyncadd.s32 @!p0 $0xFFFFC000;
	s3 =	simm.s32 @!p0 $0x80;
	(pc) =	sbr.rel .LBB2_5-.Ltmp5, $4  }
0xa7: {  	[spmem:s1] =	stream.indirect.scatter.add.f32 @!p0 [tilespmem:s22], [sflag:$0x8], $0x80, s21, s3, $0xb8;
	[tilespmem:$0x1E400] =	vst v63  }
0xa8: {  	p0 =	por p1, p0  }
0xa9: {  	s3 =	simm.s32 @!p0 $0x0;
	s21 =	simm.s32 @!p0 $0x300  }
0xaa: {  	[tilespmem:s21], [sflag:$0x4] =	stream.linear.gather @!p0 [hbm4b:s31+s3], $0x100, $0x38;
	[tilespmem:$0x1E400] =	vst v63  }
.LBB2_7:
0xab: {  	_ =	sfence.sel $0x180000  }
0xac: {  	[bflag:$0x0] =	sbarrier.arrive $0xFFFF  }
0xad: {  	_ =	strace $0x9000004A  }
0xae: {  	s0 =	stileid.u32;
	[bflag:$0x2] =	sbarrier.arrive $0xFFFF  }
0xaf: {  	p0 =	sne.s32 s0, $0x0;
	s0 =	rddreg [dreg:$0x3]  }
0xb0: {  	s0 =	sadd.s32 @!p0 $0x100000, s0  }
0xb1: {  	[sflag:s0] =	ssyncadd.tile.s32 @!p0 $0x1;
	_ =	shalt  }
.Lfunc_end2:
_tile_overlayer_lowered:
.L_overlay_start_2:
0xb2: {  	(tag) =	ssettag $0x2  }
0xb3: {  	s0 =	rddreg [dreg:$0x0];
	s2 =	stileid.u32  }
0xb4: {  	s1 =	rddreg [dreg:$0x1];
	p0 =	sne.s32 s2, $0x0  }
0xb5: {  	s3 =	rddreg [dreg:$0x2];
	[bflag:$0x3] =	sbarrier.arrive $0xFFFF;
	s2 =	simm.s32 @!p0 $0x1C0A  }
0xb6: {  	[timem:s3], [sflag:s2] =	dma.local @!p0 [hbm:s0], s1  }
0xb7: {  	s0 =	simm.s32 @!p0 $0xA  }
0xb8: {  	_ =	swait.ge @!p0 [sflag:s0], s1  }
0xb9: {  	s1 =	ssub.s32 @!p0 $0x0, s1;
	[sflag:s0] =	ssyncset.done @!p0 $0x0  }
0xba: {  	[sflag:s0] =	ssyncadd.s32 @!p0 s1  }
0xbb: {  	[bflag:$0x3] =	sbarrier.arrive $0xFFFF  }
0xbc: {  	_ =	shalt  }

// kernel: kernel.7.cloned.1.call-start
scs
__scs_entry_jumppad:
0x0: {  	(pc) =	sbr.rel $0x88, $3  }
0x1: {  	(tag) =	ssettag $0x0;
	lr =	simm.s32 $0x1  }
0x2: {  	[smem:$0x3F9D] =	sst lr;
	_ =	strace $0xD0000000  }
0x3: {  	_ = 	snop  }
0x4: {  	_ = 	snop  }
0x5: {  	_ = 	snop  }
0x6: {  	_ = 	snop  }
0x7: {  	_ = 	snop  }
__scs_overlays_trampoline_lowered:
0x8: {  	[smem:$0x3FAC] =	sst s0  }
0x9: {  	[smem:$0x3FAD] =	sst s1  }
0xa: {  	[smem:$0x3FAE] =	sst s2  }
0xb: {  	[smem:$0x3FAF] =	sst s3  }
0xc: {  	[smem:$0x3FB0] =	sst s4  }
0xd: {  	[smem:$0x3FB1] =	sst s5  }
0xe: {  	[smem:$0x3FB2] =	sst s6  }
0xf: {  	[smem:$0x3FB3] =	sst s7  }
0x10: {  	[smem:$0x3FB4] =	sst s8  }
0x11: {  	[smem:$0x3FB5] =	sst s9;
	s0 =	simm.s32 @!p0 $0x0  }
0x12: {  	s1 =	sld [smem:$0x3F9B];
	s0 =	simm.s32 @p0 $0x1  }
0x13: {  	[smem:$0x3FB6] =	sst s0;
	s0 =	simm.s32 @!p1 $0x0  }
0x14: {  	s2 =	sld [smem:$0x3F9A];
	s0 =	simm.s32 @p1 $0x1  }
0x15: {  	[smem:$0x3FB7] =	sst s0;
	s0 =	simm.s32 @!p2 $0x0  }
0x16: {  	s3 =	sld [smem:$0x3FDB];
	s0 =	simm.s32 @p2 $0x1  }
0x17: {  	s4 =	simm.s32 $0x1BF5;
	[smem:$0x3FB9] =	sst s0  }
0x18: {  	s0 =	sld [smem:$0x3F9C];
	_ =	swait.ge [sflag:s4], $0x0  }
0x19: {  	s7 =	sld [smem:$0x3F9D]  }
0x1a: {  	s8 =	sadd.s32 $0xFFFFE003, lr  }
0x1b: {  	s9 =	sadd.s32 $0xFFFFFEF7, lr;
	s5 =	simm.s32 $0xFFFFFFFF;
	p2 =	slt.u32 s8, $0xFFFFF086  }
0x1c: {  	p1 =	slt.u32 s9, $0xF7A;
	s5 =	simm.s32 @!p2 $0x0  }
0x1d: {  	s5 =	simm.s32 @p1 $0x1;
	p0 =	seq.s32 s7, s2  }
0x1e: {  	s7 =	smul.u32 @!p0 $0xF7A, s2;
	p2 =	seq.s32 @!p0 s5, $0x0  }
0x1f: {  	s9 =	smul.u32 $0xF7A, s1;
	s8 =	simm.s32 @!p0 $0x1BF5;
	p2 =	por !p2, p0  }
0x20: {  	[sflag:s8] =	ssyncset.s32 @!p0 $0xFFFFF086;
	s6 =	sadd.s32 @!p0 s3, s7;
	s7 =	simm.s32 @!p0 $0x108  }
0x21: {  	s3 =	sadd.s32 s3, s9;
	s6 =	sadd.s32 @!p0 $0x88, s6;
	s7 =	simm.s32 @p2 $0x1082  }
0x22: {  	[simem:s7], [sflag:s8] =	dma.local @!p0 [hbm:s6], $0xF7A  }
0x23: {  	s9 =	sor.u32 $0xD0000000, s2;
	s6 =	simm.s32 $0x108;
	_ =	swait.ge @!p0 [sflag:s8], $0x0  }
0x24: {  	s3 =	sadd.s32 $0x88, s3;
	s6 =	simm.s32 @!p1 $0x1082;
	[sflag:s4] =	ssyncset.s32 $0xFFFFF086  }
0x25: {  	[simem:s6], [sflag:s4] =	dma.local [hbm:s3], $0xF7A  }
0x26: {  	[smem:$0x3F9D] =	sst s1;
	(tag) =	ssettag s2;
	_ =	strace s9  }
0x27: {  	s1 =	sld [smem:$0x3FAD]  }
0x28: {  	s2 =	sld [smem:$0x3FAE]  }
0x29: {  	s4 =	sld [smem:$0x3FB0]  }
0x2a: {  	p0 =	seq.s32 s5, $0x0;
	s5 =	sld [smem:$0x3FB1]  }
0x2b: {  	s6 =	sld [smem:$0x3FB2]  }
0x2c: {  	s7 =	sld [smem:$0x3FB3]  }
0x2d: {  	s3 =	simm.s32 $0x108;
	s8 =	sld [smem:$0x3FB4]  }
0x2e: {  	s3 =	simm.s32 @!p0 $0x1082;
	s9 =	sld [smem:$0x3FB5]  }
0x2f: {  	lr =	sadd.s32 s0, s3;
	s0 =	sld [smem:$0x3FAC]  }
0x30: {  	s3 =	sld [smem:$0x3FAF]  }
0x31: {  	[smem:$0x3FB8] =	sst s10  }
0x32: {  	s10 =	sld [smem:$0x3FB6];
	_ =	sdelay $0x3  }
0x33: {  	p0 =	seq.s32 s10, $0x1;
	s10 =	sld [smem:$0x3FB8];
	_ =	sdelay $0x3  }
0x34: {  	[smem:$0x3FB8] =	sst s10  }
0x35: {  	s10 =	sld [smem:$0x3FB7];
	_ =	sdelay $0x3  }
0x36: {  	p1 =	seq.s32 s10, $0x1;
	s10 =	sld [smem:$0x3FB8];
	_ =	sdelay $0x3  }
0x37: {  	[smem:$0x3FB8] =	sst s10  }
0x38: {  	s10 =	sld [smem:$0x3FB9]  }
0x39: {  	_ = 	snop;
	(pc) =	sbr.ind lr, $3  }
0x3a: {  	_ = 	snop  }
0x3b: {  	_ = 	snop  }
0x3c: {  	p2 =	seq.s32 s10, $0x1;
	s10 =	sld [smem:$0x3FB8]  }
0x3d: {  	_ =	shalt  }
0x3e: {  	_ =	shalt  }
0x3f: {  	_ =	shalt  }
0x40: {  	_ =	shalt  }
0x41: {  	_ =	shalt  }
0x42: {  	_ =	shalt  }
0x43: {  	_ =	shalt  }
0x44: {  	_ =	shalt  }
0x45: {  	_ =	shalt  }
0x46: {  	_ =	shalt  }
0x47: {  	_ =	shalt  }
0x48: {  	_ =	shalt  }
0x49: {  	_ =	shalt  }
0x4a: {  	_ =	shalt  }
0x4b: {  	_ =	shalt  }
0x4c: {  	_ =	shalt  }
0x4d: {  	_ =	shalt  }
0x4e: {  	_ =	shalt  }
0x4f: {  	_ =	shalt  }
0x50: {  	_ =	shalt  }
0x51: {  	_ =	shalt  }
0x52: {  	_ =	shalt  }
0x53: {  	_ =	shalt  }
0x54: {  	_ =	shalt  }
0x55: {  	_ =	shalt  }
0x56: {  	_ =	shalt  }
0x57: {  	_ =	shalt  }
0x58: {  	_ =	shalt  }
0x59: {  	_ =	shalt  }
0x5a: {  	_ =	shalt  }
0x5b: {  	_ =	shalt  }
0x5c: {  	_ =	shalt  }
0x5d: {  	_ =	shalt  }
0x5e: {  	_ =	shalt  }
0x5f: {  	_ =	shalt  }
0x60: {  	_ =	shalt  }
0x61: {  	_ =	shalt  }
0x62: {  	_ =	shalt  }
0x63: {  	_ =	shalt  }
0x64: {  	_ =	shalt  }
0x65: {  	_ =	shalt  }
0x66: {  	_ =	shalt  }
0x67: {  	_ =	shalt  }
0x68: {  	_ =	shalt  }
0x69: {  	_ =	shalt  }
0x6a: {  	_ =	shalt  }
0x6b: {  	_ =	shalt  }
0x6c: {  	_ =	shalt  }
0x6d: {  	_ =	shalt  }
0x6e: {  	_ =	shalt  }
0x6f: {  	_ =	shalt  }
0x70: {  	_ =	shalt  }
0x71: {  	_ =	shalt  }
0x72: {  	_ =	shalt  }
0x73: {  	_ =	shalt  }
0x74: {  	_ =	shalt  }
0x75: {  	_ =	shalt  }
0x76: {  	_ =	shalt  }
0x77: {  	_ =	shalt  }
0x78: {  	_ =	shalt  }
0x79: {  	_ =	shalt  }
0x7a: {  	_ =	shalt  }
0x7b: {  	_ =	shalt  }
0x7c: {  	_ =	shalt  }
0x7d: {  	_ =	shalt  }
0x7e: {  	_ =	shalt  }
0x7f: {  	_ =	shalt  }
0x80: {  	_ =	shalt  }
0x81: {  	_ =	shalt  }
0x82: {  	_ =	shalt  }
0x83: {  	_ =	shalt  }
0x84: {  	_ =	shalt  }
0x85: {  	_ =	shalt  }
0x86: {  	_ =	shalt  }
0x87: {  	_ =	shalt  }
.Lfunc_end0:
.L_simem_size_0:
called_computation_lowered:
.L_overlay_start_0:
0x88: {  	s2 =	sld [smem:$0x3FD9]  }
0x89: {  	s3 =	sld [smem:$0x3FFE];
	_ =	sdelay $0x1  }
0x8a: {  	s1 =	srdreg.scid  }
0x8b: {  	s0 =	sand.u32 $0x1, s1  }
0x8c: {  	s17 =	sshll.u32 s0, $0xA;
	s2 =	sadd.s32 s3, s2  }
0x8d: {  	s2 =	sadd.s32 s2, s17  }
0x8e: {  	[smem:$0x3FC4] =	sst s2  }
0x8f: {  	_ = 	snop  }
0x90: {  	s2 =	sld [smem:$0x3FD0];
	(tm) =	ssettm $0x1  }
0x91: {  	s18 =	sld [smem:$0x3FFB];
	_ =	sdelay $0x3  }
0x92: {  	_ =	strace s18  }
0x93: {  	s3 =	sld [smem:$0x3FFC];
	_ =	sdelay $0x3  }
0x94: {  	_ =	strace s3  }
0x95: {  	s3 =	sld [smem:$0x3FFD];
	_ =	sdelay $0x3  }
0x96: {  	_ =	strace s3  }
0x97: {  	_ =	strace $0x8FFFFFFF  }
0x98: {  	s19 =	sld [smem:$0x3FDB];
	_ =	sdelay $0x1  }
0x99: {  	s4 =	simm.s32 $_scs_section_size  }
0x9a: {  	s5 =	simm.s32 $_size__tile_overlayer_lowered;
	s6 =	simm.s32 $_tile_overlayer_lowered  }
0x9b: {  	s22 =	simm.s32 $0x1BFF;
	s21 =	sshll.u32 s6, $0x1;
	s3 =	sadd.s32 s4, s19  }
0x9c: {  	s7 =	simm.s32 $0x0;
	s20 =	sshll.u32 s5, $0x1;
	s5 =	sadd.s32 s21, s3  }
0x9d: {  	[timem:s7], [sflag:s22] =	dma.local [hbm:s5], s20  }
0x9e: {  	_ =	swait.ge [sflag:s22], s20  }
0x9f: {  	s4 =	ssub.s32 $0x0, s20;
	[sflag:s22] =	ssyncset.done $0x0  }
0xa0: {  	[sflag:s22] =	ssyncadd.s32 s4;
	_ =	sdelay $0x1  }
0xa1: {  	s23 =	simm.s32 $0x1B8B  }
0xa2: {  	_ =	swait.ge [sflag:s23], $0x1  }
0xa3: {  	[sflag:s23] =	ssyncset.done $0x0  }
0xa4: {  	s25 =	simm.s32 $0x1B8E;
	s24 =	sld [smem:$0x3FFE];
	[sflag:s23] =	ssyncadd.s32 $0xFFFFFFFF  }
0xa5: {  	s26 =	simm.s32 $execute0_lowered;
	[smem:$0x3FD2] =	sst s25  }
0xa6: {  	s5 =	sshll.u32 s26, $0x1;
	_ =	strace $0x80000046;
	[dreg:$0x1] =	wrdreg $0xFFFFFFFF  }
0xa7: {  	s28 =	simm.s32 $_size_execute0_lowered;
	s3 =	sadd.s32 s3, s5;
	[dreg:$0x0] =	wrdreg $0x0  }
0xa8: {  	s5 =	sshll.u32 s28, $0x1;
	[dreg:$0x2] =	wrdreg s3  }
0xa9: {  	[dreg:$0x3] =	wrdreg s5  }
0xaa: {  	[dreg:$0x4] =	wrdreg $0xC0  }
0xab: {  	_ =	task [dreg:s7], $0x5FFFF  }
0xac: {  	[dreg:$0x1] =	wrdreg $0xFFFFFFFF  }
0xad: {  	[dreg:$0x0] =	wrdreg $0x60  }
0xae: {  	[dreg:$0x2] =	wrdreg s24  }
0xaf: {  	[dreg:$0x3] =	wrdreg s2  }
0xb0: {  	[dreg:$0x4] =	wrdreg $0xA4000  }
0xb1: {  	[dreg:$0x5] =	wrdreg $0x9  }
0xb2: {  	_ =	task.clear_ibuf [dreg:s7], $0x6FFFF;
	_ =	strace $0x90000046  }
0xb3: {  	s29 =	simm.s32 $0x9;
	_ =	strace $0x80000048  }
0xb4: {  	_ =	swait.ge [sflag:s29], $0x1  }
0xb5: {  	[sflag:s29] =	ssyncadd.s32 $0xFFFFFFFF  }
0xb6: {  	_ =	strace $0x90000048  }
0xb7: {  	_ =	sfence  }
0xb8: {  	s30 =	sld [smem:$0x0];
	_ =	sdelay $0x2  }
0xb9: {  	s31 =	sshll.u32 s1, $0xD;
	s1 =	sshrl.u32 s1, $0x2  }
0xba: {  	s3 =	sand.u32 $0x4000, s31;
	s1 =	sadd.s32 s1, s30  }
0xbb: {  	s0 =	sor.u32 s3, s0;
	s1 =	sshll.u32 s1, $0x11  }
0xbc: {  	s0 =	sor.u32 s1, s0  }
0xbd: {  	s0 =	sadd.s32 $0x8F2B, s0  }
0xbe: {  	[sflag:s0] =	ssyncadd.remote.s32 $0x1  }
0xbf: {  	_ =	sfence.sel $0xFFFF  }
0xc0: {  	[dreg:$0x0] =	wrdreg $0xFFFFFFFF;
	(pc) =	sbr.abs _section_cstart, $3  }
0xc1: {  	[dreg:$0x1] =	wrdreg $0xFFFFFFFF  }
0xc2: {  	_ =	task.clear_ibuf [dreg:s7], $0x2FFFF;
	_ =	strace $0x9FFFFFFF  }
0xc3: {  	(tm) =	ssettm $0x7FFFFFFF  }
tec
execute0_lowered:
.L_overlay_start_1:
0x0: {  	(tag) =	ssettag $0x1  }
0x1: {  	s0 =	rddreg [dreg:$0x0]  }
0x2: {  	s3 =	rddreg [dreg:$0x1]  }
0x3: {  	s1 =	rddreg [dreg:$0x2];
	s2 =	simm.s32 $0x0  }
0x4: {  	s4 =	srdreg.scid;
	s19 =	stileid.u32;
	s20 =	simm.s32 $0xA  }
0x5: {  	s23 =	simm.s32 $0x400;
	s25 =	simm.s32 $0x8400;
	s28 =	simm.s32 $0x7  }
0x6: {  	s29 =	simm.s32 $0x8;
	s30 =	simm.s32 $0x0;
	[smem:$0x7FF] =	sst s2  }
0x7: {  	s6 =	sand.u32 $0x1, s4;
	s4 =	sadd.s32 $0x1400, s0;
	s9 =	smul.u32 $0x50000, s19  }
0x8: {  	s31 =	smul.u32 $0x2800, s19;
	_ =	strace $0x80000047;
	s5 =	sshll.u32 s6, $0x4  }
0x9: {  	s7 =	smul.u32 $0x28000, s6;
	s6 =	ssub.s32 $0x2, s6;
	s8 =	sor.u32 s19, s5  }
0xa: {  	s5 =	sadd.s32 $0x4F600, s0;
	s26 =	sshrl.u32 s6, $0x1;
	s9 =	sshrl.u32 s9, $0x2  }
0xb: {  	s8 =	smul.u32 $0x9E0, s8;
	s0 =	sadd.s32 s7, s0;
	s7 =	sadd.s32 s9, s1  }
0xc: {  	s18 =	ssub.s32 s6, s26;
	s26 =	simm.s32 $0x9;
	s9 =	sadd.s32 $0x2000, s7  }
.Ltmp0:
0xd: {  	s10 =	sadd.s32 $0x4000, s7;
	s11 =	sadd.s32 $0x6000, s7;
	(pc) =	sbr.rel .LBB2_1-.Ltmp0, $4  }
0xe: {  	s12 =	sadd.s32 $0x8000, s7;
	s13 =	sadd.s32 $0xA000, s7;
	s14 =	sadd.s32 $0xC000, s7  }
0xf: {  	s15 =	sadd.s32 $0xE000, s7;
	s16 =	sadd.s32 $0x10000, s7;
	s17 =	sadd.s32 $0x12000, s7  }
0x10: {  	s0 =	sadd.s32 $0x4FA00, s0;
	s18 =	smax.u32 s18, $0x1;
	s6 =	sadd.s32 s3, s8  }
0x11: {  	s24 =	sadd.s32 s31, s0;
	s8 =	sadd.s32 $0x20, s6;
	s19 =	sadd.s32 $0x40, s6  }
.LBB2_6:
0x12: {  	_ =	swait.ge [sflag:s28], $0x4000  }
0x13: {  	[sflag:s28] =	ssyncset.done $0x0  }
0x14: {  	[sflag:s28] =	ssyncadd.s32 $0xFFFFC000  }
0x15: {  	s0 =	stileid.u32;
	_ =	swait.ge [sflag:s29], $0x4000  }
0x16: {  	s3 =	sshrl.u32 s7, $0x3;
	s30 =	sadd.s32 $0x1, s30;
	[sflag:s29] =	ssyncset.done $0x0  }
0x17: {  	s0 =	sshll.u32 s0, $0x6;
	p0 =	sne.s32 s30, s18;
	[sflag:s29] =	ssyncadd.s32 $0xFFFFC000  }
.Ltmp1:
0x18: {  	s0 =	sor.u32 $0x1C0A, s0;
	[bflag:$0x0] =	sbarrier.arrive $0xFFFF;
	(pc) =	sbr.rel @!p0 .LBB2_7-.Ltmp1, $4  }
0x19: {  	[hbm:s24], [sflag:s0] =	dma.local [spmem:s3], $0x2800  }
0x1a: {  	_ =	swait.ge [sflag:s20], $0x2800  }
0x1b: {  	[sflag:s20] =	ssyncset.done $0x0  }
0x1c: {  	[sflag:s20] =	ssyncadd.s32 $0xFFFFD800  }
.LBB2_1:
0x1d: {  	[tilespmem:s2], [sflag:$0xA] =	stream.linear.gather [hbm4b:s6+s2], $0x100, $0x38;
	[tilespmem:$0x1E400] =	vst v63  }
0x1e: {  	_ =	swait.ge [sflag:s20], $0x100  }
0x1f: {  	[sflag:s20] =	ssyncset.done $0x0  }
0x20: {  	s0 =	simm.s32 $0x100;
	[sflag:s20] =	ssyncadd.s32 $0xFFFFFF00  }
0x21: {  	[tilespmem:s0], [sflag:$0x2] =	stream.linear.gather [hbm4b:s8+s2], $0x100, $0x38;
	[tilespmem:$0x1E400] =	vst v63  }
0x22: {  	s22 =	simm.s32 $0x80  }
0x23: {  	[tilespmem:s23], [sflag:$0x5] =	stream.indirect.gather [hbm4b:s4+s22], $0x80, s2, s22, $0xb8;
	[tilespmem:$0x1E400] =	vst v63  }
0x24: {  	_ = 	snop  }
0x25: {  	[tilespmem:s25], [sflag:$0xA] =	stream.linear.gather [hbm4b:s5+s2], $0x2000, $0x38;
	[tilespmem:$0x1E400] =	vst v63  }
0x26: {  	_ =	swait.ge [sflag:s20], $0x2000  }
0x27: {  	[sflag:s20] =	ssyncset.done $0x0  }
0x28: {  	[sflag:s20] =	ssyncadd.s32 $0xFFFFE000  }
0x29: {  	[spmem:s7] =	stream.linear.scatter [tilespmem:s25], [sflag:$0x9], $0x2000, $0x38;
	[tilespmem:$0x1E400] =	vst v63  }
0x2a: {  	_ = 	snop  }
0x2b: {  	[spmem:s9] =	stream.linear.scatter [tilespmem:s25], [sflag:$0x9], $0x2000, $0x38;
	[tilespmem:$0x1E400] =	vst v63  }
0x2c: {  	_ = 	snop  }
0x2d: {  	[spmem:s10] =	stream.linear.scatter [tilespmem:s25], [sflag:$0x9], $0x2000, $0x38;
	[tilespmem:$0x1E400] =	vst v63  }
0x2e: {  	_ = 	snop  }
0x2f: {  	[spmem:s11] =	stream.linear.scatter [tilespmem:s25], [sflag:$0x9], $0x2000, $0x38;
	[tilespmem:$0x1E400] =	vst v63  }
0x30: {  	_ = 	snop  }
0x31: {  	[spmem:s12] =	stream.linear.scatter [tilespmem:s25], [sflag:$0x9], $0x2000, $0x38;
	[tilespmem:$0x1E400] =	vst v63  }
0x32: {  	_ = 	snop  }
0x33: {  	[spmem:s13] =	stream.linear.scatter [tilespmem:s25], [sflag:$0x9], $0x2000, $0x38;
	[tilespmem:$0x1E400] =	vst v63  }
0x34: {  	_ = 	snop  }
0x35: {  	[spmem:s14] =	stream.linear.scatter [tilespmem:s25], [sflag:$0x9], $0x2000, $0x38;
	[tilespmem:$0x1E400] =	vst v63  }
0x36: {  	_ = 	snop  }
0x37: {  	[spmem:s15] =	stream.linear.scatter [tilespmem:s25], [sflag:$0x9], $0x2000, $0x38;
	[tilespmem:$0x1E400] =	vst v63  }
0x38: {  	_ = 	snop  }
0x39: {  	[spmem:s16] =	stream.linear.scatter [tilespmem:s25], [sflag:$0x9], $0x2000, $0x38;
	[tilespmem:$0x1E400] =	vst v63  }
0x3a: {  	_ = 	snop  }
0x3b: {  	[spmem:s17] =	stream.linear.scatter [tilespmem:s25], [sflag:$0x9], $0x2000, $0x38;
	[tilespmem:$0x1E400] =	vst v63  }
0x3c: {  	_ =	swait.ge [sflag:s26], $0x2000  }
0x3d: {  	[sflag:s26] =	ssyncset.done $0x0  }
0x3e: {  	[sflag:s26] =	ssyncadd.s32 $0xFFFFE000  }
0x3f: {  	_ =	swait.ge [sflag:s26], $0x2000  }
0x40: {  	[sflag:s26] =	ssyncset.done $0x0  }
0x41: {  	[sflag:s26] =	ssyncadd.s32 $0xFFFFE000  }
0x42: {  	_ =	swait.ge [sflag:s26], $0x2000  }
0x43: {  	[sflag:s26] =	ssyncset.done $0x0  }
0x44: {  	[sflag:s26] =	ssyncadd.s32 $0xFFFFE000  }
0x45: {  	_ =	swait.ge [sflag:s26], $0x2000  }
0x46: {  	[sflag:s26] =	ssyncset.done $0x0  }
0x47: {  	[sflag:s26] =	ssyncadd.s32 $0xFFFFE000  }
0x48: {  	_ =	swait.ge [sflag:s26], $0x2000  }
0x49: {  	[sflag:s26] =	ssyncset.done $0x0  }
0x4a: {  	[sflag:s26] =	ssyncadd.s32 $0xFFFFE000  }
0x4b: {  	_ =	swait.ge [sflag:s26], $0x2000  }
0x4c: {  	[sflag:s26] =	ssyncset.done $0x0  }
0x4d: {  	[sflag:s26] =	ssyncadd.s32 $0xFFFFE000  }
0x4e: {  	_ =	swait.ge [sflag:s26], $0x2000  }
0x4f: {  	[sflag:s26] =	ssyncset.done $0x0  }
0x50: {  	[sflag:s26] =	ssyncadd.s32 $0xFFFFE000  }
0x51: {  	_ =	swait.ge [sflag:s26], $0x2000  }
0x52: {  	[sflag:s26] =	ssyncset.done $0x0  }
0x53: {  	[sflag:s26] =	ssyncadd.s32 $0xFFFFE000  }
0x54: {  	_ =	swait.ge [sflag:s26], $0x2000  }
0x55: {  	[sflag:s26] =	ssyncset.done $0x0  }
0x56: {  	[sflag:s26] =	ssyncadd.s32 $0xFFFFE000  }
.Ltmp2:
0x57: {  	_ =	swait.ge [sflag:s26], $0x2000;
	(pc) =	sbr.rel .LBB2_2-.Ltmp2, $4  }
0x58: {  	[sflag:s26] =	ssyncset.done $0x0  }
0x59: {  	[sflag:s26] =	ssyncadd.s32 $0xFFFFE000  }
0x5a: {  	[bflag:$0x0] =	sbarrier.arrive $0xFFFF  }
0x5b: {  	s31 =	smov.u32 s19;
	s0 =	simm.s32 $0x0  }
.LBB2_4:
0x5c: {  	p0 =	seq.s32 s3, $0x2  }
0x5d: {  	p2 =	seq.s32 @p0 s0, $0x4E  }
0x5e: {  	p1 =	por p2, !p0  }
0x5f: {  	s3 =	simm.s32 @!p1 $0x4;
	p3 =	seq.s32 @!p1 s0, $0x0  }
0x60: {  	_ =	swait.ge @!p1 [sflag:s3], $0x100;
	p2 =	por @p0 p3, p2  }
0x61: {  	[sflag:s3] =	ssyncset.done @!p1 $0x0;
	p2 =	por p2, !p0  }
0x62: {  	[sflag:s3] =	ssyncadd.s32 @!p1 $0xFFFFFF00;
	s3 =	simm.s32 @!p2 $0x8  }
0x63: {  	_ =	swait.ge @!p2 [sflag:s3], $0x4000  }
0x64: {  	s21 =	simm.s32 @!p1 $0x300;
	[sflag:s3] =	ssyncset.done @!p2 $0x0  }
0x65: {  	s22 =	simm.s32 @!p1 $0x4400;
	[sflag:s3] =	ssyncadd.s32 @!p2 $0xFFFFC000;
	s3 =	simm.s32 @!p1 $0x80  }
0x66: {  	[tilespmem:s22], [sflag:$0x6] =	stream.indirect.gather @!p1 [hbm4b:s4+s3], $0x80, s21, s3, $0xb8;
	[tilespmem:$0x1E400] =	vst v63  }
0x67: {  	s3 =	simm.s32 @p0 $0x5  }
0x68: {  	s21 =	simm.s32 @p0 $0x280;
	_ =	swait.ge @p0 [sflag:s3], $0x4000  }
0x69: {  	s22 =	simm.s32 @p0 $0x400;
	p1 =	sgt.u32 @p0 s0, $0x4C;
	[sflag:s3] =	ssyncset.done @p0 $0x0  }
0x6a: {  	p1 =	por p1, !p0;
	[sflag:s3] =	ssyncadd.s32 @p0 $0xFFFFC000;
	s3 =	simm.s32 @p0 $0x80  }
0x6b: {  	[spmem:s1] =	stream.indirect.scatter.add.f32 @p0 [tilespmem:s22], [sflag:$0x7], $0x80, s21, s3, $0xb8;
	[tilespmem:$0x1E400] =	vst v63  }
0x6c: {  	p2 =	seq.s32 @!p0 s0, $0x4E;
	s3 =	simm.s32 @!p1 $0x0  }
0x6d: {  	[tilespmem:s3], [sflag:$0x1] =	stream.linear.gather @!p1 [hbm4b:s31+s3], $0x100, $0x38;
	[tilespmem:$0x1E400] =	vst v63  }
0x6e: {  	p1 =	por p2, p0  }
0x6f: {  	s3 =	simm.s32 @!p1 $0x1;
	p3 =	seq.s32 @!p1 s0, $0x0  }
0x70: {  	_ =	swait.ge @!p1 [sflag:s3], $0x100;
	p2 =	por @!p0 p3, p2  }
0x71: {  	[sflag:s3] =	ssyncset.done @!p1 $0x0;
	p2 =	por p2, p0  }
0x72: {  	[sflag:s3] =	ssyncadd.s32 @!p1 $0xFFFFFF00;
	s3 =	simm.s32 @!p2 $0x7  }
0x73: {  	_ =	swait.ge @!p2 [sflag:s3], $0x4000  }
0x74: {  	s21 =	simm.s32 @!p1 $0x0;
	[sflag:s3] =	ssyncset.done @!p2 $0x0  }
0x75: {  	s22 =	simm.s32 @!p1 $0x400;
	[sflag:s3] =	ssyncadd.s32 @!p2 $0xFFFFC000;
	s3 =	simm.s32 @!p1 $0x80  }
0x76: {  	[tilespmem:s22], [sflag:$0x5] =	stream.indirect.gather @!p1 [hbm4b:s4+s3], $0x80, s21, s3, $0xb8;
	[tilespmem:$0x1E400] =	vst v63  }
0x77: {  	s3 =	simm.s32 @!p0 $0x6  }
0x78: {  	_ =	swait.ge @!p0 [sflag:s3], $0x4000  }
0x79: {  	s21 =	simm.s32 @!p0 $0x380;
	s22 =	simm.s32 @!p0 $0x4400;
	[sflag:s3] =	ssyncset.done @!p0 $0x0  }
0x7a: {  	p1 =	sgt.u32 @!p0 s0, $0x4C;
	[sflag:s3] =	ssyncadd.s32 @!p0 $0xFFFFC000;
	s3 =	simm.s32 @!p0 $0x80  }
0x7b: {  	[spmem:s1] =	stream.indirect.scatter.add.f32 @!p0 [tilespmem:s22], [sflag:$0x8], $0x80, s21, s3, $0xb8;
	[tilespmem:$0x1E400] =	vst v63  }
0x7c: {  	p0 =	por p1, p0  }
0x7d: {  	s3 =	simm.s32 @!p0 $0x0;
	s21 =	simm.s32 @!p0 $0x100  }
0x7e: {  	[tilespmem:s21], [sflag:$0x2] =	stream.linear.gather @!p0 [hbm4b:s31+s3], $0x100, $0x38;
	[tilespmem:$0x1E400] =	vst v63  }
.LBB2_5:
0x7f: {  	s0 =	sadd.s32 $0x1, s0  }
0x80: {  	p0 =	sne.s32 s0, $0x4F  }
.Ltmp3:
0x81: {  	_ = 	snop;
	(pc) =	sbr.rel @!p0 .LBB2_6-.Ltmp3, $2  }
0x82: {  	_ =	sdelay $0x2  }
0x83: {  	s31 =	sadd.s32 $0x20, s31  }
.LBB2_2:
0x84: {  	s3 =	sand.u32 $0x3, s0  }
0x85: {  	p0 =	sgt.s32 s3, $0x1  }
.Ltmp4:
0x86: {  	_ = 	snop;
	(pc) =	sbr.rel @p0 .LBB2_4-.Ltmp4, $1  }
0x87: {  	_ =	sdelay $0x3  }
0x88: {  	p0 =	seq.s32 s3, $0x0  }
0x89: {  	p2 =	seq.s32 @p0 s0, $0x4E  }
0x8a: {  	p1 =	por p2, !p0  }
0x8b: {  	s3 =	simm.s32 @!p1 $0x2;
	p3 =	seq.s32 @!p1 s0, $0x0  }
0x8c: {  	_ =	swait.ge @!p1 [sflag:s3], $0x100;
	p2 =	por @p0 p3, p2  }
0x8d: {  	[sflag:s3] =	ssyncset.done @!p1 $0x0;
	p2 =	por p2, !p0  }
0x8e: {  	[sflag:s3] =	ssyncadd.s32 @!p1 $0xFFFFFF00;
	s3 =	simm.s32 @!p2 $0x8  }
0x8f: {  	_ =	swait.ge @!p2 [sflag:s3], $0x4000  }
0x90: {  	s21 =	simm.s32 @!p1 $0x100;
	[sflag:s3] =	ssyncset.done @!p2 $0x0  }
0x91: {  	s22 =	simm.s32 @!p1 $0x4400;
	[sflag:s3] =	ssyncadd.s32 @!p2 $0xFFFFC000;
	s3 =	simm.s32 @!p1 $0x80  }
0x92: {  	[tilespmem:s22], [sflag:$0x6] =	stream.indirect.gather @!p1 [hbm4b:s4+s3], $0x80, s21, s3, $0xb8;
	[tilespmem:$0x1E400] =	vst v63  }
0x93: {  	s3 =	simm.s32 @p0 $0x5  }
0x94: {  	_ =	swait.ge @p0 [sflag:s3], $0x4000  }
0x95: {  	s21 =	simm.s32 @p0 $0x400;
	p1 =	sgt.u32 @p0 s0, $0x4C;
	[sflag:s3] =	ssyncset.done @p0 $0x0  }
0x96: {  	p1 =	por p1, !p0;
	[sflag:s3] =	ssyncadd.s32 @p0 $0xFFFFC000;
	s3 =	simm.s32 @p0 $0x80  }
0x97: {  	[spmem:s1] =	stream.indirect.scatter.add.f32 @p0 [tilespmem:s21], [sflag:$0x7], $0x80, s3, s3, $0xb8;
	[tilespmem:$0x1E400] =	vst v63  }
0x98: {  	p2 =	seq.s32 @!p0 s0, $0x4E;
	s3 =	simm.s32 @!p1 $0x0;
	s21 =	simm.s32 @!p1 $0x200  }
0x99: {  	[tilespmem:s21], [sflag:$0x3] =	stream.linear.gather @!p1 [hbm4b:s31+s3], $0x100, $0x38;
	[tilespmem:$0x1E400] =	vst v63  }
0x9a: {  	p1 =	por p2, p0  }
0x9b: {  	s3 =	simm.s32 @!p1 $0x3;
	p3 =	seq.s32 @!p1 s0, $0x0  }
0x9c: {  	_ =	swait.ge @!p1 [sflag:s3], $0x100;
	p2 =	por @!p0 p3, p2  }
0x9d: {  	[sflag:s3] =	ssyncset.done @!p1 $0x0;
	p2 =	por p2, p0  }
0x9e: {  	[sflag:s3] =	ssyncadd.s32 @!p1 $0xFFFFFF00;
	s3 =	simm.s32 @!p2 $0x7  }
0x9f: {  	_ =	swait.ge @!p2 [sflag:s3], $0x4000  }
0xa0: {  	s21 =	simm.s32 @!p1 $0x200;
	[sflag:s3] =	ssyncset.done @!p2 $0x0  }
0xa1: {  	s22 =	simm.s32 @!p1 $0x400;
	[sflag:s3] =	ssyncadd.s32 @!p2 $0xFFFFC000;
	s3 =	simm.s32 @!p1 $0x80  }
0xa2: {  	[tilespmem:s22], [sflag:$0x5] =	stream.indirect.gather @!p1 [hbm4b:s4+s3], $0x80, s21, s3, $0xb8;
	[tilespmem:$0x1E400] =	vst v63  }
0xa3: {  	s3 =	simm.s32 @!p0 $0x6  }
0xa4: {  	s21 =	simm.s32 @!p0 $0x180;
	_ =	swait.ge @!p0 [sflag:s3], $0x4000  }
0xa5: {  	s22 =	simm.s32 @!p0 $0x4400;
	p1 =	sgt.u32 @!p0 s0, $0x4C;
	[sflag:s3] =	ssyncset.done @!p0 $0x0  }
.Ltmp5:
0xa6: {  	[sflag:s3] =	ssyncadd.s32 @!p0 $0xFFFFC000;
	s3 =	simm.s32 @!p0 $0x80;
	(pc) =	sbr.rel .LBB2_5-.Ltmp5, $4  }
0xa7: {  	[spmem:s1] =	stream.indirect.scatter.add.f32 @!p0 [tilespmem:s22], [sflag:$0x8], $0x80, s21, s3, $0xb8;
	[tilespmem:$0x1E400] =	vst v63  }
0xa8: {  	p0 =	por p1, p0  }
0xa9: {  	s3 =	simm.s32 @!p0 $0x0;
	s21 =	simm.s32 @!p0 $0x300  }
0xaa: {  	[tilespmem:s21], [sflag:$0x4] =	stream.linear.gather @!p0 [hbm4b:s31+s3], $0x100, $0x38;
	[tilespmem:$0x1E400] =	vst v63  }
.LBB2_7:
0xab: {  	_ =	sfence.sel $0x180000  }
0xac: {  	[bflag:$0x0] =	sbarrier.arrive $0xFFFF  }
0xad: {  	_ =	strace $0x90000047  }
0xae: {  	s0 =	stileid.u32;
	[bflag:$0x2] =	sbarrier.arrive $0xFFFF  }
0xaf: {  	p0 =	sne.s32 s0, $0x0;
	s0 =	rddreg [dreg:$0x3]  }
0xb0: {  	s0 =	sadd.s32 @!p0 $0x100000, s0  }
0xb1: {  	[sflag:s0] =	ssyncadd.tile.s32 @!p0 $0x1;
	_ =	shalt  }
.Lfunc_end2:
_tile_overlayer_lowered:
.L_overlay_start_2:
0xb2: {  	(tag) =	ssettag $0x2  }
0xb3: {  	s0 =	rddreg [dreg:$0x0];
	s2 =	stileid.u32  }
0xb4: {  	s1 =	rddreg [dreg:$0x1];
	p0 =	sne.s32 s2, $0x0  }
0xb5: {  	s3 =	rddreg [dreg:$0x2];
	[bflag:$0x3] =	sbarrier.arrive $0xFFFF;
	s2 =	simm.s32 @!p0 $0x1C0A  }
0xb6: {  	[timem:s3], [sflag:s2] =	dma.local @!p0 [hbm:s0], s1  }
0xb7: {  	s0 =	simm.s32 @!p0 $0xA  }
0xb8: {  	_ =	swait.ge @!p0 [sflag:s0], s1  }
0xb9: {  	s1 =	ssub.s32 @!p0 $0x0, s1;
	[sflag:s0] =	ssyncset.done @!p0 $0x0  }
0xba: {  	[sflag:s0] =	ssyncadd.s32 @!p0 s1  }
0xbb: {  	[bflag:$0x3] =	sbarrier.arrive $0xFFFF  }
0xbc: {  	_ =	shalt  }

</sc_bundles>
